<compile_context>
chip_gen: v7x
topology: tpu7x:2x2x1
jax: 0.10.2.dev20260603
libtpu: 0.0.44.dev20260713+nightly
codegen_flags: <defaults>
</compile_context>

<pallas_src>
import functools

import jax
import jax.numpy as jnp
from jax import lax
from jax.experimental import pallas as pl
from jax.experimental.pallas import tpu as pltpu
from jax.experimental.pallas import tpu_sc as plsc

SIZE = 128
VEC = SIZE * (SIZE + 1) // 2
L = 16
NCHUNK = SIZE // L


def _softplus16(x):
    y = jnp.exp(-jnp.abs(x))
    w = y / (2.0 + y)
    w2 = w * w
    p = 1.0 / 7.0 + w2 * (1.0 / 9.0)
    p = 1.0 / 5.0 + w2 * p
    p = 1.0 / 3.0 + w2 * p
    log1p = 2.0 * w * (1.0 + w2 * p)
    return jnp.maximum(x, 0.0) + log1p


def _sc_body(per_worker, v_hbm, out_hbm, v_buf0, v_buf1, o_buf0, o_buf1,
             in_sem0, in_sem1, out_sem0, out_sem1):
    info = plsc.get_sparse_core_info()
    nc = info.num_cores
    wid = lax.axis_index("s") * nc + lax.axis_index("c")
    base = wid * per_worker
    iota = lax.iota(jnp.int32, L)
    v_bufs = (v_buf0, v_buf1)
    o_bufs = (o_buf0, o_buf1)
    in_sems = (in_sem0, in_sem1)
    out_sems = (out_sem0, out_sem1)

    def in_copy(t, p):
        return pltpu.make_async_copy(v_hbm.at[base + t], v_bufs[p], in_sems[p])

    def out_copy(t, p):
        return pltpu.make_async_copy(o_bufs[p], out_hbm.at[base + t],
                                     out_sems[p])

    zero = jnp.zeros((L,), jnp.float32)

    def zrow(i, _):
        for p in range(2):
            for jv in range(NCHUNK):
                o_bufs[p][i, pl.ds(jv * L, L)] = zero
        return 0

    lax.fori_loop(0, SIZE, zrow, 0)

    def compute(p):
        vb = v_bufs[p]
        ob = o_bufs[p]

        for jv in range(NCHUNK - 1):
            c0v = iota + jv * L

            @plsc.parallel_loop(L * (jv + 1), SIZE, unroll=16)
            def _full(i):
                tri = (i * (i + 1)) >> 1
                seg = plsc.load_gather(vb, [tri + c0v])
                ob[i, pl.ds(jv * L, L)] = seg

        @plsc.parallel_loop(0, SIZE, unroll=8)
        def _band(i):
            tri = (i * (i + 1)) >> 1
            c0 = pl.multiple_of((i >> 4) * L, L)
            seg = plsc.load_gather(vb, [tri + c0 + iota])
            ob[i, pl.ds(c0, L)] = jnp.where(iota < (i & (L - 1)), seg, 0.0)

        for c in range(NCHUNK):
            ivec = iota + c * L
            src = (ivec * (ivec + 3)) >> 1
            x = plsc.load_gather(vb, [src])
            plsc.store_scatter(ob, [ivec, ivec], _softplus16(x))

    in_copy(0, 0).start()
    in_copy(1, 1).start()

    def outer(tt, _):
        for p in range(2):
            t = tt * 2 + p
            in_copy(t, p).wait()

            @pl.when(t >= 2)
            def _wait_out():
                out_copy(t - 2, p).wait()

            compute(p)
            out_copy(t, p).start()

            @pl.when(t + 2 < per_worker)
            def _next_in():
                in_copy(t + 2, p).start()
        return 0

    lax.fori_loop(0, per_worker // 2, outer, 0)
    out_copy(per_worker - 2, 0).wait()
    out_copy(per_worker - 1, 1).wait()


def kernel(L_vec):
    batch = L_vec.shape[0]
    info = plsc.get_sparse_core_info()
    n_workers = info.num_cores * info.num_subcores
    per_worker = batch // n_workers
    mesh = plsc.VectorSubcoreMesh(core_axis_name="c", subcore_axis_name="s")
    k = functools.partial(
        pl.kernel,
        out_type=jax.ShapeDtypeStruct((batch, SIZE, SIZE), jnp.float32),
        mesh=mesh,
        compiler_params=pltpu.CompilerParams(
            needs_layout_passes=False, disable_bounds_checks=True),
        scratch_types=[
            pltpu.VMEM((VEC,), jnp.float32),
            pltpu.VMEM((VEC,), jnp.float32),
            pltpu.VMEM((SIZE, SIZE), jnp.float32),
            pltpu.VMEM((SIZE, SIZE), jnp.float32),
            pltpu.SemaphoreType.DMA,
            pltpu.SemaphoreType.DMA,
            pltpu.SemaphoreType.DMA,
            pltpu.SemaphoreType.DMA,
        ],
    )(functools.partial(_sc_body, per_worker))
    return k(L_vec)

# --- scband reference (transcript-rebuilt; emitter-appended) ---
"""Pipeline reference for scband-cholesky-10273561772057 (READ-ONLY COPY).

The authoritative reference and input builder live on the scoring server;
editing this copy changes nothing except your own understanding.
"""

import jax, jax.numpy as jnp
import numpy as np

BATCH = 4096
VEC = 8256

def setup_inputs(seed: int = 0) -> dict:
    key = jax.random.key(seed)
    L_vec = jax.random.normal(key, (BATCH, VEC), dtype=jnp.float32)
    return {"L_vec": L_vec}

def reference(L_vec):
    n = L_vec.shape[1]
    size = int(-0.5 + (1 + 8 * n) ** 0.5 / 2)
    batch = L_vec.shape[0]
    i, j = np.tril_indices(size)
    L = jnp.zeros((batch, size, size), dtype=L_vec.dtype)
    L = L.at[:, i, j].add(L_vec)
    L_below = jnp.tril(L, k=-1)
    L_diag = jnp.diagonal(L, axis1=-2, axis2=-1)
    L_diag = jax.nn.softplus(L_diag)
    d = jnp.arange(size)
    L_diag_embed = jnp.zeros((batch, size, size), dtype=L_vec.dtype).at[:, d, d].set(L_diag)
    L = L_diag_embed + L_below
    u, v = np.triu_indices(size, k=1)
    L = L.at[:, u, v].set(0.0)
    return L

if __name__ == "__main__":
    import jax
    _d = setup_inputs()
    print(jax.jit(kernel)(*tuple(_d.values())))

</pallas_src>

<mosaic_0001>
#map = affine_map<(d0, d1) -> (0, 0)>
#map1 = affine_map<(d0, d1) -> (0, 0, 0)>
module attributes {stable_mosaic.version = 14 : i64} {
  func.func @_sc_body(%arg0: i32, %arg1: i32, %arg2: memref<4096x8256xf32, #tpu.memory_space<hbm>>, %arg3: memref<4096x128x128xf32, #tpu.memory_space<hbm>>, %arg4: memref<8256xf32, #tpu.memory_space<vmem>>, %arg5: memref<8256xf32, #tpu.memory_space<vmem>>, %arg6: memref<128x128xf32, #tpu.memory_space<vmem>>, %arg7: memref<128x128xf32, #tpu.memory_space<vmem>>, %arg8: memref<!tpu.dma_semaphore, #tpu.memory_space<semaphore_mem>>, %arg9: memref<!tpu.dma_semaphore, #tpu.memory_space<semaphore_mem>>, %arg10: memref<!tpu.dma_semaphore, #tpu.memory_space<semaphore_mem>>, %arg11: memref<!tpu.dma_semaphore, #tpu.memory_space<semaphore_mem>>) attributes {dimension_semantics = [#tpu.dimension_semantics<core_parallel>, #tpu.dimension_semantics<subcore_parallel>], iteration_bounds = array<i64: 2, 16>, scalar_prefetch = 0 : i64, scratch_operands = 8 : i64, tpu.core_type = #tpu.core_type<sc_vector_subcore>, window_params = [{transform_indices = #map}, {transform_indices = #map1}]} {
    %mul3A = arith.constant 2 : i32
    %mul3A_0 = arith.muli %arg1, %mul3A : i32
    %add3A = arith.addi %mul3A_0, %arg0 : i32
    %mul3A_1 = arith.constant 128 : i32
    %mul3A_2 = arith.muli %add3A, %mul3A_1 : i32
    %iota3A = tpu.iota {dimensions = array<i32: 0>} : vector<16xi32>
    %broadcast_in_dim3A = arith.constant 0.000000e+00 : f32
    %broadcast_in_dim3A_3 = vector.broadcast %broadcast_in_dim3A : f32 to vector<16xf32>
    %scan3A = arith.constant 0 : i32
    %scan3A_4 = arith.constant 0 : i32
    %scan3A_5 = arith.constant 128 : i32
    %scan3A_6 = arith.addi %scan3A_4, %scan3A_5 : i32
    %scan3A_7 = arith.constant 1 : i32
    %scan3A_8 = scf.for %scan3A_51 = %scan3A_4 to %scan3A_6 step %scan3A_7 iter_args(%scan3A_52 = %scan3A) -> (i32)  : i32 {
      %swap3A = arith.index_cast %scan3A_51 : i32 to index
      %swap3A_53 = arith.constant 0 : index
      %swap3A_54 = tpu.vector_load %arg6[%swap3A, %swap3A_53] {strides = array<i32>} : memref<128x128xf32, #tpu.memory_space<vmem>>, vector<16xf32>,
      tpu.vector_store %arg6[%swap3A, %swap3A_53], %broadcast_in_dim3A_3 {strides = array<i32>} : memref<128x128xf32, #tpu.memory_space<vmem>>, vector<16xf32>,
      %swap3A_55 = arith.index_cast %scan3A_51 : i32 to index
      %swap3A_56 = arith.constant 16 : index
      %swap3A_57 = tpu.vector_load %arg6[%swap3A_55, %swap3A_56] {strides = array<i32>} : memref<128x128xf32, #tpu.memory_space<vmem>>, vector<16xf32>,
      tpu.vector_store %arg6[%swap3A_55, %swap3A_56], %broadcast_in_dim3A_3 {strides = array<i32>} : memref<128x128xf32, #tpu.memory_space<vmem>>, vector<16xf32>,
      %swap3A_58 = arith.index_cast %scan3A_51 : i32 to index
      %swap3A_59 = arith.constant 32 : index
      %swap3A_60 = tpu.vector_load %arg6[%swap3A_58, %swap3A_59] {strides = array<i32>} : memref<128x128xf32, #tpu.memory_space<vmem>>, vector<16xf32>,
      tpu.vector_store %arg6[%swap3A_58, %swap3A_59], %broadcast_in_dim3A_3 {strides = array<i32>} : memref<128x128xf32, #tpu.memory_space<vmem>>, vector<16xf32>,
      %swap3A_61 = arith.index_cast %scan3A_51 : i32 to index
      %swap3A_62 = arith.constant 48 : index
      %swap3A_63 = tpu.vector_load %arg6[%swap3A_61, %swap3A_62] {strides = array<i32>} : memref<128x128xf32, #tpu.memory_space<vmem>>, vector<16xf32>,
      tpu.vector_store %arg6[%swap3A_61, %swap3A_62], %broadcast_in_dim3A_3 {strides = array<i32>} : memref<128x128xf32, #tpu.memory_space<vmem>>, vector<16xf32>,
      %swap3A_64 = arith.index_cast %scan3A_51 : i32 to index
      %swap3A_65 = arith.constant 64 : index
      %swap3A_66 = tpu.vector_load %arg6[%swap3A_64, %swap3A_65] {strides = array<i32>} : memref<128x128xf32, #tpu.memory_space<vmem>>, vector<16xf32>,
      tpu.vector_store %arg6[%swap3A_64, %swap3A_65], %broadcast_in_dim3A_3 {strides = array<i32>} : memref<128x128xf32, #tpu.memory_space<vmem>>, vector<16xf32>,
      %swap3A_67 = arith.index_cast %scan3A_51 : i32 to index
      %swap3A_68 = arith.constant 80 : index
      %swap3A_69 = tpu.vector_load %arg6[%swap3A_67, %swap3A_68] {strides = array<i32>} : memref<128x128xf32, #tpu.memory_space<vmem>>, vector<16xf32>,
      tpu.vector_store %arg6[%swap3A_67, %swap3A_68], %broadcast_in_dim3A_3 {strides = array<i32>} : memref<128x128xf32, #tpu.memory_space<vmem>>, vector<16xf32>,
      %swap3A_70 = arith.index_cast %scan3A_51 : i32 to index
      %swap3A_71 = arith.constant 96 : index
      %swap3A_72 = tpu.vector_load %arg6[%swap3A_70, %swap3A_71] {strides = array<i32>} : memref<128x128xf32, #tpu.memory_space<vmem>>, vector<16xf32>,
      tpu.vector_store %arg6[%swap3A_70, %swap3A_71], %broadcast_in_dim3A_3 {strides = array<i32>} : memref<128x128xf32, #tpu.memory_space<vmem>>, vector<16xf32>,
      %swap3A_73 = arith.index_cast %scan3A_51 : i32 to index
      %swap3A_74 = arith.constant 112 : index
      %swap3A_75 = tpu.vector_load %arg6[%swap3A_73, %swap3A_74] {strides = array<i32>} : memref<128x128xf32, #tpu.memory_space<vmem>>, vector<16xf32>,
      tpu.vector_store %arg6[%swap3A_73, %swap3A_74], %broadcast_in_dim3A_3 {strides = array<i32>} : memref<128x128xf32, #tpu.memory_space<vmem>>, vector<16xf32>,
      %swap3A_76 = arith.index_cast %scan3A_51 : i32 to index
      %swap3A_77 = arith.constant 0 : index
      %swap3A_78 = tpu.vector_load %arg7[%swap3A_76, %swap3A_77] {strides = array<i32>} : memref<128x128xf32, #tpu.memory_space<vmem>>, vector<16xf32>,
      tpu.vector_store %arg7[%swap3A_76, %swap3A_77], %broadcast_in_dim3A_3 {strides = array<i32>} : memref<128x128xf32, #tpu.memory_space<vmem>>, vector<16xf32>,
      %swap3A_79 = arith.index_cast %scan3A_51 : i32 to index
      %swap3A_80 = arith.constant 16 : index
      %swap3A_81 = tpu.vector_load %arg7[%swap3A_79, %swap3A_80] {strides = array<i32>} : memref<128x128xf32, #tpu.memory_space<vmem>>, vector<16xf32>,
      tpu.vector_store %arg7[%swap3A_79, %swap3A_80], %broadcast_in_dim3A_3 {strides = array<i32>} : memref<128x128xf32, #tpu.memory_space<vmem>>, vector<16xf32>,
      %swap3A_82 = arith.index_cast %scan3A_51 : i32 to index
      %swap3A_83 = arith.constant 32 : index
      %swap3A_84 = tpu.vector_load %arg7[%swap3A_82, %swap3A_83] {strides = array<i32>} : memref<128x128xf32, #tpu.memory_space<vmem>>, vector<16xf32>,
      tpu.vector_store %arg7[%swap3A_82, %swap3A_83], %broadcast_in_dim3A_3 {strides = array<i32>} : memref<128x128xf32, #tpu.memory_space<vmem>>, vector<16xf32>,
      %swap3A_85 = arith.index_cast %scan3A_51 : i32 to index
      %swap3A_86 = arith.constant 48 : index
      %swap3A_87 = tpu.vector_load %arg7[%swap3A_85, %swap3A_86] {strides = array<i32>} : memref<128x128xf32, #tpu.memory_space<vmem>>, vector<16xf32>,
      tpu.vector_store %arg7[%swap3A_85, %swap3A_86], %broadcast_in_dim3A_3 {strides = array<i32>} : memref<128x128xf32, #tpu.memory_space<vmem>>, vector<16xf32>,
      %swap3A_88 = arith.index_cast %scan3A_51 : i32 to index
      %swap3A_89 = arith.constant 64 : index
      %swap3A_90 = tpu.vector_load %arg7[%swap3A_88, %swap3A_89] {strides = array<i32>} : memref<128x128xf32, #tpu.memory_space<vmem>>, vector<16xf32>,
      tpu.vector_store %arg7[%swap3A_88, %swap3A_89], %broadcast_in_dim3A_3 {strides = array<i32>} : memref<128x128xf32, #tpu.memory_space<vmem>>, vector<16xf32>,
      %swap3A_91 = arith.index_cast %scan3A_51 : i32 to index
      %swap3A_92 = arith.constant 80 : index
      %swap3A_93 = tpu.vector_load %arg7[%swap3A_91, %swap3A_92] {strides = array<i32>} : memref<128x128xf32, #tpu.memory_space<vmem>>, vector<16xf32>,
      tpu.vector_store %arg7[%swap3A_91, %swap3A_92], %broadcast_in_dim3A_3 {strides = array<i32>} : memref<128x128xf32, #tpu.memory_space<vmem>>, vector<16xf32>,
      %swap3A_94 = arith.index_cast %scan3A_51 : i32 to index
      %swap3A_95 = arith.constant 96 : index
      %swap3A_96 = tpu.vector_load %arg7[%swap3A_94, %swap3A_95] {strides = array<i32>} : memref<128x128xf32, #tpu.memory_space<vmem>>, vector<16xf32>,
      tpu.vector_store %arg7[%swap3A_94, %swap3A_95], %broadcast_in_dim3A_3 {strides = array<i32>} : memref<128x128xf32, #tpu.memory_space<vmem>>, vector<16xf32>,
      %swap3A_97 = arith.index_cast %scan3A_51 : i32 to index
      %swap3A_98 = arith.constant 112 : index
      %swap3A_99 = tpu.vector_load %arg7[%swap3A_97, %swap3A_98] {strides = array<i32>} : memref<128x128xf32, #tpu.memory_space<vmem>>, vector<16xf32>,
      tpu.vector_store %arg7[%swap3A_97, %swap3A_98], %broadcast_in_dim3A_3 {strides = array<i32>} : memref<128x128xf32, #tpu.memory_space<vmem>>, vector<16xf32>,
      %scan3A_100 = arith.constant 0 : i32
      scf.yield %scan3A_100 : i32
    }
    %scan3A_9 = arith.constant 128 : i32
    %add3A_10 = arith.constant 0 : i32
    %add3A_11 = arith.addi %mul3A_2, %add3A_10 : i32
    %dma_start3A = arith.constant 0 : i32
    %dma_start3A_12 = tpu.memref_slice %arg2[%add3A_11, %dma_start3A] : memref<4096x8256xf32, #tpu.memory_space<hbm>> -> memref<1x8256xf32, #tpu.memory_space<hbm>>
    %dma_start3A_13 = tpu.memref_squeeze %dma_start3A_12 : memref<1x8256xf32, #tpu.memory_space<hbm>> -> memref<8256xf32, #tpu.memory_space<hbm>>
    %dma_start3A_14 = arith.constant 0 : i32
    %dma_start3A_15 = tpu.memref_slice %arg2[%add3A_11, %dma_start3A_14] : memref<4096x8256xf32, #tpu.memory_space<hbm>> -> memref<1x8256xf32, #tpu.memory_space<hbm>>
    %dma_start3A_16 = tpu.memref_squeeze %dma_start3A_15 : memref<1x8256xf32, #tpu.memory_space<hbm>> -> memref<8256xf32, #tpu.memory_space<hbm>>
    tpu.enqueue_dma source(%dma_start3A_16 : memref<8256xf32, #tpu.memory_space<hbm>>) target(%arg4 : memref<8256xf32, #tpu.memory_space<vmem>>) target_semaphore(%arg8 : memref<!tpu.dma_semaphore, #tpu.memory_space<semaphore_mem>>)
    %add3A_17 = arith.constant 1 : i32
    %add3A_18 = arith.addi %mul3A_2, %add3A_17 : i32
    %dma_start3A_19 = arith.constant 0 : i32
    %dma_start3A_20 = tpu.memref_slice %arg2[%add3A_18, %dma_start3A_19] : memref<4096x8256xf32, #tpu.memory_space<hbm>> -> memref<1x8256xf32, #tpu.memory_space<hbm>>
    %dma_start3A_21 = tpu.memref_squeeze %dma_start3A_20 : memref<1x8256xf32, #tpu.memory_space<hbm>> -> memref<8256xf32, #tpu.memory_space<hbm>>
    %dma_start3A_22 = arith.constant 0 : i32
    %dma_start3A_23 = tpu.memref_slice %arg2[%add3A_18, %dma_start3A_22] : memref<4096x8256xf32, #tpu.memory_space<hbm>> -> memref<1x8256xf32, #tpu.memory_space<hbm>>
    %dma_start3A_24 = tpu.memref_squeeze %dma_start3A_23 : memref<1x8256xf32, #tpu.memory_space<hbm>> -> memref<8256xf32, #tpu.memory_space<hbm>>
    tpu.enqueue_dma source(%dma_start3A_24 : memref<8256xf32, #tpu.memory_space<hbm>>) target(%arg5 : memref<8256xf32, #tpu.memory_space<vmem>>) target_semaphore(%arg9 : memref<!tpu.dma_semaphore, #tpu.memory_space<semaphore_mem>>)
    %scan3A_25 = arith.constant 0 : i32
    %scan3A_26 = arith.constant 0 : i32
    %scan3A_27 = arith.constant 64 : i32
    %scan3A_28 = arith.addi %scan3A_26, %scan3A_27 : i32
    %scan3A_29 = arith.constant 1 : i32
    %scan3A_30 = scf.for %scan3A_51 = %scan3A_26 to %scan3A_28 step %scan3A_29 iter_args(%scan3A_52 = %scan3A_25) -> (i32)  : i32 {
      %mul3A_53 = arith.constant 2 : i32
      %mul3A_54 = arith.muli %scan3A_51, %mul3A_53 : i32
      %add3A_55 = arith.constant 0 : i32
      %add3A_56 = arith.addi %mul3A_54, %add3A_55 : i32
      %add3A_57 = arith.addi %mul3A_2, %add3A_56 : i32
      %dma_wait3A_58 = arith.constant 0 : i32
      %dma_wait3A_59 = tpu.memref_slice %arg2[%add3A_57, %dma_wait3A_58] : memref<4096x8256xf32, #tpu.memory_space<hbm>> -> memref<1x8256xf32, #tpu.memory_space<hbm>>
      %dma_wait3A_60 = tpu.memref_squeeze %dma_wait3A_59 : memref<1x8256xf32, #tpu.memory_space<hbm>> -> memref<8256xf32, #tpu.memory_space<hbm>>
      %dma_wait3A_61 = arith.constant 0 : i32
      %dma_wait3A_62 = tpu.memref_slice %arg2[%add3A_57, %dma_wait3A_61] : memref<4096x8256xf32, #tpu.memory_space<hbm>> -> memref<1x8256xf32, #tpu.memory_space<hbm>>
      %dma_wait3A_63 = tpu.memref_squeeze %dma_wait3A_62 : memref<1x8256xf32, #tpu.memory_space<hbm>> -> memref<8256xf32, #tpu.memory_space<hbm>>
      tpu.wait_dma2 semaphore(%arg8 : memref<!tpu.dma_semaphore, #tpu.memory_space<semaphore_mem>>) src(%dma_wait3A_63 : memref<8256xf32, #tpu.memory_space<hbm>>) dst(%arg4 : memref<8256xf32, #tpu.memory_space<vmem>>)
      %ge3A = arith.constant 2 : i32
      %ge3A_64 = arith.cmpi sge, %add3A_56, %ge3A : i32
      %convert_element_type3A = arith.extui %ge3A_64 : i1 to i32
      %cond3A = arith.constant 0 : i32
      %cond3A_65 = arith.cmpi ne, %convert_element_type3A, %cond3A : i32
      scf.if %cond3A_65 {
        %sub3A = arith.constant 2 : i32
        %sub3A_948 = arith.subi %add3A_56, %sub3A : i32
        %add3A_949 = arith.addi %mul3A_2, %sub3A_948 : i32
        %dma_wait3A_950 = arith.constant 0 : i32
        %dma_wait3A_951 = arith.constant 0 : i32
        %dma_wait3A_952 = tpu.memref_slice %arg3[%add3A_949, %dma_wait3A_950, %dma_wait3A_951] : memref<4096x128x128xf32, #tpu.memory_space<hbm>> -> memref<1x128x128xf32, #tpu.memory_space<hbm>>
        %dma_wait3A_953 = tpu.memref_squeeze %dma_wait3A_952 : memref<1x128x128xf32, #tpu.memory_space<hbm>> -> memref<128x128xf32, #tpu.memory_space<hbm>>
        %dma_wait3A_954 = arith.constant 0 : i32
        %dma_wait3A_955 = arith.constant 0 : i32
        %dma_wait3A_956 = tpu.memref_slice %arg3[%add3A_949, %dma_wait3A_954, %dma_wait3A_955] : memref<4096x128x128xf32, #tpu.memory_space<hbm>> -> memref<1x128x128xf32, #tpu.memory_space<hbm>>
        %dma_wait3A_957 = tpu.memref_squeeze %dma_wait3A_956 : memref<1x128x128xf32, #tpu.memory_space<hbm>> -> memref<128x128xf32, #tpu.memory_space<hbm>>
        tpu.wait_dma2 semaphore(%arg10 : memref<!tpu.dma_semaphore, #tpu.memory_space<semaphore_mem>>) src(%arg6 : memref<128x128xf32, #tpu.memory_space<vmem>>) dst(%dma_wait3A_957 : memref<128x128xf32, #tpu.memory_space<hbm>>)
      } else {
      }
      %add3A_66 = arith.constant 0 : i32
      %add3A_67 = vector.broadcast %add3A_66 : i32 to vector<16xi32>
      %add3A_68 = arith.addi %iota3A, %add3A_67 : vector<16xi32>
      %parallel_loop3A = arith.constant 16 : i32
      %parallel_loop3A_69 = arith.constant 128 : i32
      %parallel_loop3A_70 = arith.constant 1 : i32
      scf.for %parallel_loop3A_948 = %parallel_loop3A to %parallel_loop3A_69 step %parallel_loop3A_70  : i32 {
        %parallel_loop3A_949 = arith.constant 1 : i32
        %parallel_loop3A_950 = arith.addi %parallel_loop3A_948, %parallel_loop3A_949 : i32
        %parallel_loop3A_951 = arith.muli %parallel_loop3A_948, %parallel_loop3A_950 : i32
        %parallel_loop3A_952 = arith.constant 1 : i32
        %parallel_loop3A_953 = arith.shrsi %parallel_loop3A_951, %parallel_loop3A_952 : i32
        %parallel_loop3A_954 = vector.broadcast %parallel_loop3A_953 : i32 to vector<16xi32>
        %parallel_loop3A_955 = arith.addi %parallel_loop3A_954, %add3A_68 : vector<16xi32>
        %parallel_loop3A_956 = tpu.vector_load_idx %arg4[%parallel_loop3A_955] : memref<8256xf32, #tpu.memory_space<vmem>>[vector<16xi32>], vector<16xf32>,
        %parallel_loop3A_957 = arith.index_cast %parallel_loop3A_948 : i32 to index
        %parallel_loop3A_958 = arith.constant 0 : index
        %parallel_loop3A_959 = tpu.vector_load %arg6[%parallel_loop3A_957, %parallel_loop3A_958] {strides = array<i32>} : memref<128x128xf32, #tpu.memory_space<vmem>>, vector<16xf32>,
        tpu.vector_store %arg6[%parallel_loop3A_957, %parallel_loop3A_958], %parallel_loop3A_956 {strides = array<i32>} : memref<128x128xf32, #tpu.memory_space<vmem>>, vector<16xf32>,
      } {sc.loop_unroll_factor = 16 : i64, sc.parallel_access}
      %add3A_71 = arith.constant 16 : i32
      %add3A_72 = vector.broadcast %add3A_71 : i32 to vector<16xi32>
      %add3A_73 = arith.addi %iota3A, %add3A_72 : vector<16xi32>
      %parallel_loop3A_74 = arith.constant 32 : i32
      %parallel_loop3A_75 = arith.constant 128 : i32
      %parallel_loop3A_76 = arith.constant 1 : i32
      scf.for %parallel_loop3A_948 = %parallel_loop3A_74 to %parallel_loop3A_75 step %parallel_loop3A_76  : i32 {
        %parallel_loop3A_949 = arith.constant 1 : i32
        %parallel_loop3A_950 = arith.addi %parallel_loop3A_948, %parallel_loop3A_949 : i32
        %parallel_loop3A_951 = arith.muli %parallel_loop3A_948, %parallel_loop3A_950 : i32
        %parallel_loop3A_952 = arith.constant 1 : i32
        %parallel_loop3A_953 = arith.shrsi %parallel_loop3A_951, %parallel_loop3A_952 : i32
        %parallel_loop3A_954 = vector.broadcast %parallel_loop3A_953 : i32 to vector<16xi32>
        %parallel_loop3A_955 = arith.addi %parallel_loop3A_954, %add3A_73 : vector<16xi32>
        %parallel_loop3A_956 = tpu.vector_load_idx %arg4[%parallel_loop3A_955] : memref<8256xf32, #tpu.memory_space<vmem>>[vector<16xi32>], vector<16xf32>,
        %parallel_loop3A_957 = arith.index_cast %parallel_loop3A_948 : i32 to index
        %parallel_loop3A_958 = arith.constant 16 : index
        %parallel_loop3A_959 = tpu.vector_load %arg6[%parallel_loop3A_957, %parallel_loop3A_958] {strides = array<i32>} : memref<128x128xf32, #tpu.memory_space<vmem>>, vector<16xf32>,
        tpu.vector_store %arg6[%parallel_loop3A_957, %parallel_loop3A_958], %parallel_loop3A_956 {strides = array<i32>} : memref<128x128xf32, #tpu.memory_space<vmem>>, vector<16xf32>,
      } {sc.loop_unroll_factor = 16 : i64, sc.parallel_access}
      %add3A_77 = arith.constant 32 : i32
      %add3A_78 = vector.broadcast %add3A_77 : i32 to vector<16xi32>
      %add3A_79 = arith.addi %iota3A, %add3A_78 : vector<16xi32>
      %parallel_loop3A_80 = arith.constant 48 : i32
      %parallel_loop3A_81 = arith.constant 128 : i32
      %parallel_loop3A_82 = arith.constant 1 : i32
      scf.for %parallel_loop3A_948 = %parallel_loop3A_80 to %parallel_loop3A_81 step %parallel_loop3A_82  : i32 {
        %parallel_loop3A_949 = arith.constant 1 : i32
        %parallel_loop3A_950 = arith.addi %parallel_loop3A_948, %parallel_loop3A_949 : i32
        %parallel_loop3A_951 = arith.muli %parallel_loop3A_948, %parallel_loop3A_950 : i32
        %parallel_loop3A_952 = arith.constant 1 : i32
        %parallel_loop3A_953 = arith.shrsi %parallel_loop3A_951, %parallel_loop3A_952 : i32
        %parallel_loop3A_954 = vector.broadcast %parallel_loop3A_953 : i32 to vector<16xi32>
        %parallel_loop3A_955 = arith.addi %parallel_loop3A_954, %add3A_79 : vector<16xi32>
        %parallel_loop3A_956 = tpu.vector_load_idx %arg4[%parallel_loop3A_955] : memref<8256xf32, #tpu.memory_space<vmem>>[vector<16xi32>], vector<16xf32>,
        %parallel_loop3A_957 = arith.index_cast %parallel_loop3A_948 : i32 to index
        %parallel_loop3A_958 = arith.constant 32 : index
        %parallel_loop3A_959 = tpu.vector_load %arg6[%parallel_loop3A_957, %parallel_loop3A_958] {strides = array<i32>} : memref<128x128xf32, #tpu.memory_space<vmem>>, vector<16xf32>,
        tpu.vector_store %arg6[%parallel_loop3A_957, %parallel_loop3A_958], %parallel_loop3A_956 {strides = array<i32>} : memref<128x128xf32, #tpu.memory_space<vmem>>, vector<16xf32>,
      } {sc.loop_unroll_factor = 16 : i64, sc.parallel_access}
      %add3A_83 = arith.constant 48 : i32
      %add3A_84 = vector.broadcast %add3A_83 : i32 to vector<16xi32>
      %add3A_85 = arith.addi %iota3A, %add3A_84 : vector<16xi32>
      %parallel_loop3A_86 = arith.constant 64 : i32
      %parallel_loop3A_87 = arith.constant 128 : i32
      %parallel_loop3A_88 = arith.constant 1 : i32
      scf.for %parallel_loop3A_948 = %parallel_loop3A_86 to %parallel_loop3A_87 step %parallel_loop3A_88  : i32 {
        %parallel_loop3A_949 = arith.constant 1 : i32
        %parallel_loop3A_950 = arith.addi %parallel_loop3A_948, %parallel_loop3A_949 : i32
        %parallel_loop3A_951 = arith.muli %parallel_loop3A_948, %parallel_loop3A_950 : i32
        %parallel_loop3A_952 = arith.constant 1 : i32
        %parallel_loop3A_953 = arith.shrsi %parallel_loop3A_951, %parallel_loop3A_952 : i32
        %parallel_loop3A_954 = vector.broadcast %parallel_loop3A_953 : i32 to vector<16xi32>
        %parallel_loop3A_955 = arith.addi %parallel_loop3A_954, %add3A_85 : vector<16xi32>
        %parallel_loop3A_956 = tpu.vector_load_idx %arg4[%parallel_loop3A_955] : memref<8256xf32, #tpu.memory_space<vmem>>[vector<16xi32>], vector<16xf32>,
        %parallel_loop3A_957 = arith.index_cast %parallel_loop3A_948 : i32 to index
        %parallel_loop3A_958 = arith.constant 48 : index
        %parallel_loop3A_959 = tpu.vector_load %arg6[%parallel_loop3A_957, %parallel_loop3A_958] {strides = array<i32>} : memref<128x128xf32, #tpu.memory_space<vmem>>, vector<16xf32>,
        tpu.vector_store %arg6[%parallel_loop3A_957, %parallel_loop3A_958], %parallel_loop3A_956 {strides = array<i32>} : memref<128x128xf32, #tpu.memory_space<vmem>>, vector<16xf32>,
      } {sc.loop_unroll_factor = 16 : i64, sc.parallel_access}
      %add3A_89 = arith.constant 64 : i32
      %add3A_90 = vector.broadcast %add3A_89 : i32 to vector<16xi32>
      %add3A_91 = arith.addi %iota3A, %add3A_90 : vector<16xi32>
      %parallel_loop3A_92 = arith.constant 80 : i32
      %parallel_loop3A_93 = arith.constant 128 : i32
      %parallel_loop3A_94 = arith.constant 1 : i32
      scf.for %parallel_loop3A_948 = %parallel_loop3A_92 to %parallel_loop3A_93 step %parallel_loop3A_94  : i32 {
        %parallel_loop3A_949 = arith.constant 1 : i32
        %parallel_loop3A_950 = arith.addi %parallel_loop3A_948, %parallel_loop3A_949 : i32
        %parallel_loop3A_951 = arith.muli %parallel_loop3A_948, %parallel_loop3A_950 : i32
        %parallel_loop3A_952 = arith.constant 1 : i32
        %parallel_loop3A_953 = arith.shrsi %parallel_loop3A_951, %parallel_loop3A_952 : i32
        %parallel_loop3A_954 = vector.broadcast %parallel_loop3A_953 : i32 to vector<16xi32>
        %parallel_loop3A_955 = arith.addi %parallel_loop3A_954, %add3A_91 : vector<16xi32>
        %parallel_loop3A_956 = tpu.vector_load_idx %arg4[%parallel_loop3A_955] : memref<8256xf32, #tpu.memory_space<vmem>>[vector<16xi32>], vector<16xf32>,
        %parallel_loop3A_957 = arith.index_cast %parallel_loop3A_948 : i32 to index
        %parallel_loop3A_958 = arith.constant 64 : index
        %parallel_loop3A_959 = tpu.vector_load %arg6[%parallel_loop3A_957, %parallel_loop3A_958] {strides = array<i32>} : memref<128x128xf32, #tpu.memory_space<vmem>>, vector<16xf32>,
        tpu.vector_store %arg6[%parallel_loop3A_957, %parallel_loop3A_958], %parallel_loop3A_956 {strides = array<i32>} : memref<128x128xf32, #tpu.memory_space<vmem>>, vector<16xf32>,
      } {sc.loop_unroll_factor = 16 : i64, sc.parallel_access}
      %add3A_95 = arith.constant 80 : i32
      %add3A_96 = vector.broadcast %add3A_95 : i32 to vector<16xi32>
      %add3A_97 = arith.addi %iota3A, %add3A_96 : vector<16xi32>
      %parallel_loop3A_98 = arith.constant 96 : i32
      %parallel_loop3A_99 = arith.constant 128 : i32
      %parallel_loop3A_100 = arith.constant 1 : i32
      scf.for %parallel_loop3A_948 = %parallel_loop3A_98 to %parallel_loop3A_99 step %parallel_loop3A_100  : i32 {
        %parallel_loop3A_949 = arith.constant 1 : i32
        %parallel_loop3A_950 = arith.addi %parallel_loop3A_948, %parallel_loop3A_949 : i32
        %parallel_loop3A_951 = arith.muli %parallel_loop3A_948, %parallel_loop3A_950 : i32
        %parallel_loop3A_952 = arith.constant 1 : i32
        %parallel_loop3A_953 = arith.shrsi %parallel_loop3A_951, %parallel_loop3A_952 : i32
        %parallel_loop3A_954 = vector.broadcast %parallel_loop3A_953 : i32 to vector<16xi32>
        %parallel_loop3A_955 = arith.addi %parallel_loop3A_954, %add3A_97 : vector<16xi32>
        %parallel_loop3A_956 = tpu.vector_load_idx %arg4[%parallel_loop3A_955] : memref<8256xf32, #tpu.memory_space<vmem>>[vector<16xi32>], vector<16xf32>,
        %parallel_loop3A_957 = arith.index_cast %parallel_loop3A_948 : i32 to index
        %parallel_loop3A_958 = arith.constant 80 : index
        %parallel_loop3A_959 = tpu.vector_load %arg6[%parallel_loop3A_957, %parallel_loop3A_958] {strides = array<i32>} : memref<128x128xf32, #tpu.memory_space<vmem>>, vector<16xf32>,
        tpu.vector_store %arg6[%parallel_loop3A_957, %parallel_loop3A_958], %parallel_loop3A_956 {strides = array<i32>} : memref<128x128xf32, #tpu.memory_space<vmem>>, vector<16xf32>,
      } {sc.loop_unroll_factor = 16 : i64, sc.parallel_access}
      %add3A_101 = arith.constant 96 : i32
      %add3A_102 = vector.broadcast %add3A_101 : i32 to vector<16xi32>
      %add3A_103 = arith.addi %iota3A, %add3A_102 : vector<16xi32>
      %parallel_loop3A_104 = arith.constant 112 : i32
      %parallel_loop3A_105 = arith.constant 128 : i32
      %parallel_loop3A_106 = arith.constant 1 : i32
      scf.for %parallel_loop3A_948 = %parallel_loop3A_104 to %parallel_loop3A_105 step %parallel_loop3A_106  : i32 {
        %parallel_loop3A_949 = arith.constant 1 : i32
        %parallel_loop3A_950 = arith.addi %parallel_loop3A_948, %parallel_loop3A_949 : i32
        %parallel_loop3A_951 = arith.muli %parallel_loop3A_948, %parallel_loop3A_950 : i32
        %parallel_loop3A_952 = arith.constant 1 : i32
        %parallel_loop3A_953 = arith.shrsi %parallel_loop3A_951, %parallel_loop3A_952 : i32
        %parallel_loop3A_954 = vector.broadcast %parallel_loop3A_953 : i32 to vector<16xi32>
        %parallel_loop3A_955 = arith.addi %parallel_loop3A_954, %add3A_103 : vector<16xi32>
        %parallel_loop3A_956 = tpu.vector_load_idx %arg4[%parallel_loop3A_955] : memref<8256xf32, #tpu.memory_space<vmem>>[vector<16xi32>], vector<16xf32>,
        %parallel_loop3A_957 = arith.index_cast %parallel_loop3A_948 : i32 to index
        %parallel_loop3A_958 = arith.constant 96 : index
        %parallel_loop3A_959 = tpu.vector_load %arg6[%parallel_loop3A_957, %parallel_loop3A_958] {strides = array<i32>} : memref<128x128xf32, #tpu.memory_space<vmem>>, vector<16xf32>,
        tpu.vector_store %arg6[%parallel_loop3A_957, %parallel_loop3A_958], %parallel_loop3A_956 {strides = array<i32>} : memref<128x128xf32, #tpu.memory_space<vmem>>, vector<16xf32>,
      } {sc.loop_unroll_factor = 16 : i64, sc.parallel_access}
      %parallel_loop3A_107 = arith.constant 0 : i32
      %parallel_loop3A_108 = arith.constant 128 : i32
      %parallel_loop3A_109 = arith.constant 1 : i32
      scf.for %parallel_loop3A_948 = %parallel_loop3A_107 to %parallel_loop3A_108 step %parallel_loop3A_109  : i32 {
        %parallel_loop3A_949 = arith.constant 1 : i32
        %parallel_loop3A_950 = arith.addi %parallel_loop3A_948, %parallel_loop3A_949 : i32
        %parallel_loop3A_951 = arith.muli %parallel_loop3A_948, %parallel_loop3A_950 : i32
        %parallel_loop3A_952 = arith.constant 1 : i32
        %parallel_loop3A_953 = arith.shrsi %parallel_loop3A_951, %parallel_loop3A_952 : i32
        %parallel_loop3A_954 = arith.constant 4 : i32
        %parallel_loop3A_955 = arith.shrsi %parallel_loop3A_948, %parallel_loop3A_954 : i32
        %parallel_loop3A_956 = arith.constant 16 : i32
        %parallel_loop3A_957 = arith.muli %parallel_loop3A_955, %parallel_loop3A_956 : i32
        %parallel_loop3A_958 = tpu.assume_multiple %parallel_loop3A_957, 16 : i32
        %parallel_loop3A_959 = arith.addi %parallel_loop3A_953, %parallel_loop3A_958 : i32
        %parallel_loop3A_960 = vector.broadcast %parallel_loop3A_959 : i32 to vector<16xi32>
        %parallel_loop3A_961 = arith.addi %parallel_loop3A_960, %iota3A : vector<16xi32>
        %parallel_loop3A_962 = tpu.vector_load_idx %arg4[%parallel_loop3A_961] : memref<8256xf32, #tpu.memory_space<vmem>>[vector<16xi32>], vector<16xf32>,
        %parallel_loop3A_963 = arith.constant 15 : i32
        %parallel_loop3A_964 = arith.andi %parallel_loop3A_948, %parallel_loop3A_963 : i32
        %parallel_loop3A_965 = vector.broadcast %parallel_loop3A_964 : i32 to vector<16xi32>
        %parallel_loop3A_966 = arith.cmpi slt, %iota3A, %parallel_loop3A_965 : vector<16xi32>
        %parallel_loop3A_967 = arith.constant 0.000000e+00 : f32
        %parallel_loop3A_968 = vector.broadcast %parallel_loop3A_967 : f32 to vector<16xf32>
        %parallel_loop3A_969 = arith.select %parallel_loop3A_966, %parallel_loop3A_962, %parallel_loop3A_968 : vector<16xi1>, vector<16xf32>
        %parallel_loop3A_970 = arith.index_cast %parallel_loop3A_948 : i32 to index
        %parallel_loop3A_971 = arith.index_cast %parallel_loop3A_958 : i32 to index
        %parallel_loop3A_972 = tpu.vector_load %arg6[%parallel_loop3A_970, %parallel_loop3A_971] {strides = array<i32>} : memref<128x128xf32, #tpu.memory_space<vmem>>, vector<16xf32>,
        tpu.vector_store %arg6[%parallel_loop3A_970, %parallel_loop3A_971], %parallel_loop3A_969 {strides = array<i32>} : memref<128x128xf32, #tpu.memory_space<vmem>>, vector<16xf32>,
      } {sc.loop_unroll_factor = 8 : i64, sc.parallel_access}
      %add3A_110 = arith.constant 0 : i32
      %add3A_111 = vector.broadcast %add3A_110 : i32 to vector<16xi32>
      %add3A_112 = arith.addi %iota3A, %add3A_111 : vector<16xi32>
      %add3A_113 = arith.constant 3 : i32
      %add3A_114 = vector.broadcast %add3A_113 : i32 to vector<16xi32>
      %add3A_115 = arith.addi %add3A_112, %add3A_114 : vector<16xi32>
      %mul3A_116 = arith.muli %add3A_112, %add3A_115 : vector<16xi32>
      %shift_right_arithmetic3A = arith.constant 1 : i32
      %shift_right_arithmetic3A_117 = vector.broadcast %shift_right_arithmetic3A : i32 to vector<16xi32>
      %shift_right_arithmetic3A_118 = arith.shrsi %mul3A_116, %shift_right_arithmetic3A_117 : vector<16xi32>
      %gather3A = tpu.vector_load_idx %arg4[%shift_right_arithmetic3A_118] : memref<8256xf32, #tpu.memory_space<vmem>>[vector<16xi32>], vector<16xf32>,
      %abs3A = math.absf %gather3A : vector<16xf32>
      %neg3A = arith.constant 0.000000e+00 : f32
      %neg3A_119 = vector.broadcast %neg3A : f32 to vector<16xf32>
      %neg3A_120 = arith.subf %neg3A_119, %abs3A : vector<16xf32>
      %exp3A = math.exp %neg3A_120 : vector<16xf32>
      %add3A_121 = arith.constant 2.000000e+00 : f32
      %add3A_122 = vector.broadcast %add3A_121 : f32 to vector<16xf32>
      %add3A_123 = arith.addf %add3A_122, %exp3A : vector<16xf32>
      %div3A = arith.divf %exp3A, %add3A_123 : vector<16xf32>
      %mul3A_124 = arith.mulf %div3A, %div3A : vector<16xf32>
      %mul3A_125 = arith.constant 0.111111112 : f32
      %mul3A_126 = vector.broadcast %mul3A_125 : f32 to vector<16xf32>
      %mul3A_127 = arith.mulf %mul3A_124, %mul3A_126 : vector<16xf32>
      %add3A_128 = arith.constant 0.142857149 : f32
      %add3A_129 = vector.broadcast %add3A_128 : f32 to vector<16xf32>
      %add3A_130 = arith.addf %add3A_129, %mul3A_127 : vector<16xf32>
      %mul3A_131 = arith.mulf %mul3A_124, %add3A_130 : vector<16xf32>
      %add3A_132 = arith.constant 2.000000e-01 : f32
      %add3A_133 = vector.broadcast %add3A_132 : f32 to vector<16xf32>
      %add3A_134 = arith.addf %add3A_133, %mul3A_131 : vector<16xf32>
      %mul3A_135 = arith.mulf %mul3A_124, %add3A_134 : vector<16xf32>
      %add3A_136 = arith.constant 0.333333343 : f32
      %add3A_137 = vector.broadcast %add3A_136 : f32 to vector<16xf32>
      %add3A_138 = arith.addf %add3A_137, %mul3A_135 : vector<16xf32>
      %mul3A_139 = arith.constant 2.000000e+00 : f32
      %mul3A_140 = vector.broadcast %mul3A_139 : f32 to vector<16xf32>
      %mul3A_141 = arith.mulf %mul3A_140, %div3A : vector<16xf32>
      %mul3A_142 = arith.mulf %mul3A_124, %add3A_138 : vector<16xf32>
      %add3A_143 = arith.constant 1.000000e+00 : f32
      %add3A_144 = vector.broadcast %add3A_143 : f32 to vector<16xf32>
      %add3A_145 = arith.addf %add3A_144, %mul3A_142 : vector<16xf32>
      %mul3A_146 = arith.mulf %mul3A_141, %add3A_145 : vector<16xf32>
      %max3A = arith.constant 0.000000e+00 : f32
      %max3A_147 = vector.broadcast %max3A : f32 to vector<16xf32>
      %max3A_148 = arith.maximumf %gather3A, %max3A_147 : vector<16xf32>
      %add3A_149 = arith.addf %max3A_148, %mul3A_146 : vector<16xf32>
      tpu.vector_store_idx %arg6[%add3A_112, %add3A_112], %add3A_149 : memref<128x128xf32, #tpu.memory_space<vmem>>[vector<16xi32>, vector<16xi32>], vector<16xf32>,
      %add3A_150 = arith.constant 16 : i32
      %add3A_151 = vector.broadcast %add3A_150 : i32 to vector<16xi32>
      %add3A_152 = arith.addi %iota3A, %add3A_151 : vector<16xi32>
      %add3A_153 = arith.constant 3 : i32
      %add3A_154 = vector.broadcast %add3A_153 : i32 to vector<16xi32>
      %add3A_155 = arith.addi %add3A_152, %add3A_154 : vector<16xi32>
      %mul3A_156 = arith.muli %add3A_152, %add3A_155 : vector<16xi32>
      %shift_right_arithmetic3A_157 = arith.constant 1 : i32
      %shift_right_arithmetic3A_158 = vector.broadcast %shift_right_arithmetic3A_157 : i32 to vector<16xi32>
      %shift_right_arithmetic3A_159 = arith.shrsi %mul3A_156, %shift_right_arithmetic3A_158 : vector<16xi32>
      %gather3A_160 = tpu.vector_load_idx %arg4[%shift_right_arithmetic3A_159] : memref<8256xf32, #tpu.memory_space<vmem>>[vector<16xi32>], vector<16xf32>,
      %abs3A_161 = math.absf %gather3A_160 : vector<16xf32>
      %neg3A_162 = arith.constant 0.000000e+00 : f32
      %neg3A_163 = vector.broadcast %neg3A_162 : f32 to vector<16xf32>
      %neg3A_164 = arith.subf %neg3A_163, %abs3A_161 : vector<16xf32>
      %exp3A_165 = math.exp %neg3A_164 : vector<16xf32>
      %add3A_166 = arith.constant 2.000000e+00 : f32
      %add3A_167 = vector.broadcast %add3A_166 : f32 to vector<16xf32>
      %add3A_168 = arith.addf %add3A_167, %exp3A_165 : vector<16xf32>
      %div3A_169 = arith.divf %exp3A_165, %add3A_168 : vector<16xf32>
      %mul3A_170 = arith.mulf %div3A_169, %div3A_169 : vector<16xf32>
      %mul3A_171 = arith.constant 0.111111112 : f32
      %mul3A_172 = vector.broadcast %mul3A_171 : f32 to vector<16xf32>
      %mul3A_173 = arith.mulf %mul3A_170, %mul3A_172 : vector<16xf32>
      %add3A_174 = arith.constant 0.142857149 : f32
      %add3A_175 = vector.broadcast %add3A_174 : f32 to vector<16xf32>
      %add3A_176 = arith.addf %add3A_175, %mul3A_173 : vector<16xf32>
      %mul3A_177 = arith.mulf %mul3A_170, %add3A_176 : vector<16xf32>
      %add3A_178 = arith.constant 2.000000e-01 : f32
      %add3A_179 = vector.broadcast %add3A_178 : f32 to vector<16xf32>
      %add3A_180 = arith.addf %add3A_179, %mul3A_177 : vector<16xf32>
      %mul3A_181 = arith.mulf %mul3A_170, %add3A_180 : vector<16xf32>
      %add3A_182 = arith.constant 0.333333343 : f32
      %add3A_183 = vector.broadcast %add3A_182 : f32 to vector<16xf32>
      %add3A_184 = arith.addf %add3A_183, %mul3A_181 : vector<16xf32>
      %mul3A_185 = arith.constant 2.000000e+00 : f32
      %mul3A_186 = vector.broadcast %mul3A_185 : f32 to vector<16xf32>
      %mul3A_187 = arith.mulf %mul3A_186, %div3A_169 : vector<16xf32>
      %mul3A_188 = arith.mulf %mul3A_170, %add3A_184 : vector<16xf32>
      %add3A_189 = arith.constant 1.000000e+00 : f32
      %add3A_190 = vector.broadcast %add3A_189 : f32 to vector<16xf32>
      %add3A_191 = arith.addf %add3A_190, %mul3A_188 : vector<16xf32>
      %mul3A_192 = arith.mulf %mul3A_187, %add3A_191 : vector<16xf32>
      %max3A_193 = arith.constant 0.000000e+00 : f32
      %max3A_194 = vector.broadcast %max3A_193 : f32 to vector<16xf32>
      %max3A_195 = arith.maximumf %gather3A_160, %max3A_194 : vector<16xf32>
      %add3A_196 = arith.addf %max3A_195, %mul3A_192 : vector<16xf32>
      tpu.vector_store_idx %arg6[%add3A_152, %add3A_152], %add3A_196 : memref<128x128xf32, #tpu.memory_space<vmem>>[vector<16xi32>, vector<16xi32>], vector<16xf32>,
      %add3A_197 = arith.constant 32 : i32
      %add3A_198 = vector.broadcast %add3A_197 : i32 to vector<16xi32>
      %add3A_199 = arith.addi %iota3A, %add3A_198 : vector<16xi32>
      %add3A_200 = arith.constant 3 : i32
      %add3A_201 = vector.broadcast %add3A_200 : i32 to vector<16xi32>
      %add3A_202 = arith.addi %add3A_199, %add3A_201 : vector<16xi32>
      %mul3A_203 = arith.muli %add3A_199, %add3A_202 : vector<16xi32>
      %shift_right_arithmetic3A_204 = arith.constant 1 : i32
      %shift_right_arithmetic3A_205 = vector.broadcast %shift_right_arithmetic3A_204 : i32 to vector<16xi32>
      %shift_right_arithmetic3A_206 = arith.shrsi %mul3A_203, %shift_right_arithmetic3A_205 : vector<16xi32>
      %gather3A_207 = tpu.vector_load_idx %arg4[%shift_right_arithmetic3A_206] : memref<8256xf32, #tpu.memory_space<vmem>>[vector<16xi32>], vector<16xf32>,
      %abs3A_208 = math.absf %gather3A_207 : vector<16xf32>
      %neg3A_209 = arith.constant 0.000000e+00 : f32
      %neg3A_210 = vector.broadcast %neg3A_209 : f32 to vector<16xf32>
      %neg3A_211 = arith.subf %neg3A_210, %abs3A_208 : vector<16xf32>
      %exp3A_212 = math.exp %neg3A_211 : vector<16xf32>
      %add3A_213 = arith.constant 2.000000e+00 : f32
      %add3A_214 = vector.broadcast %add3A_213 : f32 to vector<16xf32>
      %add3A_215 = arith.addf %add3A_214, %exp3A_212 : vector<16xf32>
      %div3A_216 = arith.divf %exp3A_212, %add3A_215 : vector<16xf32>
      %mul3A_217 = arith.mulf %div3A_216, %div3A_216 : vector<16xf32>
      %mul3A_218 = arith.constant 0.111111112 : f32
      %mul3A_219 = vector.broadcast %mul3A_218 : f32 to vector<16xf32>
      %mul3A_220 = arith.mulf %mul3A_217, %mul3A_219 : vector<16xf32>
      %add3A_221 = arith.constant 0.142857149 : f32
      %add3A_222 = vector.broadcast %add3A_221 : f32 to vector<16xf32>
      %add3A_223 = arith.addf %add3A_222, %mul3A_220 : vector<16xf32>
      %mul3A_224 = arith.mulf %mul3A_217, %add3A_223 : vector<16xf32>
      %add3A_225 = arith.constant 2.000000e-01 : f32
      %add3A_226 = vector.broadcast %add3A_225 : f32 to vector<16xf32>
      %add3A_227 = arith.addf %add3A_226, %mul3A_224 : vector<16xf32>
      %mul3A_228 = arith.mulf %mul3A_217, %add3A_227 : vector<16xf32>
      %add3A_229 = arith.constant 0.333333343 : f32
      %add3A_230 = vector.broadcast %add3A_229 : f32 to vector<16xf32>
      %add3A_231 = arith.addf %add3A_230, %mul3A_228 : vector<16xf32>
      %mul3A_232 = arith.constant 2.000000e+00 : f32
      %mul3A_233 = vector.broadcast %mul3A_232 : f32 to vector<16xf32>
      %mul3A_234 = arith.mulf %mul3A_233, %div3A_216 : vector<16xf32>
      %mul3A_235 = arith.mulf %mul3A_217, %add3A_231 : vector<16xf32>
      %add3A_236 = arith.constant 1.000000e+00 : f32
      %add3A_237 = vector.broadcast %add3A_236 : f32 to vector<16xf32>
      %add3A_238 = arith.addf %add3A_237, %mul3A_235 : vector<16xf32>
      %mul3A_239 = arith.mulf %mul3A_234, %add3A_238 : vector<16xf32>
      %max3A_240 = arith.constant 0.000000e+00 : f32
      %max3A_241 = vector.broadcast %max3A_240 : f32 to vector<16xf32>
      %max3A_242 = arith.maximumf %gather3A_207, %max3A_241 : vector<16xf32>
      %add3A_243 = arith.addf %max3A_242, %mul3A_239 : vector<16xf32>
      tpu.vector_store_idx %arg6[%add3A_199, %add3A_199], %add3A_243 : memref<128x128xf32, #tpu.memory_space<vmem>>[vector<16xi32>, vector<16xi32>], vector<16xf32>,
      %add3A_244 = arith.constant 48 : i32
      %add3A_245 = vector.broadcast %add3A_244 : i32 to vector<16xi32>
      %add3A_246 = arith.addi %iota3A, %add3A_245 : vector<16xi32>
      %add3A_247 = arith.constant 3 : i32
      %add3A_248 = vector.broadcast %add3A_247 : i32 to vector<16xi32>
      %add3A_249 = arith.addi %add3A_246, %add3A_248 : vector<16xi32>
      %mul3A_250 = arith.muli %add3A_246, %add3A_249 : vector<16xi32>
      %shift_right_arithmetic3A_251 = arith.constant 1 : i32
      %shift_right_arithmetic3A_252 = vector.broadcast %shift_right_arithmetic3A_251 : i32 to vector<16xi32>
      %shift_right_arithmetic3A_253 = arith.shrsi %mul3A_250, %shift_right_arithmetic3A_252 : vector<16xi32>
      %gather3A_254 = tpu.vector_load_idx %arg4[%shift_right_arithmetic3A_253] : memref<8256xf32, #tpu.memory_space<vmem>>[vector<16xi32>], vector<16xf32>,
      %abs3A_255 = math.absf %gather3A_254 : vector<16xf32>
      %neg3A_256 = arith.constant 0.000000e+00 : f32
      %neg3A_257 = vector.broadcast %neg3A_256 : f32 to vector<16xf32>
      %neg3A_258 = arith.subf %neg3A_257, %abs3A_255 : vector<16xf32>
      %exp3A_259 = math.exp %neg3A_258 : vector<16xf32>
      %add3A_260 = arith.constant 2.000000e+00 : f32
      %add3A_261 = vector.broadcast %add3A_260 : f32 to vector<16xf32>
      %add3A_262 = arith.addf %add3A_261, %exp3A_259 : vector<16xf32>
      %div3A_263 = arith.divf %exp3A_259, %add3A_262 : vector<16xf32>
      %mul3A_264 = arith.mulf %div3A_263, %div3A_263 : vector<16xf32>
      %mul3A_265 = arith.constant 0.111111112 : f32
      %mul3A_266 = vector.broadcast %mul3A_265 : f32 to vector<16xf32>
      %mul3A_267 = arith.mulf %mul3A_264, %mul3A_266 : vector<16xf32>
      %add3A_268 = arith.constant 0.142857149 : f32
      %add3A_269 = vector.broadcast %add3A_268 : f32 to vector<16xf32>
      %add3A_270 = arith.addf %add3A_269, %mul3A_267 : vector<16xf32>
      %mul3A_271 = arith.mulf %mul3A_264, %add3A_270 : vector<16xf32>
      %add3A_272 = arith.constant 2.000000e-01 : f32
      %add3A_273 = vector.broadcast %add3A_272 : f32 to vector<16xf32>
      %add3A_274 = arith.addf %add3A_273, %mul3A_271 : vector<16xf32>
      %mul3A_275 = arith.mulf %mul3A_264, %add3A_274 : vector<16xf32>
      %add3A_276 = arith.constant 0.333333343 : f32
      %add3A_277 = vector.broadcast %add3A_276 : f32 to vector<16xf32>
      %add3A_278 = arith.addf %add3A_277, %mul3A_275 : vector<16xf32>
      %mul3A_279 = arith.constant 2.000000e+00 : f32
      %mul3A_280 = vector.broadcast %mul3A_279 : f32 to vector<16xf32>
      %mul3A_281 = arith.mulf %mul3A_280, %div3A_263 : vector<16xf32>
      %mul3A_282 = arith.mulf %mul3A_264, %add3A_278 : vector<16xf32>
      %add3A_283 = arith.constant 1.000000e+00 : f32
      %add3A_284 = vector.broadcast %add3A_283 : f32 to vector<16xf32>
      %add3A_285 = arith.addf %add3A_284, %mul3A_282 : vector<16xf32>
      %mul3A_286 = arith.mulf %mul3A_281, %add3A_285 : vector<16xf32>
      %max3A_287 = arith.constant 0.000000e+00 : f32
      %max3A_288 = vector.broadcast %max3A_287 : f32 to vector<16xf32>
      %max3A_289 = arith.maximumf %gather3A_254, %max3A_288 : vector<16xf32>
      %add3A_290 = arith.addf %max3A_289, %mul3A_286 : vector<16xf32>
      tpu.vector_store_idx %arg6[%add3A_246, %add3A_246], %add3A_290 : memref<128x128xf32, #tpu.memory_space<vmem>>[vector<16xi32>, vector<16xi32>], vector<16xf32>,
      %add3A_291 = arith.constant 64 : i32
      %add3A_292 = vector.broadcast %add3A_291 : i32 to vector<16xi32>
      %add3A_293 = arith.addi %iota3A, %add3A_292 : vector<16xi32>
      %add3A_294 = arith.constant 3 : i32
      %add3A_295 = vector.broadcast %add3A_294 : i32 to vector<16xi32>
      %add3A_296 = arith.addi %add3A_293, %add3A_295 : vector<16xi32>
      %mul3A_297 = arith.muli %add3A_293, %add3A_296 : vector<16xi32>
      %shift_right_arithmetic3A_298 = arith.constant 1 : i32
      %shift_right_arithmetic3A_299 = vector.broadcast %shift_right_arithmetic3A_298 : i32 to vector<16xi32>
      %shift_right_arithmetic3A_300 = arith.shrsi %mul3A_297, %shift_right_arithmetic3A_299 : vector<16xi32>
      %gather3A_301 = tpu.vector_load_idx %arg4[%shift_right_arithmetic3A_300] : memref<8256xf32, #tpu.memory_space<vmem>>[vector<16xi32>], vector<16xf32>,
      %abs3A_302 = math.absf %gather3A_301 : vector<16xf32>
      %neg3A_303 = arith.constant 0.000000e+00 : f32
      %neg3A_304 = vector.broadcast %neg3A_303 : f32 to vector<16xf32>
      %neg3A_305 = arith.subf %neg3A_304, %abs3A_302 : vector<16xf32>
      %exp3A_306 = math.exp %neg3A_305 : vector<16xf32>
      %add3A_307 = arith.constant 2.000000e+00 : f32
      %add3A_308 = vector.broadcast %add3A_307 : f32 to vector<16xf32>
      %add3A_309 = arith.addf %add3A_308, %exp3A_306 : vector<16xf32>
      %div3A_310 = arith.divf %exp3A_306, %add3A_309 : vector<16xf32>
      %mul3A_311 = arith.mulf %div3A_310, %div3A_310 : vector<16xf32>
      %mul3A_312 = arith.constant 0.111111112 : f32
      %mul3A_313 = vector.broadcast %mul3A_312 : f32 to vector<16xf32>
      %mul3A_314 = arith.mulf %mul3A_311, %mul3A_313 : vector<16xf32>
      %add3A_315 = arith.constant 0.142857149 : f32
      %add3A_316 = vector.broadcast %add3A_315 : f32 to vector<16xf32>
      %add3A_317 = arith.addf %add3A_316, %mul3A_314 : vector<16xf32>
      %mul3A_318 = arith.mulf %mul3A_311, %add3A_317 : vector<16xf32>
      %add3A_319 = arith.constant 2.000000e-01 : f32
      %add3A_320 = vector.broadcast %add3A_319 : f32 to vector<16xf32>
      %add3A_321 = arith.addf %add3A_320, %mul3A_318 : vector<16xf32>
      %mul3A_322 = arith.mulf %mul3A_311, %add3A_321 : vector<16xf32>
      %add3A_323 = arith.constant 0.333333343 : f32
      %add3A_324 = vector.broadcast %add3A_323 : f32 to vector<16xf32>
      %add3A_325 = arith.addf %add3A_324, %mul3A_322 : vector<16xf32>
      %mul3A_326 = arith.constant 2.000000e+00 : f32
      %mul3A_327 = vector.broadcast %mul3A_326 : f32 to vector<16xf32>
      %mul3A_328 = arith.mulf %mul3A_327, %div3A_310 : vector<16xf32>
      %mul3A_329 = arith.mulf %mul3A_311, %add3A_325 : vector<16xf32>
      %add3A_330 = arith.constant 1.000000e+00 : f32
      %add3A_331 = vector.broadcast %add3A_330 : f32 to vector<16xf32>
      %add3A_332 = arith.addf %add3A_331, %mul3A_329 : vector<16xf32>
      %mul3A_333 = arith.mulf %mul3A_328, %add3A_332 : vector<16xf32>
      %max3A_334 = arith.constant 0.000000e+00 : f32
      %max3A_335 = vector.broadcast %max3A_334 : f32 to vector<16xf32>
      %max3A_336 = arith.maximumf %gather3A_301, %max3A_335 : vector<16xf32>
      %add3A_337 = arith.addf %max3A_336, %mul3A_333 : vector<16xf32>
      tpu.vector_store_idx %arg6[%add3A_293, %add3A_293], %add3A_337 : memref<128x128xf32, #tpu.memory_space<vmem>>[vector<16xi32>, vector<16xi32>], vector<16xf32>,
      %add3A_338 = arith.constant 80 : i32
      %add3A_339 = vector.broadcast %add3A_338 : i32 to vector<16xi32>
      %add3A_340 = arith.addi %iota3A, %add3A_339 : vector<16xi32>
      %add3A_341 = arith.constant 3 : i32
      %add3A_342 = vector.broadcast %add3A_341 : i32 to vector<16xi32>
      %add3A_343 = arith.addi %add3A_340, %add3A_342 : vector<16xi32>
      %mul3A_344 = arith.muli %add3A_340, %add3A_343 : vector<16xi32>
      %shift_right_arithmetic3A_345 = arith.constant 1 : i32
      %shift_right_arithmetic3A_346 = vector.broadcast %shift_right_arithmetic3A_345 : i32 to vector<16xi32>
      %shift_right_arithmetic3A_347 = arith.shrsi %mul3A_344, %shift_right_arithmetic3A_346 : vector<16xi32>
      %gather3A_348 = tpu.vector_load_idx %arg4[%shift_right_arithmetic3A_347] : memref<8256xf32, #tpu.memory_space<vmem>>[vector<16xi32>], vector<16xf32>,
      %abs3A_349 = math.absf %gather3A_348 : vector<16xf32>
      %neg3A_350 = arith.constant 0.000000e+00 : f32
      %neg3A_351 = vector.broadcast %neg3A_350 : f32 to vector<16xf32>
      %neg3A_352 = arith.subf %neg3A_351, %abs3A_349 : vector<16xf32>
      %exp3A_353 = math.exp %neg3A_352 : vector<16xf32>
      %add3A_354 = arith.constant 2.000000e+00 : f32
      %add3A_355 = vector.broadcast %add3A_354 : f32 to vector<16xf32>
      %add3A_356 = arith.addf %add3A_355, %exp3A_353 : vector<16xf32>
      %div3A_357 = arith.divf %exp3A_353, %add3A_356 : vector<16xf32>
      %mul3A_358 = arith.mulf %div3A_357, %div3A_357 : vector<16xf32>
      %mul3A_359 = arith.constant 0.111111112 : f32
      %mul3A_360 = vector.broadcast %mul3A_359 : f32 to vector<16xf32>
      %mul3A_361 = arith.mulf %mul3A_358, %mul3A_360 : vector<16xf32>
      %add3A_362 = arith.constant 0.142857149 : f32
      %add3A_363 = vector.broadcast %add3A_362 : f32 to vector<16xf32>
      %add3A_364 = arith.addf %add3A_363, %mul3A_361 : vector<16xf32>
      %mul3A_365 = arith.mulf %mul3A_358, %add3A_364 : vector<16xf32>
      %add3A_366 = arith.constant 2.000000e-01 : f32
      %add3A_367 = vector.broadcast %add3A_366 : f32 to vector<16xf32>
      %add3A_368 = arith.addf %add3A_367, %mul3A_365 : vector<16xf32>
      %mul3A_369 = arith.mulf %mul3A_358, %add3A_368 : vector<16xf32>
      %add3A_370 = arith.constant 0.333333343 : f32
      %add3A_371 = vector.broadcast %add3A_370 : f32 to vector<16xf32>
      %add3A_372 = arith.addf %add3A_371, %mul3A_369 : vector<16xf32>
      %mul3A_373 = arith.constant 2.000000e+00 : f32
      %mul3A_374 = vector.broadcast %mul3A_373 : f32 to vector<16xf32>
      %mul3A_375 = arith.mulf %mul3A_374, %div3A_357 : vector<16xf32>
      %mul3A_376 = arith.mulf %mul3A_358, %add3A_372 : vector<16xf32>
      %add3A_377 = arith.constant 1.000000e+00 : f32
      %add3A_378 = vector.broadcast %add3A_377 : f32 to vector<16xf32>
      %add3A_379 = arith.addf %add3A_378, %mul3A_376 : vector<16xf32>
      %mul3A_380 = arith.mulf %mul3A_375, %add3A_379 : vector<16xf32>
      %max3A_381 = arith.constant 0.000000e+00 : f32
      %max3A_382 = vector.broadcast %max3A_381 : f32 to vector<16xf32>
      %max3A_383 = arith.maximumf %gather3A_348, %max3A_382 : vector<16xf32>
      %add3A_384 = arith.addf %max3A_383, %mul3A_380 : vector<16xf32>
      tpu.vector_store_idx %arg6[%add3A_340, %add3A_340], %add3A_384 : memref<128x128xf32, #tpu.memory_space<vmem>>[vector<16xi32>, vector<16xi32>], vector<16xf32>,
      %add3A_385 = arith.constant 96 : i32
      %add3A_386 = vector.broadcast %add3A_385 : i32 to vector<16xi32>
      %add3A_387 = arith.addi %iota3A, %add3A_386 : vector<16xi32>
      %add3A_388 = arith.constant 3 : i32
      %add3A_389 = vector.broadcast %add3A_388 : i32 to vector<16xi32>
      %add3A_390 = arith.addi %add3A_387, %add3A_389 : vector<16xi32>
      %mul3A_391 = arith.muli %add3A_387, %add3A_390 : vector<16xi32>
      %shift_right_arithmetic3A_392 = arith.constant 1 : i32
      %shift_right_arithmetic3A_393 = vector.broadcast %shift_right_arithmetic3A_392 : i32 to vector<16xi32>
      %shift_right_arithmetic3A_394 = arith.shrsi %mul3A_391, %shift_right_arithmetic3A_393 : vector<16xi32>
      %gather3A_395 = tpu.vector_load_idx %arg4[%shift_right_arithmetic3A_394] : memref<8256xf32, #tpu.memory_space<vmem>>[vector<16xi32>], vector<16xf32>,
      %abs3A_396 = math.absf %gather3A_395 : vector<16xf32>
      %neg3A_397 = arith.constant 0.000000e+00 : f32
      %neg3A_398 = vector.broadcast %neg3A_397 : f32 to vector<16xf32>
      %neg3A_399 = arith.subf %neg3A_398, %abs3A_396 : vector<16xf32>
      %exp3A_400 = math.exp %neg3A_399 : vector<16xf32>
      %add3A_401 = arith.constant 2.000000e+00 : f32
      %add3A_402 = vector.broadcast %add3A_401 : f32 to vector<16xf32>
      %add3A_403 = arith.addf %add3A_402, %exp3A_400 : vector<16xf32>
      %div3A_404 = arith.divf %exp3A_400, %add3A_403 : vector<16xf32>
      %mul3A_405 = arith.mulf %div3A_404, %div3A_404 : vector<16xf32>
      %mul3A_406 = arith.constant 0.111111112 : f32
      %mul3A_407 = vector.broadcast %mul3A_406 : f32 to vector<16xf32>
      %mul3A_408 = arith.mulf %mul3A_405, %mul3A_407 : vector<16xf32>
      %add3A_409 = arith.constant 0.142857149 : f32
      %add3A_410 = vector.broadcast %add3A_409 : f32 to vector<16xf32>
      %add3A_411 = arith.addf %add3A_410, %mul3A_408 : vector<16xf32>
      %mul3A_412 = arith.mulf %mul3A_405, %add3A_411 : vector<16xf32>
      %add3A_413 = arith.constant 2.000000e-01 : f32
      %add3A_414 = vector.broadcast %add3A_413 : f32 to vector<16xf32>
      %add3A_415 = arith.addf %add3A_414, %mul3A_412 : vector<16xf32>
      %mul3A_416 = arith.mulf %mul3A_405, %add3A_415 : vector<16xf32>
      %add3A_417 = arith.constant 0.333333343 : f32
      %add3A_418 = vector.broadcast %add3A_417 : f32 to vector<16xf32>
      %add3A_419 = arith.addf %add3A_418, %mul3A_416 : vector<16xf32>
      %mul3A_420 = arith.constant 2.000000e+00 : f32
      %mul3A_421 = vector.broadcast %mul3A_420 : f32 to vector<16xf32>
      %mul3A_422 = arith.mulf %mul3A_421, %div3A_404 : vector<16xf32>
      %mul3A_423 = arith.mulf %mul3A_405, %add3A_419 : vector<16xf32>
      %add3A_424 = arith.constant 1.000000e+00 : f32
      %add3A_425 = vector.broadcast %add3A_424 : f32 to vector<16xf32>
      %add3A_426 = arith.addf %add3A_425, %mul3A_423 : vector<16xf32>
      %mul3A_427 = arith.mulf %mul3A_422, %add3A_426 : vector<16xf32>
      %max3A_428 = arith.constant 0.000000e+00 : f32
      %max3A_429 = vector.broadcast %max3A_428 : f32 to vector<16xf32>
      %max3A_430 = arith.maximumf %gather3A_395, %max3A_429 : vector<16xf32>
      %add3A_431 = arith.addf %max3A_430, %mul3A_427 : vector<16xf32>
      tpu.vector_store_idx %arg6[%add3A_387, %add3A_387], %add3A_431 : memref<128x128xf32, #tpu.memory_space<vmem>>[vector<16xi32>, vector<16xi32>], vector<16xf32>,
      %add3A_432 = arith.constant 112 : i32
      %add3A_433 = vector.broadcast %add3A_432 : i32 to vector<16xi32>
      %add3A_434 = arith.addi %iota3A, %add3A_433 : vector<16xi32>
      %add3A_435 = arith.constant 3 : i32
      %add3A_436 = vector.broadcast %add3A_435 : i32 to vector<16xi32>
      %add3A_437 = arith.addi %add3A_434, %add3A_436 : vector<16xi32>
      %mul3A_438 = arith.muli %add3A_434, %add3A_437 : vector<16xi32>
      %shift_right_arithmetic3A_439 = arith.constant 1 : i32
      %shift_right_arithmetic3A_440 = vector.broadcast %shift_right_arithmetic3A_439 : i32 to vector<16xi32>
      %shift_right_arithmetic3A_441 = arith.shrsi %mul3A_438, %shift_right_arithmetic3A_440 : vector<16xi32>
      %gather3A_442 = tpu.vector_load_idx %arg4[%shift_right_arithmetic3A_441] : memref<8256xf32, #tpu.memory_space<vmem>>[vector<16xi32>], vector<16xf32>,
      %abs3A_443 = math.absf %gather3A_442 : vector<16xf32>
      %neg3A_444 = arith.constant 0.000000e+00 : f32
      %neg3A_445 = vector.broadcast %neg3A_444 : f32 to vector<16xf32>
      %neg3A_446 = arith.subf %neg3A_445, %abs3A_443 : vector<16xf32>
      %exp3A_447 = math.exp %neg3A_446 : vector<16xf32>
      %add3A_448 = arith.constant 2.000000e+00 : f32
      %add3A_449 = vector.broadcast %add3A_448 : f32 to vector<16xf32>
      %add3A_450 = arith.addf %add3A_449, %exp3A_447 : vector<16xf32>
      %div3A_451 = arith.divf %exp3A_447, %add3A_450 : vector<16xf32>
      %mul3A_452 = arith.mulf %div3A_451, %div3A_451 : vector<16xf32>
      %mul3A_453 = arith.constant 0.111111112 : f32
      %mul3A_454 = vector.broadcast %mul3A_453 : f32 to vector<16xf32>
      %mul3A_455 = arith.mulf %mul3A_452, %mul3A_454 : vector<16xf32>
      %add3A_456 = arith.constant 0.142857149 : f32
      %add3A_457 = vector.broadcast %add3A_456 : f32 to vector<16xf32>
      %add3A_458 = arith.addf %add3A_457, %mul3A_455 : vector<16xf32>
      %mul3A_459 = arith.mulf %mul3A_452, %add3A_458 : vector<16xf32>
      %add3A_460 = arith.constant 2.000000e-01 : f32
      %add3A_461 = vector.broadcast %add3A_460 : f32 to vector<16xf32>
      %add3A_462 = arith.addf %add3A_461, %mul3A_459 : vector<16xf32>
      %mul3A_463 = arith.mulf %mul3A_452, %add3A_462 : vector<16xf32>
      %add3A_464 = arith.constant 0.333333343 : f32
      %add3A_465 = vector.broadcast %add3A_464 : f32 to vector<16xf32>
      %add3A_466 = arith.addf %add3A_465, %mul3A_463 : vector<16xf32>
      %mul3A_467 = arith.constant 2.000000e+00 : f32
      %mul3A_468 = vector.broadcast %mul3A_467 : f32 to vector<16xf32>
      %mul3A_469 = arith.mulf %mul3A_468, %div3A_451 : vector<16xf32>
      %mul3A_470 = arith.mulf %mul3A_452, %add3A_466 : vector<16xf32>
      %add3A_471 = arith.constant 1.000000e+00 : f32
      %add3A_472 = vector.broadcast %add3A_471 : f32 to vector<16xf32>
      %add3A_473 = arith.addf %add3A_472, %mul3A_470 : vector<16xf32>
      %mul3A_474 = arith.mulf %mul3A_469, %add3A_473 : vector<16xf32>
      %max3A_475 = arith.constant 0.000000e+00 : f32
      %max3A_476 = vector.broadcast %max3A_475 : f32 to vector<16xf32>
      %max3A_477 = arith.maximumf %gather3A_442, %max3A_476 : vector<16xf32>
      %add3A_478 = arith.addf %max3A_477, %mul3A_474 : vector<16xf32>
      tpu.vector_store_idx %arg6[%add3A_434, %add3A_434], %add3A_478 : memref<128x128xf32, #tpu.memory_space<vmem>>[vector<16xi32>, vector<16xi32>], vector<16xf32>,
      %add3A_479 = arith.addi %mul3A_2, %add3A_56 : i32
      %dma_start3A_480 = arith.constant 0 : i32
      %dma_start3A_481 = arith.constant 0 : i32
      %dma_start3A_482 = tpu.memref_slice %arg3[%add3A_479, %dma_start3A_480, %dma_start3A_481] : memref<4096x128x128xf32, #tpu.memory_space<hbm>> -> memref<1x128x128xf32, #tpu.memory_space<hbm>>
      %dma_start3A_483 = tpu.memref_squeeze %dma_start3A_482 : memref<1x128x128xf32, #tpu.memory_space<hbm>> -> memref<128x128xf32, #tpu.memory_space<hbm>>
      %dma_start3A_484 = arith.constant 0 : i32
      %dma_start3A_485 = arith.constant 0 : i32
      %dma_start3A_486 = tpu.memref_slice %arg3[%add3A_479, %dma_start3A_484, %dma_start3A_485] : memref<4096x128x128xf32, #tpu.memory_space<hbm>> -> memref<1x128x128xf32, #tpu.memory_space<hbm>>
      %dma_start3A_487 = tpu.memref_squeeze %dma_start3A_486 : memref<1x128x128xf32, #tpu.memory_space<hbm>> -> memref<128x128xf32, #tpu.memory_space<hbm>>
      tpu.enqueue_dma source(%arg6 : memref<128x128xf32, #tpu.memory_space<vmem>>) target(%dma_start3A_487 : memref<128x128xf32, #tpu.memory_space<hbm>>) target_semaphore(%arg10 : memref<!tpu.dma_semaphore, #tpu.memory_space<semaphore_mem>>)
      %add3A_488 = arith.constant 2 : i32
      %add3A_489 = arith.addi %add3A_56, %add3A_488 : i32
      %lt3A = arith.constant 128 : i32
      %lt3A_490 = arith.cmpi slt, %add3A_489, %lt3A : i32
      %convert_element_type3A_491 = arith.extui %lt3A_490 : i1 to i32
      %cond3A_492 = arith.constant 0 : i32
      %cond3A_493 = arith.cmpi ne, %convert_element_type3A_491, %cond3A_492 : i32
      scf.if %cond3A_493 {
        %add3A_948 = arith.constant 2 : i32
        %add3A_949 = arith.addi %add3A_56, %add3A_948 : i32
        %add3A_950 = arith.addi %mul3A_2, %add3A_949 : i32
        %dma_start3A_951 = arith.constant 0 : i32
        %dma_start3A_952 = tpu.memref_slice %arg2[%add3A_950, %dma_start3A_951] : memref<4096x8256xf32, #tpu.memory_space<hbm>> -> memref<1x8256xf32, #tpu.memory_space<hbm>>
        %dma_start3A_953 = tpu.memref_squeeze %dma_start3A_952 : memref<1x8256xf32, #tpu.memory_space<hbm>> -> memref<8256xf32, #tpu.memory_space<hbm>>
        %dma_start3A_954 = arith.constant 0 : i32
        %dma_start3A_955 = tpu.memref_slice %arg2[%add3A_950, %dma_start3A_954] : memref<4096x8256xf32, #tpu.memory_space<hbm>> -> memref<1x8256xf32, #tpu.memory_space<hbm>>
        %dma_start3A_956 = tpu.memref_squeeze %dma_start3A_955 : memref<1x8256xf32, #tpu.memory_space<hbm>> -> memref<8256xf32, #tpu.memory_space<hbm>>
        tpu.enqueue_dma source(%dma_start3A_956 : memref<8256xf32, #tpu.memory_space<hbm>>) target(%arg4 : memref<8256xf32, #tpu.memory_space<vmem>>) target_semaphore(%arg8 : memref<!tpu.dma_semaphore, #tpu.memory_space<semaphore_mem>>)
      } else {
      }
      %mul3A_494 = arith.constant 2 : i32
      %mul3A_495 = arith.muli %scan3A_51, %mul3A_494 : i32
      %add3A_496 = arith.constant 1 : i32
      %add3A_497 = arith.addi %mul3A_495, %add3A_496 : i32
      %add3A_498 = arith.addi %mul3A_2, %add3A_497 : i32
      %dma_wait3A_499 = arith.constant 0 : i32
      %dma_wait3A_500 = tpu.memref_slice %arg2[%add3A_498, %dma_wait3A_499] : memref<4096x8256xf32, #tpu.memory_space<hbm>> -> memref<1x8256xf32, #tpu.memory_space<hbm>>
      %dma_wait3A_501 = tpu.memref_squeeze %dma_wait3A_500 : memref<1x8256xf32, #tpu.memory_space<hbm>> -> memref<8256xf32, #tpu.memory_space<hbm>>
      %dma_wait3A_502 = arith.constant 0 : i32
      %dma_wait3A_503 = tpu.memref_slice %arg2[%add3A_498, %dma_wait3A_502] : memref<4096x8256xf32, #tpu.memory_space<hbm>> -> memref<1x8256xf32, #tpu.memory_space<hbm>>
      %dma_wait3A_504 = tpu.memref_squeeze %dma_wait3A_503 : memref<1x8256xf32, #tpu.memory_space<hbm>> -> memref<8256xf32, #tpu.memory_space<hbm>>
      tpu.wait_dma2 semaphore(%arg9 : memref<!tpu.dma_semaphore, #tpu.memory_space<semaphore_mem>>) src(%dma_wait3A_504 : memref<8256xf32, #tpu.memory_space<hbm>>) dst(%arg5 : memref<8256xf32, #tpu.memory_space<vmem>>)
      %ge3A_505 = arith.constant 2 : i32
      %ge3A_506 = arith.cmpi sge, %add3A_497, %ge3A_505 : i32
      %convert_element_type3A_507 = arith.extui %ge3A_506 : i1 to i32
      %cond3A_508 = arith.constant 0 : i32
      %cond3A_509 = arith.cmpi ne, %convert_element_type3A_507, %cond3A_508 : i32
      scf.if %cond3A_509 {
        %sub3A = arith.constant 2 : i32
        %sub3A_948 = arith.subi %add3A_497, %sub3A : i32
        %add3A_949 = arith.addi %mul3A_2, %sub3A_948 : i32
        %dma_wait3A_950 = arith.constant 0 : i32
        %dma_wait3A_951 = arith.constant 0 : i32
        %dma_wait3A_952 = tpu.memref_slice %arg3[%add3A_949, %dma_wait3A_950, %dma_wait3A_951] : memref<4096x128x128xf32, #tpu.memory_space<hbm>> -> memref<1x128x128xf32, #tpu.memory_space<hbm>>
        %dma_wait3A_953 = tpu.memref_squeeze %dma_wait3A_952 : memref<1x128x128xf32, #tpu.memory_space<hbm>> -> memref<128x128xf32, #tpu.memory_space<hbm>>
        %dma_wait3A_954 = arith.constant 0 : i32
        %dma_wait3A_955 = arith.constant 0 : i32
        %dma_wait3A_956 = tpu.memref_slice %arg3[%add3A_949, %dma_wait3A_954, %dma_wait3A_955] : memref<4096x128x128xf32, #tpu.memory_space<hbm>> -> memref<1x128x128xf32, #tpu.memory_space<hbm>>
        %dma_wait3A_957 = tpu.memref_squeeze %dma_wait3A_956 : memref<1x128x128xf32, #tpu.memory_space<hbm>> -> memref<128x128xf32, #tpu.memory_space<hbm>>
        tpu.wait_dma2 semaphore(%arg11 : memref<!tpu.dma_semaphore, #tpu.memory_space<semaphore_mem>>) src(%arg7 : memref<128x128xf32, #tpu.memory_space<vmem>>) dst(%dma_wait3A_957 : memref<128x128xf32, #tpu.memory_space<hbm>>)
      } else {
      }
      %add3A_510 = arith.constant 0 : i32
      %add3A_511 = vector.broadcast %add3A_510 : i32 to vector<16xi32>
      %add3A_512 = arith.addi %iota3A, %add3A_511 : vector<16xi32>
      %parallel_loop3A_513 = arith.constant 16 : i32
      %parallel_loop3A_514 = arith.constant 128 : i32
      %parallel_loop3A_515 = arith.constant 1 : i32
      scf.for %parallel_loop3A_948 = %parallel_loop3A_513 to %parallel_loop3A_514 step %parallel_loop3A_515  : i32 {
        %parallel_loop3A_949 = arith.constant 1 : i32
        %parallel_loop3A_950 = arith.addi %parallel_loop3A_948, %parallel_loop3A_949 : i32
        %parallel_loop3A_951 = arith.muli %parallel_loop3A_948, %parallel_loop3A_950 : i32
        %parallel_loop3A_952 = arith.constant 1 : i32
        %parallel_loop3A_953 = arith.shrsi %parallel_loop3A_951, %parallel_loop3A_952 : i32
        %parallel_loop3A_954 = vector.broadcast %parallel_loop3A_953 : i32 to vector<16xi32>
        %parallel_loop3A_955 = arith.addi %parallel_loop3A_954, %add3A_512 : vector<16xi32>
        %parallel_loop3A_956 = tpu.vector_load_idx %arg5[%parallel_loop3A_955] : memref<8256xf32, #tpu.memory_space<vmem>>[vector<16xi32>], vector<16xf32>,
        %parallel_loop3A_957 = arith.index_cast %parallel_loop3A_948 : i32 to index
        %parallel_loop3A_958 = arith.constant 0 : index
        %parallel_loop3A_959 = tpu.vector_load %arg7[%parallel_loop3A_957, %parallel_loop3A_958] {strides = array<i32>} : memref<128x128xf32, #tpu.memory_space<vmem>>, vector<16xf32>,
        tpu.vector_store %arg7[%parallel_loop3A_957, %parallel_loop3A_958], %parallel_loop3A_956 {strides = array<i32>} : memref<128x128xf32, #tpu.memory_space<vmem>>, vector<16xf32>,
      } {sc.loop_unroll_factor = 16 : i64, sc.parallel_access}
      %add3A_516 = arith.constant 16 : i32
      %add3A_517 = vector.broadcast %add3A_516 : i32 to vector<16xi32>
      %add3A_518 = arith.addi %iota3A, %add3A_517 : vector<16xi32>
      %parallel_loop3A_519 = arith.constant 32 : i32
      %parallel_loop3A_520 = arith.constant 128 : i32
      %parallel_loop3A_521 = arith.constant 1 : i32
      scf.for %parallel_loop3A_948 = %parallel_loop3A_519 to %parallel_loop3A_520 step %parallel_loop3A_521  : i32 {
        %parallel_loop3A_949 = arith.constant 1 : i32
        %parallel_loop3A_950 = arith.addi %parallel_loop3A_948, %parallel_loop3A_949 : i32
        %parallel_loop3A_951 = arith.muli %parallel_loop3A_948, %parallel_loop3A_950 : i32
        %parallel_loop3A_952 = arith.constant 1 : i32
        %parallel_loop3A_953 = arith.shrsi %parallel_loop3A_951, %parallel_loop3A_952 : i32
        %parallel_loop3A_954 = vector.broadcast %parallel_loop3A_953 : i32 to vector<16xi32>
        %parallel_loop3A_955 = arith.addi %parallel_loop3A_954, %add3A_518 : vector<16xi32>
        %parallel_loop3A_956 = tpu.vector_load_idx %arg5[%parallel_loop3A_955] : memref<8256xf32, #tpu.memory_space<vmem>>[vector<16xi32>], vector<16xf32>,
        %parallel_loop3A_957 = arith.index_cast %parallel_loop3A_948 : i32 to index
        %parallel_loop3A_958 = arith.constant 16 : index
        %parallel_loop3A_959 = tpu.vector_load %arg7[%parallel_loop3A_957, %parallel_loop3A_958] {strides = array<i32>} : memref<128x128xf32, #tpu.memory_space<vmem>>, vector<16xf32>,
        tpu.vector_store %arg7[%parallel_loop3A_957, %parallel_loop3A_958], %parallel_loop3A_956 {strides = array<i32>} : memref<128x128xf32, #tpu.memory_space<vmem>>, vector<16xf32>,
      } {sc.loop_unroll_factor = 16 : i64, sc.parallel_access}
      %add3A_522 = arith.constant 32 : i32
      %add3A_523 = vector.broadcast %add3A_522 : i32 to vector<16xi32>
      %add3A_524 = arith.addi %iota3A, %add3A_523 : vector<16xi32>
      %parallel_loop3A_525 = arith.constant 48 : i32
      %parallel_loop3A_526 = arith.constant 128 : i32
      %parallel_loop3A_527 = arith.constant 1 : i32
      scf.for %parallel_loop3A_948 = %parallel_loop3A_525 to %parallel_loop3A_526 step %parallel_loop3A_527  : i32 {
        %parallel_loop3A_949 = arith.constant 1 : i32
        %parallel_loop3A_950 = arith.addi %parallel_loop3A_948, %parallel_loop3A_949 : i32
        %parallel_loop3A_951 = arith.muli %parallel_loop3A_948, %parallel_loop3A_950 : i32
        %parallel_loop3A_952 = arith.constant 1 : i32
        %parallel_loop3A_953 = arith.shrsi %parallel_loop3A_951, %parallel_loop3A_952 : i32
        %parallel_loop3A_954 = vector.broadcast %parallel_loop3A_953 : i32 to vector<16xi32>
        %parallel_loop3A_955 = arith.addi %parallel_loop3A_954, %add3A_524 : vector<16xi32>
        %parallel_loop3A_956 = tpu.vector_load_idx %arg5[%parallel_loop3A_955] : memref<8256xf32, #tpu.memory_space<vmem>>[vector<16xi32>], vector<16xf32>,
        %parallel_loop3A_957 = arith.index_cast %parallel_loop3A_948 : i32 to index
        %parallel_loop3A_958 = arith.constant 32 : index
        %parallel_loop3A_959 = tpu.vector_load %arg7[%parallel_loop3A_957, %parallel_loop3A_958] {strides = array<i32>} : memref<128x128xf32, #tpu.memory_space<vmem>>, vector<16xf32>,
        tpu.vector_store %arg7[%parallel_loop3A_957, %parallel_loop3A_958], %parallel_loop3A_956 {strides = array<i32>} : memref<128x128xf32, #tpu.memory_space<vmem>>, vector<16xf32>,
      } {sc.loop_unroll_factor = 16 : i64, sc.parallel_access}
      %add3A_528 = arith.constant 48 : i32
      %add3A_529 = vector.broadcast %add3A_528 : i32 to vector<16xi32>
      %add3A_530 = arith.addi %iota3A, %add3A_529 : vector<16xi32>
      %parallel_loop3A_531 = arith.constant 64 : i32
      %parallel_loop3A_532 = arith.constant 128 : i32
      %parallel_loop3A_533 = arith.constant 1 : i32
      scf.for %parallel_loop3A_948 = %parallel_loop3A_531 to %parallel_loop3A_532 step %parallel_loop3A_533  : i32 {
        %parallel_loop3A_949 = arith.constant 1 : i32
        %parallel_loop3A_950 = arith.addi %parallel_loop3A_948, %parallel_loop3A_949 : i32
        %parallel_loop3A_951 = arith.muli %parallel_loop3A_948, %parallel_loop3A_950 : i32
        %parallel_loop3A_952 = arith.constant 1 : i32
        %parallel_loop3A_953 = arith.shrsi %parallel_loop3A_951, %parallel_loop3A_952 : i32
        %parallel_loop3A_954 = vector.broadcast %parallel_loop3A_953 : i32 to vector<16xi32>
        %parallel_loop3A_955 = arith.addi %parallel_loop3A_954, %add3A_530 : vector<16xi32>
        %parallel_loop3A_956 = tpu.vector_load_idx %arg5[%parallel_loop3A_955] : memref<8256xf32, #tpu.memory_space<vmem>>[vector<16xi32>], vector<16xf32>,
        %parallel_loop3A_957 = arith.index_cast %parallel_loop3A_948 : i32 to index
        %parallel_loop3A_958 = arith.constant 48 : index
        %parallel_loop3A_959 = tpu.vector_load %arg7[%parallel_loop3A_957, %parallel_loop3A_958] {strides = array<i32>} : memref<128x128xf32, #tpu.memory_space<vmem>>, vector<16xf32>,
        tpu.vector_store %arg7[%parallel_loop3A_957, %parallel_loop3A_958], %parallel_loop3A_956 {strides = array<i32>} : memref<128x128xf32, #tpu.memory_space<vmem>>, vector<16xf32>,
      } {sc.loop_unroll_factor = 16 : i64, sc.parallel_access}
      %add3A_534 = arith.constant 64 : i32
      %add3A_535 = vector.broadcast %add3A_534 : i32 to vector<16xi32>
      %add3A_536 = arith.addi %iota3A, %add3A_535 : vector<16xi32>
      %parallel_loop3A_537 = arith.constant 80 : i32
      %parallel_loop3A_538 = arith.constant 128 : i32
      %parallel_loop3A_539 = arith.constant 1 : i32
      scf.for %parallel_loop3A_948 = %parallel_loop3A_537 to %parallel_loop3A_538 step %parallel_loop3A_539  : i32 {
        %parallel_loop3A_949 = arith.constant 1 : i32
        %parallel_loop3A_950 = arith.addi %parallel_loop3A_948, %parallel_loop3A_949 : i32
        %parallel_loop3A_951 = arith.muli %parallel_loop3A_948, %parallel_loop3A_950 : i32
        %parallel_loop3A_952 = arith.constant 1 : i32
        %parallel_loop3A_953 = arith.shrsi %parallel_loop3A_951, %parallel_loop3A_952 : i32
        %parallel_loop3A_954 = vector.broadcast %parallel_loop3A_953 : i32 to vector<16xi32>
        %parallel_loop3A_955 = arith.addi %parallel_loop3A_954, %add3A_536 : vector<16xi32>
        %parallel_loop3A_956 = tpu.vector_load_idx %arg5[%parallel_loop3A_955] : memref<8256xf32, #tpu.memory_space<vmem>>[vector<16xi32>], vector<16xf32>,
        %parallel_loop3A_957 = arith.index_cast %parallel_loop3A_948 : i32 to index
        %parallel_loop3A_958 = arith.constant 64 : index
        %parallel_loop3A_959 = tpu.vector_load %arg7[%parallel_loop3A_957, %parallel_loop3A_958] {strides = array<i32>} : memref<128x128xf32, #tpu.memory_space<vmem>>, vector<16xf32>,
        tpu.vector_store %arg7[%parallel_loop3A_957, %parallel_loop3A_958], %parallel_loop3A_956 {strides = array<i32>} : memref<128x128xf32, #tpu.memory_space<vmem>>, vector<16xf32>,
      } {sc.loop_unroll_factor = 16 : i64, sc.parallel_access}
      %add3A_540 = arith.constant 80 : i32
      %add3A_541 = vector.broadcast %add3A_540 : i32 to vector<16xi32>
      %add3A_542 = arith.addi %iota3A, %add3A_541 : vector<16xi32>
      %parallel_loop3A_543 = arith.constant 96 : i32
      %parallel_loop3A_544 = arith.constant 128 : i32
      %parallel_loop3A_545 = arith.constant 1 : i32
      scf.for %parallel_loop3A_948 = %parallel_loop3A_543 to %parallel_loop3A_544 step %parallel_loop3A_545  : i32 {
        %parallel_loop3A_949 = arith.constant 1 : i32
        %parallel_loop3A_950 = arith.addi %parallel_loop3A_948, %parallel_loop3A_949 : i32
        %parallel_loop3A_951 = arith.muli %parallel_loop3A_948, %parallel_loop3A_950 : i32
        %parallel_loop3A_952 = arith.constant 1 : i32
        %parallel_loop3A_953 = arith.shrsi %parallel_loop3A_951, %parallel_loop3A_952 : i32
        %parallel_loop3A_954 = vector.broadcast %parallel_loop3A_953 : i32 to vector<16xi32>
        %parallel_loop3A_955 = arith.addi %parallel_loop3A_954, %add3A_542 : vector<16xi32>
        %parallel_loop3A_956 = tpu.vector_load_idx %arg5[%parallel_loop3A_955] : memref<8256xf32, #tpu.memory_space<vmem>>[vector<16xi32>], vector<16xf32>,
        %parallel_loop3A_957 = arith.index_cast %parallel_loop3A_948 : i32 to index
        %parallel_loop3A_958 = arith.constant 80 : index
        %parallel_loop3A_959 = tpu.vector_load %arg7[%parallel_loop3A_957, %parallel_loop3A_958] {strides = array<i32>} : memref<128x128xf32, #tpu.memory_space<vmem>>, vector<16xf32>,
        tpu.vector_store %arg7[%parallel_loop3A_957, %parallel_loop3A_958], %parallel_loop3A_956 {strides = array<i32>} : memref<128x128xf32, #tpu.memory_space<vmem>>, vector<16xf32>,
      } {sc.loop_unroll_factor = 16 : i64, sc.parallel_access}
      %add3A_546 = arith.constant 96 : i32
      %add3A_547 = vector.broadcast %add3A_546 : i32 to vector<16xi32>
      %add3A_548 = arith.addi %iota3A, %add3A_547 : vector<16xi32>
      %parallel_loop3A_549 = arith.constant 112 : i32
      %parallel_loop3A_550 = arith.constant 128 : i32
      %parallel_loop3A_551 = arith.constant 1 : i32
      scf.for %parallel_loop3A_948 = %parallel_loop3A_549 to %parallel_loop3A_550 step %parallel_loop3A_551  : i32 {
        %parallel_loop3A_949 = arith.constant 1 : i32
        %parallel_loop3A_950 = arith.addi %parallel_loop3A_948, %parallel_loop3A_949 : i32
        %parallel_loop3A_951 = arith.muli %parallel_loop3A_948, %parallel_loop3A_950 : i32
        %parallel_loop3A_952 = arith.constant 1 : i32
        %parallel_loop3A_953 = arith.shrsi %parallel_loop3A_951, %parallel_loop3A_952 : i32
        %parallel_loop3A_954 = vector.broadcast %parallel_loop3A_953 : i32 to vector<16xi32>
        %parallel_loop3A_955 = arith.addi %parallel_loop3A_954, %add3A_548 : vector<16xi32>
        %parallel_loop3A_956 = tpu.vector_load_idx %arg5[%parallel_loop3A_955] : memref<8256xf32, #tpu.memory_space<vmem>>[vector<16xi32>], vector<16xf32>,
        %parallel_loop3A_957 = arith.index_cast %parallel_loop3A_948 : i32 to index
        %parallel_loop3A_958 = arith.constant 96 : index
        %parallel_loop3A_959 = tpu.vector_load %arg7[%parallel_loop3A_957, %parallel_loop3A_958] {strides = array<i32>} : memref<128x128xf32, #tpu.memory_space<vmem>>, vector<16xf32>,
        tpu.vector_store %arg7[%parallel_loop3A_957, %parallel_loop3A_958], %parallel_loop3A_956 {strides = array<i32>} : memref<128x128xf32, #tpu.memory_space<vmem>>, vector<16xf32>,
      } {sc.loop_unroll_factor = 16 : i64, sc.parallel_access}
      %parallel_loop3A_552 = arith.constant 0 : i32
      %parallel_loop3A_553 = arith.constant 128 : i32
      %parallel_loop3A_554 = arith.constant 1 : i32
      scf.for %parallel_loop3A_948 = %parallel_loop3A_552 to %parallel_loop3A_553 step %parallel_loop3A_554  : i32 {
        %parallel_loop3A_949 = arith.constant 1 : i32
        %parallel_loop3A_950 = arith.addi %parallel_loop3A_948, %parallel_loop3A_949 : i32
        %parallel_loop3A_951 = arith.muli %parallel_loop3A_948, %parallel_loop3A_950 : i32
        %parallel_loop3A_952 = arith.constant 1 : i32
        %parallel_loop3A_953 = arith.shrsi %parallel_loop3A_951, %parallel_loop3A_952 : i32
        %parallel_loop3A_954 = arith.constant 4 : i32
        %parallel_loop3A_955 = arith.shrsi %parallel_loop3A_948, %parallel_loop3A_954 : i32
        %parallel_loop3A_956 = arith.constant 16 : i32
        %parallel_loop3A_957 = arith.muli %parallel_loop3A_955, %parallel_loop3A_956 : i32
        %parallel_loop3A_958 = tpu.assume_multiple %parallel_loop3A_957, 16 : i32
        %parallel_loop3A_959 = arith.addi %parallel_loop3A_953, %parallel_loop3A_958 : i32
        %parallel_loop3A_960 = vector.broadcast %parallel_loop3A_959 : i32 to vector<16xi32>
        %parallel_loop3A_961 = arith.addi %parallel_loop3A_960, %iota3A : vector<16xi32>
        %parallel_loop3A_962 = tpu.vector_load_idx %arg5[%parallel_loop3A_961] : memref<8256xf32, #tpu.memory_space<vmem>>[vector<16xi32>], vector<16xf32>,
        %parallel_loop3A_963 = arith.constant 15 : i32
        %parallel_loop3A_964 = arith.andi %parallel_loop3A_948, %parallel_loop3A_963 : i32
        %parallel_loop3A_965 = vector.broadcast %parallel_loop3A_964 : i32 to vector<16xi32>
        %parallel_loop3A_966 = arith.cmpi slt, %iota3A, %parallel_loop3A_965 : vector<16xi32>
        %parallel_loop3A_967 = arith.constant 0.000000e+00 : f32
        %parallel_loop3A_968 = vector.broadcast %parallel_loop3A_967 : f32 to vector<16xf32>
        %parallel_loop3A_969 = arith.select %parallel_loop3A_966, %parallel_loop3A_962, %parallel_loop3A_968 : vector<16xi1>, vector<16xf32>
        %parallel_loop3A_970 = arith.index_cast %parallel_loop3A_948 : i32 to index
        %parallel_loop3A_971 = arith.index_cast %parallel_loop3A_958 : i32 to index
        %parallel_loop3A_972 = tpu.vector_load %arg7[%parallel_loop3A_970, %parallel_loop3A_971] {strides = array<i32>} : memref<128x128xf32, #tpu.memory_space<vmem>>, vector<16xf32>,
        tpu.vector_store %arg7[%parallel_loop3A_970, %parallel_loop3A_971], %parallel_loop3A_969 {strides = array<i32>} : memref<128x128xf32, #tpu.memory_space<vmem>>, vector<16xf32>,
      } {sc.loop_unroll_factor = 8 : i64, sc.parallel_access}
      %add3A_555 = arith.constant 0 : i32
      %add3A_556 = vector.broadcast %add3A_555 : i32 to vector<16xi32>
      %add3A_557 = arith.addi %iota3A, %add3A_556 : vector<16xi32>
      %add3A_558 = arith.constant 3 : i32
      %add3A_559 = vector.broadcast %add3A_558 : i32 to vector<16xi32>
      %add3A_560 = arith.addi %add3A_557, %add3A_559 : vector<16xi32>
      %mul3A_561 = arith.muli %add3A_557, %add3A_560 : vector<16xi32>
      %shift_right_arithmetic3A_562 = arith.constant 1 : i32
      %shift_right_arithmetic3A_563 = vector.broadcast %shift_right_arithmetic3A_562 : i32 to vector<16xi32>
      %shift_right_arithmetic3A_564 = arith.shrsi %mul3A_561, %shift_right_arithmetic3A_563 : vector<16xi32>
      %gather3A_565 = tpu.vector_load_idx %arg5[%shift_right_arithmetic3A_564] : memref<8256xf32, #tpu.memory_space<vmem>>[vector<16xi32>], vector<16xf32>,
      %abs3A_566 = math.absf %gather3A_565 : vector<16xf32>
      %neg3A_567 = arith.constant 0.000000e+00 : f32
      %neg3A_568 = vector.broadcast %neg3A_567 : f32 to vector<16xf32>
      %neg3A_569 = arith.subf %neg3A_568, %abs3A_566 : vector<16xf32>
      %exp3A_570 = math.exp %neg3A_569 : vector<16xf32>
      %add3A_571 = arith.constant 2.000000e+00 : f32
      %add3A_572 = vector.broadcast %add3A_571 : f32 to vector<16xf32>
      %add3A_573 = arith.addf %add3A_572, %exp3A_570 : vector<16xf32>
      %div3A_574 = arith.divf %exp3A_570, %add3A_573 : vector<16xf32>
      %mul3A_575 = arith.mulf %div3A_574, %div3A_574 : vector<16xf32>
      %mul3A_576 = arith.constant 0.111111112 : f32
      %mul3A_577 = vector.broadcast %mul3A_576 : f32 to vector<16xf32>
      %mul3A_578 = arith.mulf %mul3A_575, %mul3A_577 : vector<16xf32>
      %add3A_579 = arith.constant 0.142857149 : f32
      %add3A_580 = vector.broadcast %add3A_579 : f32 to vector<16xf32>
      %add3A_581 = arith.addf %add3A_580, %mul3A_578 : vector<16xf32>
      %mul3A_582 = arith.mulf %mul3A_575, %add3A_581 : vector<16xf32>
      %add3A_583 = arith.constant 2.000000e-01 : f32
      %add3A_584 = vector.broadcast %add3A_583 : f32 to vector<16xf32>
      %add3A_585 = arith.addf %add3A_584, %mul3A_582 : vector<16xf32>
      %mul3A_586 = arith.mulf %mul3A_575, %add3A_585 : vector<16xf32>
      %add3A_587 = arith.constant 0.333333343 : f32
      %add3A_588 = vector.broadcast %add3A_587 : f32 to vector<16xf32>
      %add3A_589 = arith.addf %add3A_588, %mul3A_586 : vector<16xf32>
      %mul3A_590 = arith.constant 2.000000e+00 : f32
      %mul3A_591 = vector.broadcast %mul3A_590 : f32 to vector<16xf32>
      %mul3A_592 = arith.mulf %mul3A_591, %div3A_574 : vector<16xf32>
      %mul3A_593 = arith.mulf %mul3A_575, %add3A_589 : vector<16xf32>
      %add3A_594 = arith.constant 1.000000e+00 : f32
      %add3A_595 = vector.broadcast %add3A_594 : f32 to vector<16xf32>
      %add3A_596 = arith.addf %add3A_595, %mul3A_593 : vector<16xf32>
      %mul3A_597 = arith.mulf %mul3A_592, %add3A_596 : vector<16xf32>
      %max3A_598 = arith.constant 0.000000e+00 : f32
      %max3A_599 = vector.broadcast %max3A_598 : f32 to vector<16xf32>
      %max3A_600 = arith.maximumf %gather3A_565, %max3A_599 : vector<16xf32>
      %add3A_601 = arith.addf %max3A_600, %mul3A_597 : vector<16xf32>
      tpu.vector_store_idx %arg7[%add3A_557, %add3A_557], %add3A_601 : memref<128x128xf32, #tpu.memory_space<vmem>>[vector<16xi32>, vector<16xi32>], vector<16xf32>,
      %add3A_602 = arith.constant 16 : i32
      %add3A_603 = vector.broadcast %add3A_602 : i32 to vector<16xi32>
      %add3A_604 = arith.addi %iota3A, %add3A_603 : vector<16xi32>
      %add3A_605 = arith.constant 3 : i32
      %add3A_606 = vector.broadcast %add3A_605 : i32 to vector<16xi32>
      %add3A_607 = arith.addi %add3A_604, %add3A_606 : vector<16xi32>
      %mul3A_608 = arith.muli %add3A_604, %add3A_607 : vector<16xi32>
      %shift_right_arithmetic3A_609 = arith.constant 1 : i32
      %shift_right_arithmetic3A_610 = vector.broadcast %shift_right_arithmetic3A_609 : i32 to vector<16xi32>
      %shift_right_arithmetic3A_611 = arith.shrsi %mul3A_608, %shift_right_arithmetic3A_610 : vector<16xi32>
      %gather3A_612 = tpu.vector_load_idx %arg5[%shift_right_arithmetic3A_611] : memref<8256xf32, #tpu.memory_space<vmem>>[vector<16xi32>], vector<16xf32>,
      %abs3A_613 = math.absf %gather3A_612 : vector<16xf32>
      %neg3A_614 = arith.constant 0.000000e+00 : f32
      %neg3A_615 = vector.broadcast %neg3A_614 : f32 to vector<16xf32>
      %neg3A_616 = arith.subf %neg3A_615, %abs3A_613 : vector<16xf32>
      %exp3A_617 = math.exp %neg3A_616 : vector<16xf32>
      %add3A_618 = arith.constant 2.000000e+00 : f32
      %add3A_619 = vector.broadcast %add3A_618 : f32 to vector<16xf32>
      %add3A_620 = arith.addf %add3A_619, %exp3A_617 : vector<16xf32>
      %div3A_621 = arith.divf %exp3A_617, %add3A_620 : vector<16xf32>
      %mul3A_622 = arith.mulf %div3A_621, %div3A_621 : vector<16xf32>
      %mul3A_623 = arith.constant 0.111111112 : f32
      %mul3A_624 = vector.broadcast %mul3A_623 : f32 to vector<16xf32>
      %mul3A_625 = arith.mulf %mul3A_622, %mul3A_624 : vector<16xf32>
      %add3A_626 = arith.constant 0.142857149 : f32
      %add3A_627 = vector.broadcast %add3A_626 : f32 to vector<16xf32>
      %add3A_628 = arith.addf %add3A_627, %mul3A_625 : vector<16xf32>
      %mul3A_629 = arith.mulf %mul3A_622, %add3A_628 : vector<16xf32>
      %add3A_630 = arith.constant 2.000000e-01 : f32
      %add3A_631 = vector.broadcast %add3A_630 : f32 to vector<16xf32>
      %add3A_632 = arith.addf %add3A_631, %mul3A_629 : vector<16xf32>
      %mul3A_633 = arith.mulf %mul3A_622, %add3A_632 : vector<16xf32>
      %add3A_634 = arith.constant 0.333333343 : f32
      %add3A_635 = vector.broadcast %add3A_634 : f32 to vector<16xf32>
      %add3A_636 = arith.addf %add3A_635, %mul3A_633 : vector<16xf32>
      %mul3A_637 = arith.constant 2.000000e+00 : f32
      %mul3A_638 = vector.broadcast %mul3A_637 : f32 to vector<16xf32>
      %mul3A_639 = arith.mulf %mul3A_638, %div3A_621 : vector<16xf32>
      %mul3A_640 = arith.mulf %mul3A_622, %add3A_636 : vector<16xf32>
      %add3A_641 = arith.constant 1.000000e+00 : f32
      %add3A_642 = vector.broadcast %add3A_641 : f32 to vector<16xf32>
      %add3A_643 = arith.addf %add3A_642, %mul3A_640 : vector<16xf32>
      %mul3A_644 = arith.mulf %mul3A_639, %add3A_643 : vector<16xf32>
      %max3A_645 = arith.constant 0.000000e+00 : f32
      %max3A_646 = vector.broadcast %max3A_645 : f32 to vector<16xf32>
      %max3A_647 = arith.maximumf %gather3A_612, %max3A_646 : vector<16xf32>
      %add3A_648 = arith.addf %max3A_647, %mul3A_644 : vector<16xf32>
      tpu.vector_store_idx %arg7[%add3A_604, %add3A_604], %add3A_648 : memref<128x128xf32, #tpu.memory_space<vmem>>[vector<16xi32>, vector<16xi32>], vector<16xf32>,
      %add3A_649 = arith.constant 32 : i32
      %add3A_650 = vector.broadcast %add3A_649 : i32 to vector<16xi32>
      %add3A_651 = arith.addi %iota3A, %add3A_650 : vector<16xi32>
      %add3A_652 = arith.constant 3 : i32
      %add3A_653 = vector.broadcast %add3A_652 : i32 to vector<16xi32>
      %add3A_654 = arith.addi %add3A_651, %add3A_653 : vector<16xi32>
      %mul3A_655 = arith.muli %add3A_651, %add3A_654 : vector<16xi32>
      %shift_right_arithmetic3A_656 = arith.constant 1 : i32
      %shift_right_arithmetic3A_657 = vector.broadcast %shift_right_arithmetic3A_656 : i32 to vector<16xi32>
      %shift_right_arithmetic3A_658 = arith.shrsi %mul3A_655, %shift_right_arithmetic3A_657 : vector<16xi32>
      %gather3A_659 = tpu.vector_load_idx %arg5[%shift_right_arithmetic3A_658] : memref<8256xf32, #tpu.memory_space<vmem>>[vector<16xi32>], vector<16xf32>,
      %abs3A_660 = math.absf %gather3A_659 : vector<16xf32>
      %neg3A_661 = arith.constant 0.000000e+00 : f32
      %neg3A_662 = vector.broadcast %neg3A_661 : f32 to vector<16xf32>
      %neg3A_663 = arith.subf %neg3A_662, %abs3A_660 : vector<16xf32>
      %exp3A_664 = math.exp %neg3A_663 : vector<16xf32>
      %add3A_665 = arith.constant 2.000000e+00 : f32
      %add3A_666 = vector.broadcast %add3A_665 : f32 to vector<16xf32>
      %add3A_667 = arith.addf %add3A_666, %exp3A_664 : vector<16xf32>
      %div3A_668 = arith.divf %exp3A_664, %add3A_667 : vector<16xf32>
      %mul3A_669 = arith.mulf %div3A_668, %div3A_668 : vector<16xf32>
      %mul3A_670 = arith.constant 0.111111112 : f32
      %mul3A_671 = vector.broadcast %mul3A_670 : f32 to vector<16xf32>
      %mul3A_672 = arith.mulf %mul3A_669, %mul3A_671 : vector<16xf32>
      %add3A_673 = arith.constant 0.142857149 : f32
      %add3A_674 = vector.broadcast %add3A_673 : f32 to vector<16xf32>
      %add3A_675 = arith.addf %add3A_674, %mul3A_672 : vector<16xf32>
      %mul3A_676 = arith.mulf %mul3A_669, %add3A_675 : vector<16xf32>
      %add3A_677 = arith.constant 2.000000e-01 : f32
      %add3A_678 = vector.broadcast %add3A_677 : f32 to vector<16xf32>
      %add3A_679 = arith.addf %add3A_678, %mul3A_676 : vector<16xf32>
      %mul3A_680 = arith.mulf %mul3A_669, %add3A_679 : vector<16xf32>
      %add3A_681 = arith.constant 0.333333343 : f32
      %add3A_682 = vector.broadcast %add3A_681 : f32 to vector<16xf32>
      %add3A_683 = arith.addf %add3A_682, %mul3A_680 : vector<16xf32>
      %mul3A_684 = arith.constant 2.000000e+00 : f32
      %mul3A_685 = vector.broadcast %mul3A_684 : f32 to vector<16xf32>
      %mul3A_686 = arith.mulf %mul3A_685, %div3A_668 : vector<16xf32>
      %mul3A_687 = arith.mulf %mul3A_669, %add3A_683 : vector<16xf32>
      %add3A_688 = arith.constant 1.000000e+00 : f32
      %add3A_689 = vector.broadcast %add3A_688 : f32 to vector<16xf32>
      %add3A_690 = arith.addf %add3A_689, %mul3A_687 : vector<16xf32>
      %mul3A_691 = arith.mulf %mul3A_686, %add3A_690 : vector<16xf32>
      %max3A_692 = arith.constant 0.000000e+00 : f32
      %max3A_693 = vector.broadcast %max3A_692 : f32 to vector<16xf32>
      %max3A_694 = arith.maximumf %gather3A_659, %max3A_693 : vector<16xf32>
      %add3A_695 = arith.addf %max3A_694, %mul3A_691 : vector<16xf32>
      tpu.vector_store_idx %arg7[%add3A_651, %add3A_651], %add3A_695 : memref<128x128xf32, #tpu.memory_space<vmem>>[vector<16xi32>, vector<16xi32>], vector<16xf32>,
      %add3A_696 = arith.constant 48 : i32
      %add3A_697 = vector.broadcast %add3A_696 : i32 to vector<16xi32>
      %add3A_698 = arith.addi %iota3A, %add3A_697 : vector<16xi32>
      %add3A_699 = arith.constant 3 : i32
      %add3A_700 = vector.broadcast %add3A_699 : i32 to vector<16xi32>
      %add3A_701 = arith.addi %add3A_698, %add3A_700 : vector<16xi32>
      %mul3A_702 = arith.muli %add3A_698, %add3A_701 : vector<16xi32>
      %shift_right_arithmetic3A_703 = arith.constant 1 : i32
      %shift_right_arithmetic3A_704 = vector.broadcast %shift_right_arithmetic3A_703 : i32 to vector<16xi32>
      %shift_right_arithmetic3A_705 = arith.shrsi %mul3A_702, %shift_right_arithmetic3A_704 : vector<16xi32>
      %gather3A_706 = tpu.vector_load_idx %arg5[%shift_right_arithmetic3A_705] : memref<8256xf32, #tpu.memory_space<vmem>>[vector<16xi32>], vector<16xf32>,
      %abs3A_707 = math.absf %gather3A_706 : vector<16xf32>
      %neg3A_708 = arith.constant 0.000000e+00 : f32
      %neg3A_709 = vector.broadcast %neg3A_708 : f32 to vector<16xf32>
      %neg3A_710 = arith.subf %neg3A_709, %abs3A_707 : vector<16xf32>
      %exp3A_711 = math.exp %neg3A_710 : vector<16xf32>
      %add3A_712 = arith.constant 2.000000e+00 : f32
      %add3A_713 = vector.broadcast %add3A_712 : f32 to vector<16xf32>
      %add3A_714 = arith.addf %add3A_713, %exp3A_711 : vector<16xf32>
      %div3A_715 = arith.divf %exp3A_711, %add3A_714 : vector<16xf32>
      %mul3A_716 = arith.mulf %div3A_715, %div3A_715 : vector<16xf32>
      %mul3A_717 = arith.constant 0.111111112 : f32
      %mul3A_718 = vector.broadcast %mul3A_717 : f32 to vector<16xf32>
      %mul3A_719 = arith.mulf %mul3A_716, %mul3A_718 : vector<16xf32>
      %add3A_720 = arith.constant 0.142857149 : f32
      %add3A_721 = vector.broadcast %add3A_720 : f32 to vector<16xf32>
      %add3A_722 = arith.addf %add3A_721, %mul3A_719 : vector<16xf32>
      %mul3A_723 = arith.mulf %mul3A_716, %add3A_722 : vector<16xf32>
      %add3A_724 = arith.constant 2.000000e-01 : f32
      %add3A_725 = vector.broadcast %add3A_724 : f32 to vector<16xf32>
      %add3A_726 = arith.addf %add3A_725, %mul3A_723 : vector<16xf32>
      %mul3A_727 = arith.mulf %mul3A_716, %add3A_726 : vector<16xf32>
      %add3A_728 = arith.constant 0.333333343 : f32
      %add3A_729 = vector.broadcast %add3A_728 : f32 to vector<16xf32>
      %add3A_730 = arith.addf %add3A_729, %mul3A_727 : vector<16xf32>
      %mul3A_731 = arith.constant 2.000000e+00 : f32
      %mul3A_732 = vector.broadcast %mul3A_731 : f32 to vector<16xf32>
      %mul3A_733 = arith.mulf %mul3A_732, %div3A_715 : vector<16xf32>
      %mul3A_734 = arith.mulf %mul3A_716, %add3A_730 : vector<16xf32>
      %add3A_735 = arith.constant 1.000000e+00 : f32
      %add3A_736 = vector.broadcast %add3A_735 : f32 to vector<16xf32>
      %add3A_737 = arith.addf %add3A_736, %mul3A_734 : vector<16xf32>
      %mul3A_738 = arith.mulf %mul3A_733, %add3A_737 : vector<16xf32>
      %max3A_739 = arith.constant 0.000000e+00 : f32
      %max3A_740 = vector.broadcast %max3A_739 : f32 to vector<16xf32>
      %max3A_741 = arith.maximumf %gather3A_706, %max3A_740 : vector<16xf32>
      %add3A_742 = arith.addf %max3A_741, %mul3A_738 : vector<16xf32>
      tpu.vector_store_idx %arg7[%add3A_698, %add3A_698], %add3A_742 : memref<128x128xf32, #tpu.memory_space<vmem>>[vector<16xi32>, vector<16xi32>], vector<16xf32>,
      %add3A_743 = arith.constant 64 : i32
      %add3A_744 = vector.broadcast %add3A_743 : i32 to vector<16xi32>
      %add3A_745 = arith.addi %iota3A, %add3A_744 : vector<16xi32>
      %add3A_746 = arith.constant 3 : i32
      %add3A_747 = vector.broadcast %add3A_746 : i32 to vector<16xi32>
      %add3A_748 = arith.addi %add3A_745, %add3A_747 : vector<16xi32>
      %mul3A_749 = arith.muli %add3A_745, %add3A_748 : vector<16xi32>
      %shift_right_arithmetic3A_750 = arith.constant 1 : i32
      %shift_right_arithmetic3A_751 = vector.broadcast %shift_right_arithmetic3A_750 : i32 to vector<16xi32>
      %shift_right_arithmetic3A_752 = arith.shrsi %mul3A_749, %shift_right_arithmetic3A_751 : vector<16xi32>
      %gather3A_753 = tpu.vector_load_idx %arg5[%shift_right_arithmetic3A_752] : memref<8256xf32, #tpu.memory_space<vmem>>[vector<16xi32>], vector<16xf32>,
      %abs3A_754 = math.absf %gather3A_753 : vector<16xf32>
      %neg3A_755 = arith.constant 0.000000e+00 : f32
      %neg3A_756 = vector.broadcast %neg3A_755 : f32 to vector<16xf32>
      %neg3A_757 = arith.subf %neg3A_756, %abs3A_754 : vector<16xf32>
      %exp3A_758 = math.exp %neg3A_757 : vector<16xf32>
      %add3A_759 = arith.constant 2.000000e+00 : f32
      %add3A_760 = vector.broadcast %add3A_759 : f32 to vector<16xf32>
      %add3A_761 = arith.addf %add3A_760, %exp3A_758 : vector<16xf32>
      %div3A_762 = arith.divf %exp3A_758, %add3A_761 : vector<16xf32>
      %mul3A_763 = arith.mulf %div3A_762, %div3A_762 : vector<16xf32>
      %mul3A_764 = arith.constant 0.111111112 : f32
      %mul3A_765 = vector.broadcast %mul3A_764 : f32 to vector<16xf32>
      %mul3A_766 = arith.mulf %mul3A_763, %mul3A_765 : vector<16xf32>
      %add3A_767 = arith.constant 0.142857149 : f32
      %add3A_768 = vector.broadcast %add3A_767 : f32 to vector<16xf32>
      %add3A_769 = arith.addf %add3A_768, %mul3A_766 : vector<16xf32>
      %mul3A_770 = arith.mulf %mul3A_763, %add3A_769 : vector<16xf32>
      %add3A_771 = arith.constant 2.000000e-01 : f32
      %add3A_772 = vector.broadcast %add3A_771 : f32 to vector<16xf32>
      %add3A_773 = arith.addf %add3A_772, %mul3A_770 : vector<16xf32>
      %mul3A_774 = arith.mulf %mul3A_763, %add3A_773 : vector<16xf32>
      %add3A_775 = arith.constant 0.333333343 : f32
      %add3A_776 = vector.broadcast %add3A_775 : f32 to vector<16xf32>
      %add3A_777 = arith.addf %add3A_776, %mul3A_774 : vector<16xf32>
      %mul3A_778 = arith.constant 2.000000e+00 : f32
      %mul3A_779 = vector.broadcast %mul3A_778 : f32 to vector<16xf32>
      %mul3A_780 = arith.mulf %mul3A_779, %div3A_762 : vector<16xf32>
      %mul3A_781 = arith.mulf %mul3A_763, %add3A_777 : vector<16xf32>
      %add3A_782 = arith.constant 1.000000e+00 : f32
      %add3A_783 = vector.broadcast %add3A_782 : f32 to vector<16xf32>
      %add3A_784 = arith.addf %add3A_783, %mul3A_781 : vector<16xf32>
      %mul3A_785 = arith.mulf %mul3A_780, %add3A_784 : vector<16xf32>
      %max3A_786 = arith.constant 0.000000e+00 : f32
      %max3A_787 = vector.broadcast %max3A_786 : f32 to vector<16xf32>
      %max3A_788 = arith.maximumf %gather3A_753, %max3A_787 : vector<16xf32>
      %add3A_789 = arith.addf %max3A_788, %mul3A_785 : vector<16xf32>
      tpu.vector_store_idx %arg7[%add3A_745, %add3A_745], %add3A_789 : memref<128x128xf32, #tpu.memory_space<vmem>>[vector<16xi32>, vector<16xi32>], vector<16xf32>,
      %add3A_790 = arith.constant 80 : i32
      %add3A_791 = vector.broadcast %add3A_790 : i32 to vector<16xi32>
      %add3A_792 = arith.addi %iota3A, %add3A_791 : vector<16xi32>
      %add3A_793 = arith.constant 3 : i32
      %add3A_794 = vector.broadcast %add3A_793 : i32 to vector<16xi32>
      %add3A_795 = arith.addi %add3A_792, %add3A_794 : vector<16xi32>
      %mul3A_796 = arith.muli %add3A_792, %add3A_795 : vector<16xi32>
      %shift_right_arithmetic3A_797 = arith.constant 1 : i32
      %shift_right_arithmetic3A_798 = vector.broadcast %shift_right_arithmetic3A_797 : i32 to vector<16xi32>
      %shift_right_arithmetic3A_799 = arith.shrsi %mul3A_796, %shift_right_arithmetic3A_798 : vector<16xi32>
      %gather3A_800 = tpu.vector_load_idx %arg5[%shift_right_arithmetic3A_799] : memref<8256xf32, #tpu.memory_space<vmem>>[vector<16xi32>], vector<16xf32>,
      %abs3A_801 = math.absf %gather3A_800 : vector<16xf32>
      %neg3A_802 = arith.constant 0.000000e+00 : f32
      %neg3A_803 = vector.broadcast %neg3A_802 : f32 to vector<16xf32>
      %neg3A_804 = arith.subf %neg3A_803, %abs3A_801 : vector<16xf32>
      %exp3A_805 = math.exp %neg3A_804 : vector<16xf32>
      %add3A_806 = arith.constant 2.000000e+00 : f32
      %add3A_807 = vector.broadcast %add3A_806 : f32 to vector<16xf32>
      %add3A_808 = arith.addf %add3A_807, %exp3A_805 : vector<16xf32>
      %div3A_809 = arith.divf %exp3A_805, %add3A_808 : vector<16xf32>
      %mul3A_810 = arith.mulf %div3A_809, %div3A_809 : vector<16xf32>
      %mul3A_811 = arith.constant 0.111111112 : f32
      %mul3A_812 = vector.broadcast %mul3A_811 : f32 to vector<16xf32>
      %mul3A_813 = arith.mulf %mul3A_810, %mul3A_812 : vector<16xf32>
      %add3A_814 = arith.constant 0.142857149 : f32
      %add3A_815 = vector.broadcast %add3A_814 : f32 to vector<16xf32>
      %add3A_816 = arith.addf %add3A_815, %mul3A_813 : vector<16xf32>
      %mul3A_817 = arith.mulf %mul3A_810, %add3A_816 : vector<16xf32>
      %add3A_818 = arith.constant 2.000000e-01 : f32
      %add3A_819 = vector.broadcast %add3A_818 : f32 to vector<16xf32>
      %add3A_820 = arith.addf %add3A_819, %mul3A_817 : vector<16xf32>
      %mul3A_821 = arith.mulf %mul3A_810, %add3A_820 : vector<16xf32>
      %add3A_822 = arith.constant 0.333333343 : f32
      %add3A_823 = vector.broadcast %add3A_822 : f32 to vector<16xf32>
      %add3A_824 = arith.addf %add3A_823, %mul3A_821 : vector<16xf32>
      %mul3A_825 = arith.constant 2.000000e+00 : f32
      %mul3A_826 = vector.broadcast %mul3A_825 : f32 to vector<16xf32>
      %mul3A_827 = arith.mulf %mul3A_826, %div3A_809 : vector<16xf32>
      %mul3A_828 = arith.mulf %mul3A_810, %add3A_824 : vector<16xf32>
      %add3A_829 = arith.constant 1.000000e+00 : f32
      %add3A_830 = vector.broadcast %add3A_829 : f32 to vector<16xf32>
      %add3A_831 = arith.addf %add3A_830, %mul3A_828 : vector<16xf32>
      %mul3A_832 = arith.mulf %mul3A_827, %add3A_831 : vector<16xf32>
      %max3A_833 = arith.constant 0.000000e+00 : f32
      %max3A_834 = vector.broadcast %max3A_833 : f32 to vector<16xf32>
      %max3A_835 = arith.maximumf %gather3A_800, %max3A_834 : vector<16xf32>
      %add3A_836 = arith.addf %max3A_835, %mul3A_832 : vector<16xf32>
      tpu.vector_store_idx %arg7[%add3A_792, %add3A_792], %add3A_836 : memref<128x128xf32, #tpu.memory_space<vmem>>[vector<16xi32>, vector<16xi32>], vector<16xf32>,
      %add3A_837 = arith.constant 96 : i32
      %add3A_838 = vector.broadcast %add3A_837 : i32 to vector<16xi32>
      %add3A_839 = arith.addi %iota3A, %add3A_838 : vector<16xi32>
      %add3A_840 = arith.constant 3 : i32
      %add3A_841 = vector.broadcast %add3A_840 : i32 to vector<16xi32>
      %add3A_842 = arith.addi %add3A_839, %add3A_841 : vector<16xi32>
      %mul3A_843 = arith.muli %add3A_839, %add3A_842 : vector<16xi32>
      %shift_right_arithmetic3A_844 = arith.constant 1 : i32
      %shift_right_arithmetic3A_845 = vector.broadcast %shift_right_arithmetic3A_844 : i32 to vector<16xi32>
      %shift_right_arithmetic3A_846 = arith.shrsi %mul3A_843, %shift_right_arithmetic3A_845 : vector<16xi32>
      %gather3A_847 = tpu.vector_load_idx %arg5[%shift_right_arithmetic3A_846] : memref<8256xf32, #tpu.memory_space<vmem>>[vector<16xi32>], vector<16xf32>,
      %abs3A_848 = math.absf %gather3A_847 : vector<16xf32>
      %neg3A_849 = arith.constant 0.000000e+00 : f32
      %neg3A_850 = vector.broadcast %neg3A_849 : f32 to vector<16xf32>
      %neg3A_851 = arith.subf %neg3A_850, %abs3A_848 : vector<16xf32>
      %exp3A_852 = math.exp %neg3A_851 : vector<16xf32>
      %add3A_853 = arith.constant 2.000000e+00 : f32
      %add3A_854 = vector.broadcast %add3A_853 : f32 to vector<16xf32>
      %add3A_855 = arith.addf %add3A_854, %exp3A_852 : vector<16xf32>
      %div3A_856 = arith.divf %exp3A_852, %add3A_855 : vector<16xf32>
      %mul3A_857 = arith.mulf %div3A_856, %div3A_856 : vector<16xf32>
      %mul3A_858 = arith.constant 0.111111112 : f32
      %mul3A_859 = vector.broadcast %mul3A_858 : f32 to vector<16xf32>
      %mul3A_860 = arith.mulf %mul3A_857, %mul3A_859 : vector<16xf32>
      %add3A_861 = arith.constant 0.142857149 : f32
      %add3A_862 = vector.broadcast %add3A_861 : f32 to vector<16xf32>
      %add3A_863 = arith.addf %add3A_862, %mul3A_860 : vector<16xf32>
      %mul3A_864 = arith.mulf %mul3A_857, %add3A_863 : vector<16xf32>
      %add3A_865 = arith.constant 2.000000e-01 : f32
      %add3A_866 = vector.broadcast %add3A_865 : f32 to vector<16xf32>
      %add3A_867 = arith.addf %add3A_866, %mul3A_864 : vector<16xf32>
      %mul3A_868 = arith.mulf %mul3A_857, %add3A_867 : vector<16xf32>
      %add3A_869 = arith.constant 0.333333343 : f32
      %add3A_870 = vector.broadcast %add3A_869 : f32 to vector<16xf32>
      %add3A_871 = arith.addf %add3A_870, %mul3A_868 : vector<16xf32>
      %mul3A_872 = arith.constant 2.000000e+00 : f32
      %mul3A_873 = vector.broadcast %mul3A_872 : f32 to vector<16xf32>
      %mul3A_874 = arith.mulf %mul3A_873, %div3A_856 : vector<16xf32>
      %mul3A_875 = arith.mulf %mul3A_857, %add3A_871 : vector<16xf32>
      %add3A_876 = arith.constant 1.000000e+00 : f32
      %add3A_877 = vector.broadcast %add3A_876 : f32 to vector<16xf32>
      %add3A_878 = arith.addf %add3A_877, %mul3A_875 : vector<16xf32>
      %mul3A_879 = arith.mulf %mul3A_874, %add3A_878 : vector<16xf32>
      %max3A_880 = arith.constant 0.000000e+00 : f32
      %max3A_881 = vector.broadcast %max3A_880 : f32 to vector<16xf32>
      %max3A_882 = arith.maximumf %gather3A_847, %max3A_881 : vector<16xf32>
      %add3A_883 = arith.addf %max3A_882, %mul3A_879 : vector<16xf32>
      tpu.vector_store_idx %arg7[%add3A_839, %add3A_839], %add3A_883 : memref<128x128xf32, #tpu.memory_space<vmem>>[vector<16xi32>, vector<16xi32>], vector<16xf32>,
      %add3A_884 = arith.constant 112 : i32
      %add3A_885 = vector.broadcast %add3A_884 : i32 to vector<16xi32>
      %add3A_886 = arith.addi %iota3A, %add3A_885 : vector<16xi32>
      %add3A_887 = arith.constant 3 : i32
      %add3A_888 = vector.broadcast %add3A_887 : i32 to vector<16xi32>
      %add3A_889 = arith.addi %add3A_886, %add3A_888 : vector<16xi32>
      %mul3A_890 = arith.muli %add3A_886, %add3A_889 : vector<16xi32>
      %shift_right_arithmetic3A_891 = arith.constant 1 : i32
      %shift_right_arithmetic3A_892 = vector.broadcast %shift_right_arithmetic3A_891 : i32 to vector<16xi32>
      %shift_right_arithmetic3A_893 = arith.shrsi %mul3A_890, %shift_right_arithmetic3A_892 : vector<16xi32>
      %gather3A_894 = tpu.vector_load_idx %arg5[%shift_right_arithmetic3A_893] : memref<8256xf32, #tpu.memory_space<vmem>>[vector<16xi32>], vector<16xf32>,
      %abs3A_895 = math.absf %gather3A_894 : vector<16xf32>
      %neg3A_896 = arith.constant 0.000000e+00 : f32
      %neg3A_897 = vector.broadcast %neg3A_896 : f32 to vector<16xf32>
      %neg3A_898 = arith.subf %neg3A_897, %abs3A_895 : vector<16xf32>
      %exp3A_899 = math.exp %neg3A_898 : vector<16xf32>
      %add3A_900 = arith.constant 2.000000e+00 : f32
      %add3A_901 = vector.broadcast %add3A_900 : f32 to vector<16xf32>
      %add3A_902 = arith.addf %add3A_901, %exp3A_899 : vector<16xf32>
      %div3A_903 = arith.divf %exp3A_899, %add3A_902 : vector<16xf32>
      %mul3A_904 = arith.mulf %div3A_903, %div3A_903 : vector<16xf32>
      %mul3A_905 = arith.constant 0.111111112 : f32
      %mul3A_906 = vector.broadcast %mul3A_905 : f32 to vector<16xf32>
      %mul3A_907 = arith.mulf %mul3A_904, %mul3A_906 : vector<16xf32>
      %add3A_908 = arith.constant 0.142857149 : f32
      %add3A_909 = vector.broadcast %add3A_908 : f32 to vector<16xf32>
      %add3A_910 = arith.addf %add3A_909, %mul3A_907 : vector<16xf32>
      %mul3A_911 = arith.mulf %mul3A_904, %add3A_910 : vector<16xf32>
      %add3A_912 = arith.constant 2.000000e-01 : f32
      %add3A_913 = vector.broadcast %add3A_912 : f32 to vector<16xf32>
      %add3A_914 = arith.addf %add3A_913, %mul3A_911 : vector<16xf32>
      %mul3A_915 = arith.mulf %mul3A_904, %add3A_914 : vector<16xf32>
      %add3A_916 = arith.constant 0.333333343 : f32
      %add3A_917 = vector.broadcast %add3A_916 : f32 to vector<16xf32>
      %add3A_918 = arith.addf %add3A_917, %mul3A_915 : vector<16xf32>
      %mul3A_919 = arith.constant 2.000000e+00 : f32
      %mul3A_920 = vector.broadcast %mul3A_919 : f32 to vector<16xf32>
      %mul3A_921 = arith.mulf %mul3A_920, %div3A_903 : vector<16xf32>
      %mul3A_922 = arith.mulf %mul3A_904, %add3A_918 : vector<16xf32>
      %add3A_923 = arith.constant 1.000000e+00 : f32
      %add3A_924 = vector.broadcast %add3A_923 : f32 to vector<16xf32>
      %add3A_925 = arith.addf %add3A_924, %mul3A_922 : vector<16xf32>
      %mul3A_926 = arith.mulf %mul3A_921, %add3A_925 : vector<16xf32>
      %max3A_927 = arith.constant 0.000000e+00 : f32
      %max3A_928 = vector.broadcast %max3A_927 : f32 to vector<16xf32>
      %max3A_929 = arith.maximumf %gather3A_894, %max3A_928 : vector<16xf32>
      %add3A_930 = arith.addf %max3A_929, %mul3A_926 : vector<16xf32>
      tpu.vector_store_idx %arg7[%add3A_886, %add3A_886], %add3A_930 : memref<128x128xf32, #tpu.memory_space<vmem>>[vector<16xi32>, vector<16xi32>], vector<16xf32>,
      %add3A_931 = arith.addi %mul3A_2, %add3A_497 : i32
      %dma_start3A_932 = arith.constant 0 : i32
      %dma_start3A_933 = arith.constant 0 : i32
      %dma_start3A_934 = tpu.memref_slice %arg3[%add3A_931, %dma_start3A_932, %dma_start3A_933] : memref<4096x128x128xf32, #tpu.memory_space<hbm>> -> memref<1x128x128xf32, #tpu.memory_space<hbm>>
      %dma_start3A_935 = tpu.memref_squeeze %dma_start3A_934 : memref<1x128x128xf32, #tpu.memory_space<hbm>> -> memref<128x128xf32, #tpu.memory_space<hbm>>
      %dma_start3A_936 = arith.constant 0 : i32
      %dma_start3A_937 = arith.constant 0 : i32
      %dma_start3A_938 = tpu.memref_slice %arg3[%add3A_931, %dma_start3A_936, %dma_start3A_937] : memref<4096x128x128xf32, #tpu.memory_space<hbm>> -> memref<1x128x128xf32, #tpu.memory_space<hbm>>
      %dma_start3A_939 = tpu.memref_squeeze %dma_start3A_938 : memref<1x128x128xf32, #tpu.memory_space<hbm>> -> memref<128x128xf32, #tpu.memory_space<hbm>>
      tpu.enqueue_dma source(%arg7 : memref<128x128xf32, #tpu.memory_space<vmem>>) target(%dma_start3A_939 : memref<128x128xf32, #tpu.memory_space<hbm>>) target_semaphore(%arg11 : memref<!tpu.dma_semaphore, #tpu.memory_space<semaphore_mem>>)
      %add3A_940 = arith.constant 2 : i32
      %add3A_941 = arith.addi %add3A_497, %add3A_940 : i32
      %lt3A_942 = arith.constant 128 : i32
      %lt3A_943 = arith.cmpi slt, %add3A_941, %lt3A_942 : i32
      %convert_element_type3A_944 = arith.extui %lt3A_943 : i1 to i32
      %cond3A_945 = arith.constant 0 : i32
      %cond3A_946 = arith.cmpi ne, %convert_element_type3A_944, %cond3A_945 : i32
      scf.if %cond3A_946 {
        %add3A_948 = arith.constant 2 : i32
        %add3A_949 = arith.addi %add3A_497, %add3A_948 : i32
        %add3A_950 = arith.addi %mul3A_2, %add3A_949 : i32
        %dma_start3A_951 = arith.constant 0 : i32
        %dma_start3A_952 = tpu.memref_slice %arg2[%add3A_950, %dma_start3A_951] : memref<4096x8256xf32, #tpu.memory_space<hbm>> -> memref<1x8256xf32, #tpu.memory_space<hbm>>
        %dma_start3A_953 = tpu.memref_squeeze %dma_start3A_952 : memref<1x8256xf32, #tpu.memory_space<hbm>> -> memref<8256xf32, #tpu.memory_space<hbm>>
        %dma_start3A_954 = arith.constant 0 : i32
        %dma_start3A_955 = tpu.memref_slice %arg2[%add3A_950, %dma_start3A_954] : memref<4096x8256xf32, #tpu.memory_space<hbm>> -> memref<1x8256xf32, #tpu.memory_space<hbm>>
        %dma_start3A_956 = tpu.memref_squeeze %dma_start3A_955 : memref<1x8256xf32, #tpu.memory_space<hbm>> -> memref<8256xf32, #tpu.memory_space<hbm>>
        tpu.enqueue_dma source(%dma_start3A_956 : memref<8256xf32, #tpu.memory_space<hbm>>) target(%arg5 : memref<8256xf32, #tpu.memory_space<vmem>>) target_semaphore(%arg9 : memref<!tpu.dma_semaphore, #tpu.memory_space<semaphore_mem>>)
      } else {
      }
      %scan3A_947 = arith.constant 0 : i32
      scf.yield %scan3A_947 : i32
    }
    %scan3A_31 = arith.constant 64 : i32
    %add3A_32 = arith.constant 126 : i32
    %add3A_33 = arith.addi %mul3A_2, %add3A_32 : i32
    %dma_wait3A = arith.constant 0 : i32
    %dma_wait3A_34 = arith.constant 0 : i32
    %dma_wait3A_35 = tpu.memref_slice %arg3[%add3A_33, %dma_wait3A, %dma_wait3A_34] : memref<4096x128x128xf32, #tpu.memory_space<hbm>> -> memref<1x128x128xf32, #tpu.memory_space<hbm>>
    %dma_wait3A_36 = tpu.memref_squeeze %dma_wait3A_35 : memref<1x128x128xf32, #tpu.memory_space<hbm>> -> memref<128x128xf32, #tpu.memory_space<hbm>>
    %dma_wait3A_37 = arith.constant 0 : i32
    %dma_wait3A_38 = arith.constant 0 : i32
    %dma_wait3A_39 = tpu.memref_slice %arg3[%add3A_33, %dma_wait3A_37, %dma_wait3A_38] : memref<4096x128x128xf32, #tpu.memory_space<hbm>> -> memref<1x128x128xf32, #tpu.memory_space<hbm>>
    %dma_wait3A_40 = tpu.memref_squeeze %dma_wait3A_39 : memref<1x128x128xf32, #tpu.memory_space<hbm>> -> memref<128x128xf32, #tpu.memory_space<hbm>>
    tpu.wait_dma2 semaphore(%arg10 : memref<!tpu.dma_semaphore, #tpu.memory_space<semaphore_mem>>) src(%arg6 : memref<128x128xf32, #tpu.memory_space<vmem>>) dst(%dma_wait3A_40 : memref<128x128xf32, #tpu.memory_space<hbm>>)
    %add3A_41 = arith.constant 127 : i32
    %add3A_42 = arith.addi %mul3A_2, %add3A_41 : i32
    %dma_wait3A_43 = arith.constant 0 : i32
    %dma_wait3A_44 = arith.constant 0 : i32
    %dma_wait3A_45 = tpu.memref_slice %arg3[%add3A_42, %dma_wait3A_43, %dma_wait3A_44] : memref<4096x128x128xf32, #tpu.memory_space<hbm>> -> memref<1x128x128xf32, #tpu.memory_space<hbm>>
    %dma_wait3A_46 = tpu.memref_squeeze %dma_wait3A_45 : memref<1x128x128xf32, #tpu.memory_space<hbm>> -> memref<128x128xf32, #tpu.memory_space<hbm>>
    %dma_wait3A_47 = arith.constant 0 : i32
    %dma_wait3A_48 = arith.constant 0 : i32
    %dma_wait3A_49 = tpu.memref_slice %arg3[%add3A_42, %dma_wait3A_47, %dma_wait3A_48] : memref<4096x128x128xf32, #tpu.memory_space<hbm>> -> memref<1x128x128xf32, #tpu.memory_space<hbm>>
    %dma_wait3A_50 = tpu.memref_squeeze %dma_wait3A_49 : memref<1x128x128xf32, #tpu.memory_space<hbm>> -> memref<128x128xf32, #tpu.memory_space<hbm>>
    tpu.wait_dma2 semaphore(%arg11 : memref<!tpu.dma_semaphore, #tpu.memory_space<semaphore_mem>>) src(%arg7 : memref<128x128xf32, #tpu.memory_space<vmem>>) dst(%dma_wait3A_50 : memref<128x128xf32, #tpu.memory_space<hbm>>)
    return
  }
}

</mosaic_0001>

<sc_bundles>
// kernel: kernel.3.cloned.1.call-start
scs
__scs_entry_jumppad:
0x0: {  	(pc) =	sbr.rel $0x88, $3  }
0x1: {  	(tag) =	ssettag $0x0;
	lr =	simm.s32 $0x1  }
0x2: {  	[smem:$0x3FA0] =	sst lr;
	_ =	strace $0xD0000000  }
0x3: {  	_ = 	snop  }
0x4: {  	_ = 	snop  }
0x5: {  	_ = 	snop  }
0x6: {  	_ = 	snop  }
0x7: {  	_ = 	snop  }
__scs_overlays_trampoline_lowered:
0x8: {  	[smem:$0x3FAF] =	sst s0  }
0x9: {  	[smem:$0x3FB0] =	sst s1  }
0xa: {  	[smem:$0x3FB1] =	sst s2  }
0xb: {  	[smem:$0x3FB2] =	sst s3  }
0xc: {  	[smem:$0x3FB3] =	sst s4  }
0xd: {  	[smem:$0x3FB4] =	sst s5  }
0xe: {  	[smem:$0x3FB5] =	sst s6  }
0xf: {  	[smem:$0x3FB6] =	sst s7  }
0x10: {  	[smem:$0x3FB7] =	sst s8  }
0x11: {  	[smem:$0x3FB8] =	sst s9;
	s0 =	simm.s32 @!p0 $0x0  }
0x12: {  	s1 =	sld [smem:$0x3F9E];
	s0 =	simm.s32 @p0 $0x1  }
0x13: {  	[smem:$0x3FB9] =	sst s0;
	s0 =	simm.s32 @!p1 $0x0  }
0x14: {  	s2 =	sld [smem:$0x3F9D];
	s0 =	simm.s32 @p1 $0x1  }
0x15: {  	[smem:$0x3FBA] =	sst s0;
	s0 =	simm.s32 @!p2 $0x0  }
0x16: {  	s3 =	sld [smem:$0x3FDB];
	s0 =	simm.s32 @p2 $0x1  }
0x17: {  	s4 =	simm.s32 $0x1BF5;
	[smem:$0x3FBC] =	sst s0  }
0x18: {  	s0 =	sld [smem:$0x3F9F];
	_ =	swait.ge [sflag:s4], $0x0  }
0x19: {  	s7 =	sld [smem:$0x3FA0]  }
0x1a: {  	s8 =	sadd.s32 $0xFFFFE003, lr  }
0x1b: {  	s9 =	sadd.s32 $0xFFFFFEF7, lr;
	s5 =	simm.s32 $0xFFFFFFFF;
	p2 =	slt.u32 s8, $0xFFFFF086  }
0x1c: {  	p1 =	slt.u32 s9, $0xF7A;
	s5 =	simm.s32 @!p2 $0x0  }
0x1d: {  	s5 =	simm.s32 @p1 $0x1;
	p0 =	seq.s32 s7, s2  }
0x1e: {  	s7 =	smul.u32 @!p0 $0xF7A, s2;
	p2 =	seq.s32 @!p0 s5, $0x0  }
0x1f: {  	s9 =	smul.u32 $0xF7A, s1;
	s8 =	simm.s32 @!p0 $0x1BF5;
	p2 =	por !p2, p0  }
0x20: {  	[sflag:s8] =	ssyncset.s32 @!p0 $0xFFFFF086;
	s6 =	sadd.s32 @!p0 s3, s7;
	s7 =	simm.s32 @!p0 $0x108  }
0x21: {  	s3 =	sadd.s32 s3, s9;
	s6 =	sadd.s32 @!p0 $0x88, s6;
	s7 =	simm.s32 @p2 $0x1082  }
0x22: {  	[simem:s7], [sflag:s8] =	dma.local @!p0 [hbm:s6], $0xF7A  }
0x23: {  	s9 =	sor.u32 $0xD0000000, s2;
	s6 =	simm.s32 $0x108;
	_ =	swait.ge @!p0 [sflag:s8], $0x0  }
0x24: {  	s3 =	sadd.s32 $0x88, s3;
	s6 =	simm.s32 @!p1 $0x1082;
	[sflag:s4] =	ssyncset.s32 $0xFFFFF086  }
0x25: {  	[simem:s6], [sflag:s4] =	dma.local [hbm:s3], $0xF7A  }
0x26: {  	[smem:$0x3FA0] =	sst s1;
	(tag) =	ssettag s2;
	_ =	strace s9  }
0x27: {  	s1 =	sld [smem:$0x3FB0]  }
0x28: {  	s2 =	sld [smem:$0x3FB1]  }
0x29: {  	s4 =	sld [smem:$0x3FB3]  }
0x2a: {  	p0 =	seq.s32 s5, $0x0;
	s5 =	sld [smem:$0x3FB4]  }
0x2b: {  	s6 =	sld [smem:$0x3FB5]  }
0x2c: {  	s7 =	sld [smem:$0x3FB6]  }
0x2d: {  	s3 =	simm.s32 $0x108;
	s8 =	sld [smem:$0x3FB7]  }
0x2e: {  	s3 =	simm.s32 @!p0 $0x1082;
	s9 =	sld [smem:$0x3FB8]  }
0x2f: {  	lr =	sadd.s32 s0, s3;
	s0 =	sld [smem:$0x3FAF]  }
0x30: {  	s3 =	sld [smem:$0x3FB2]  }
0x31: {  	[smem:$0x3FBB] =	sst s10  }
0x32: {  	s10 =	sld [smem:$0x3FB9];
	_ =	sdelay $0x3  }
0x33: {  	p0 =	seq.s32 s10, $0x1;
	s10 =	sld [smem:$0x3FBB];
	_ =	sdelay $0x3  }
0x34: {  	[smem:$0x3FBB] =	sst s10  }
0x35: {  	s10 =	sld [smem:$0x3FBA];
	_ =	sdelay $0x3  }
0x36: {  	p1 =	seq.s32 s10, $0x1;
	s10 =	sld [smem:$0x3FBB];
	_ =	sdelay $0x3  }
0x37: {  	[smem:$0x3FBB] =	sst s10  }
0x38: {  	s10 =	sld [smem:$0x3FBC]  }
0x39: {  	_ = 	snop;
	(pc) =	sbr.ind lr, $3  }
0x3a: {  	_ = 	snop  }
0x3b: {  	_ = 	snop  }
0x3c: {  	p2 =	seq.s32 s10, $0x1;
	s10 =	sld [smem:$0x3FBB]  }
0x3d: {  	_ =	shalt  }
0x3e: {  	_ =	shalt  }
0x3f: {  	_ =	shalt  }
0x40: {  	_ =	shalt  }
0x41: {  	_ =	shalt  }
0x42: {  	_ =	shalt  }
0x43: {  	_ =	shalt  }
0x44: {  	_ =	shalt  }
0x45: {  	_ =	shalt  }
0x46: {  	_ =	shalt  }
0x47: {  	_ =	shalt  }
0x48: {  	_ =	shalt  }
0x49: {  	_ =	shalt  }
0x4a: {  	_ =	shalt  }
0x4b: {  	_ =	shalt  }
0x4c: {  	_ =	shalt  }
0x4d: {  	_ =	shalt  }
0x4e: {  	_ =	shalt  }
0x4f: {  	_ =	shalt  }
0x50: {  	_ =	shalt  }
0x51: {  	_ =	shalt  }
0x52: {  	_ =	shalt  }
0x53: {  	_ =	shalt  }
0x54: {  	_ =	shalt  }
0x55: {  	_ =	shalt  }
0x56: {  	_ =	shalt  }
0x57: {  	_ =	shalt  }
0x58: {  	_ =	shalt  }
0x59: {  	_ =	shalt  }
0x5a: {  	_ =	shalt  }
0x5b: {  	_ =	shalt  }
0x5c: {  	_ =	shalt  }
0x5d: {  	_ =	shalt  }
0x5e: {  	_ =	shalt  }
0x5f: {  	_ =	shalt  }
0x60: {  	_ =	shalt  }
0x61: {  	_ =	shalt  }
0x62: {  	_ =	shalt  }
0x63: {  	_ =	shalt  }
0x64: {  	_ =	shalt  }
0x65: {  	_ =	shalt  }
0x66: {  	_ =	shalt  }
0x67: {  	_ =	shalt  }
0x68: {  	_ =	shalt  }
0x69: {  	_ =	shalt  }
0x6a: {  	_ =	shalt  }
0x6b: {  	_ =	shalt  }
0x6c: {  	_ =	shalt  }
0x6d: {  	_ =	shalt  }
0x6e: {  	_ =	shalt  }
0x6f: {  	_ =	shalt  }
0x70: {  	_ =	shalt  }
0x71: {  	_ =	shalt  }
0x72: {  	_ =	shalt  }
0x73: {  	_ =	shalt  }
0x74: {  	_ =	shalt  }
0x75: {  	_ =	shalt  }
0x76: {  	_ =	shalt  }
0x77: {  	_ =	shalt  }
0x78: {  	_ =	shalt  }
0x79: {  	_ =	shalt  }
0x7a: {  	_ =	shalt  }
0x7b: {  	_ =	shalt  }
0x7c: {  	_ =	shalt  }
0x7d: {  	_ =	shalt  }
0x7e: {  	_ =	shalt  }
0x7f: {  	_ =	shalt  }
0x80: {  	_ =	shalt  }
0x81: {  	_ =	shalt  }
0x82: {  	_ =	shalt  }
0x83: {  	_ =	shalt  }
0x84: {  	_ =	shalt  }
0x85: {  	_ =	shalt  }
0x86: {  	_ =	shalt  }
0x87: {  	_ =	shalt  }
.Lfunc_end0:
.L_simem_size_0:
called_computation_lowered:
.L_overlay_start_0:
0x88: {  	s2 =	sld [smem:$0x3FD9]  }
0x89: {  	s3 =	sld [smem:$0x3FFE];
	_ =	sdelay $0x1  }
0x8a: {  	s1 =	srdreg.scid  }
0x8b: {  	s0 =	sand.u32 $0x1, s1  }
0x8c: {  	s17 =	sshll.u32 s0, $0xA;
	s2 =	sadd.s32 s3, s2  }
0x8d: {  	s2 =	sadd.s32 s2, s17  }
0x8e: {  	[smem:$0x3FC7] =	sst s2  }
0x8f: {  	_ = 	snop  }
0x90: {  	s2 =	sld [smem:$0x3FD0];
	(tm) =	ssettm $0x1  }
0x91: {  	s18 =	sld [smem:$0x3FFB];
	_ =	sdelay $0x3  }
0x92: {  	_ =	strace s18  }
0x93: {  	s3 =	sld [smem:$0x3FFC];
	_ =	sdelay $0x3  }
0x94: {  	_ =	strace s3  }
0x95: {  	s3 =	sld [smem:$0x3FFD];
	_ =	sdelay $0x3  }
0x96: {  	_ =	strace s3  }
0x97: {  	_ =	strace $0x8FFFFFFF  }
0x98: {  	s19 =	sld [smem:$0x3FDB];
	_ =	sdelay $0x1  }
0x99: {  	s4 =	simm.s32 $_scs_section_size  }
0x9a: {  	s5 =	simm.s32 $_size__tile_overlayer_lowered;
	s6 =	simm.s32 $_tile_overlayer_lowered  }
0x9b: {  	s22 =	simm.s32 $0x1BFF;
	s21 =	sshll.u32 s6, $0x1;
	s3 =	sadd.s32 s4, s19  }
0x9c: {  	s7 =	simm.s32 $0x0;
	s20 =	sshll.u32 s5, $0x1;
	s5 =	sadd.s32 s21, s3  }
0x9d: {  	[timem:s7], [sflag:s22] =	dma.local [hbm:s5], s20  }
0x9e: {  	_ =	swait.ge [sflag:s22], s20  }
0x9f: {  	s4 =	ssub.s32 $0x0, s20;
	[sflag:s22] =	ssyncset.done $0x0  }
0xa0: {  	[sflag:s22] =	ssyncadd.s32 s4;
	_ =	sdelay $0x1  }
0xa1: {  	s23 =	simm.s32 $0x1B8B  }
0xa2: {  	_ =	swait.ge [sflag:s23], $0x1  }
0xa3: {  	[sflag:s23] =	ssyncset.done $0x0  }
0xa4: {  	s25 =	simm.s32 $0x1B8E;
	s24 =	sld [smem:$0x3FFE];
	[sflag:s23] =	ssyncadd.s32 $0xFFFFFFFF  }
0xa5: {  	s26 =	simm.s32 $execute0_lowered;
	[smem:$0x3FD2] =	sst s25  }
0xa6: {  	s5 =	sshll.u32 s26, $0x1;
	_ =	strace $0x80000046;
	[dreg:$0x1] =	wrdreg $0xFFFFFFFF  }
0xa7: {  	s28 =	simm.s32 $_size_execute0_lowered;
	s3 =	sadd.s32 s3, s5;
	[dreg:$0x0] =	wrdreg $0x0  }
0xa8: {  	s5 =	sshll.u32 s28, $0x1;
	[dreg:$0x2] =	wrdreg s3  }
0xa9: {  	[dreg:$0x3] =	wrdreg s5  }
0xaa: {  	[dreg:$0x4] =	wrdreg $0xC0  }
0xab: {  	_ =	task [dreg:s7], $0x5FFFF  }
0xac: {  	[dreg:$0x1] =	wrdreg $0xFFFFFFFF  }
0xad: {  	[dreg:$0x0] =	wrdreg $0x60  }
0xae: {  	[dreg:$0x2] =	wrdreg s24  }
0xaf: {  	[dreg:$0x3] =	wrdreg s2  }
0xb0: {  	[dreg:$0x4] =	wrdreg $0x9  }
0xb1: {  	_ =	task.clear_ibuf [dreg:s7], $0x5FFFF;
	_ =	strace $0x90000046  }
0xb2: {  	s29 =	simm.s32 $0x9;
	_ =	strace $0x80000048  }
0xb3: {  	_ =	swait.ge [sflag:s29], $0x1  }
0xb4: {  	[sflag:s29] =	ssyncadd.s32 $0xFFFFFFFF  }
0xb5: {  	_ =	strace $0x90000048  }
0xb6: {  	_ =	sfence  }
0xb7: {  	s30 =	sld [smem:$0x0];
	_ =	sdelay $0x2  }
0xb8: {  	s31 =	sshll.u32 s1, $0xD;
	s1 =	sshrl.u32 s1, $0x2  }
0xb9: {  	s3 =	sand.u32 $0x4000, s31;
	s1 =	sadd.s32 s1, s30  }
0xba: {  	s0 =	sor.u32 s3, s0;
	s1 =	sshll.u32 s1, $0x11  }
0xbb: {  	s0 =	sor.u32 s1, s0  }
0xbc: {  	s0 =	sadd.s32 $0x8F2B, s0  }
0xbd: {  	[sflag:s0] =	ssyncadd.remote.s32 $0x1  }
0xbe: {  	_ =	sfence.sel $0xFFFF  }
0xbf: {  	[dreg:$0x0] =	wrdreg $0xFFFFFFFF;
	(pc) =	sbr.abs _section_cstart, $3  }
0xc0: {  	[dreg:$0x1] =	wrdreg $0xFFFFFFFF  }
0xc1: {  	_ =	task.clear_ibuf [dreg:s7], $0x2FFFF;
	_ =	strace $0x9FFFFFFF  }
0xc2: {  	(tm) =	ssettm $0x7FFFFFFF  }
0xc3: {  	_ =	shalt  }
tec
execute0_lowered:
.L_overlay_start_1:
0x0: {  	(tag) =	ssettag $0x1  }
0x1: {  	v0 =	vlaneseq.u32;
	v1 =	vimm.f32 $0.0e+00;
	v16 =	vimm.s32 $0xE9520  }
0x2: {  	v22 =	vimm.s32 $0xD1BDAA98;
	vm0 =	vcmask $0x1300;
	vm13 =	vcmask $0xF00  }
0x3: {  	v25 =	vimm.s32 $0x231B142C;
	vm10 =	vcmask $0x1310;
	vm9 =	vcmask $0x1714  }
0x4: {  	vm14 =	vcmask $0x2314;
	vm8 =	vcmask $0x1B18;
	vm7 =	vcmask $0x1F1C  }
0x5: {  	vm6 =	vcmask $0x2320;
	vm5 =	vcmask $0x2724;
	vm15 =	vcmask $0x3324  }
0x6: {  	vm4 =	vcmask $0x2B28;
	vm3 =	vcmask $0x2F2C;
	vm2 =	vcmask $0x3330  }
0x7: {  	vm1 =	vcmask $0x3B38;
	v27 =	vimm.s32 $0x497;
	vm12 =	vcmask $0x300  }
0x8: {  	vm11 =	vcmask $0xB08;
	v28 =	vimm.s32 $0x81F;
	v29 =	vimm.s32 $0xCA7  }
0x9: {  	v33 =	vimm.s32 $0x122F;
	v34 =	vimm.s32 $0x18B7;
	v35 =	vimm.s32 $0x203F  }
0xa: {  	v2 =	vor.u32 $0x10, v0;
	v3 =	vor.u32 $0x20, v0;
	v4 =	vor.u32 $0x30, v0  }
0xb: {  	v5 =	vor.u32 $0x40, v0;
	v6 =	vor.u32 $0x50, v0;
	v7 =	vadd.s32 $0x1918, v0  }
0xc: {  	v8 =	vadd.s32 $0x1989, v0;
	v9 =	vadd.s32 $0x19FB, v0;
	v10 =	vadd.s32 $0x1A6E, v0  }
0xd: {  	v11 =	vadd.s32 $0x1AE2, v0;
	v12 =	vadd.s32 $0x1B57, v0;
	v13 =	vadd.s32 $0x1BCD, v0  }
0xe: {  	v14 =	vadd.s32 $0x1C44, v0;
	v15 =	vadd.s32 $0x1CBC, v0;
	v20 =	vunpack.c.l.s4.s8 v16  }
0xf: {  	v16 =	vadd.s32 $0x1D35, v0;
	v17 =	vadd.s32 $0x1DAF, v0;
	v18 =	vadd.s32 $0x1E2A, v0  }
0x10: {  	v19 =	vadd.s32 $0x1EA6, v0;
	v21 =	vadd.s32 $0x1FA1, v0;
	v24 =	vunpack.c.0.s8.s32 v22  }
0x11: {  	v22 =	vor.u32 $0x2020, v0;
	v25 =	vunpack.c.0.s8.s32 v25;
	v27 =	vsel vm12, $0x230, v27  }
0x12: {  	v28 =	vsel vm12, $0x4C8, v28;
	v29 =	vsel vm12, $0x860, v29;
	v33 =	vsel vm12, $0xCF8, v33  }
0x13: {  	v34 =	vsel vm12, $0x1290, v34;
	v23 =	vunpack.c.0.s8.s32 v20;
	v24 =	vand.u32 $0xFF, v24  }
0x14: {  	v35 =	vsel vm12, $0x1928, v35;
	v20 =	vadd.s32 $0x1F23, v0;
	v24 =	vnsel vm13, $0x20F, v24  }
0x15: {  	vm13 =	vcmask $0x704;
	v23 =	vand.u32 $0xF, v23;
	v24 =	vsel vm10, $0xE6, v24  }
0x16: {  	v27 =	vsel vm13, $0x252, v27;
	v28 =	vsel vm13, $0x4FA, v28;
	v29 =	vsel vm13, $0x8A2, v29  }
0x17: {  	v33 =	vsel vm13, $0xD4A, v33;
	v34 =	vsel vm13, $0x12F2, v34;
	v35 =	vsel vm13, $0x199A, v35  }
0x18: {  	v23 =	vnsel vm0, $0x87, v23;
	v24 =	vsel vm9, $0xFC, v24;
	vm0 =	vcmask $0x3734  }
0x19: {  	v27 =	vsel vm11, $0x275, v27;
	v28 =	vsel vm11, $0x52D, v28;
	v29 =	vsel vm11, $0x8E5, v29  }
0x1a: {  	v33 =	vsel vm11, $0xD9D, v33;
	v34 =	vsel vm11, $0x1355, v34;
	v35 =	vsel vm11, $0x1A0D, v35  }
0x1b: {  	v23 =	vsel vm14, v25, v23;
	v24 =	vsel vm8, $0x113, v24;
	v25 =	vimm.s32 $0x4D41365A  }
0x1c: {  	vm14 =	vcmask $0xF0C;
	v24 =	vsel vm7, $0x12B, v24;
	v25 =	vunpack.c.0.s8.s32 v25  }
0x1d: {  	v27 =	vsel vm14, $0x299, v27;
	v28 =	vsel vm14, $0x561, v28;
	v29 =	vsel vm14, $0x929, v29  }
0x1e: {  	v33 =	vsel vm14, $0xDF1, v33;
	v34 =	vsel vm14, $0x13B9, v34;
	v35 =	vsel vm14, $0x1A81, v35  }
0x1f: {  	v24 =	vsel vm6, $0x144, v24;
	v27 =	vsel vm10, $0x2BE, v27;
	v28 =	vsel vm10, $0x596, v28  }
0x20: {  	v29 =	vsel vm10, $0x96E, v29;
	v33 =	vsel vm10, $0xE46, v33;
	v34 =	vsel vm10, $0x141E, v34  }
0x21: {  	v35 =	vsel vm10, $0x1AF6, v35;
	v24 =	vsel vm5, $0x15E, v24;
	v23 =	vsel vm15, v25, v23  }
0x22: {  	v27 =	vsel vm9, $0x2E4, v27;
	v28 =	vsel vm9, $0x5CC, v28;
	v29 =	vsel vm9, $0x9B4, v29  }
0x23: {  	v33 =	vsel vm9, $0xE9C, v33;
	v34 =	vsel vm9, $0x1484, v34;
	v35 =	vsel vm9, $0x1B6C, v35  }
0x24: {  	v24 =	vsel vm4, $0x179, v24;
	v23 =	vsel vm0, $0x68, v23;
	v27 =	vsel vm8, $0x30B, v27  }
0x25: {  	v28 =	vsel vm8, $0x603, v28;
	v29 =	vsel vm8, $0x9FB, v29;
	v33 =	vsel vm8, $0xEF3, v33  }
0x26: {  	v34 =	vsel vm8, $0x14EB, v34;
	v35 =	vsel vm8, $0x1BE3, v35;
	v24 =	vsel vm3, $0x195, v24  }
0x27: {  	v23 =	vsel vm1, $0x77, v23;
	v27 =	vsel vm7, $0x333, v27;
	v28 =	vsel vm7, $0x63B, v28  }
0x28: {  	v29 =	vsel vm7, $0xA43, v29;
	v33 =	vsel vm7, $0xF4B, v33;
	v34 =	vsel vm7, $0x1553, v34  }
0x29: {  	v35 =	vsel vm7, $0x1C5B, v35;
	v25 =	vsel vm2, $0x1B2, v24;
	v24 =	vmul.u32 $0x81, v0  }
0x2a: {  	v27 =	vsel vm6, $0x35C, v27;
	v28 =	vsel vm6, $0x674, v28;
	v29 =	vsel vm6, $0xA8C, v29  }
0x2b: {  	v33 =	vsel vm6, $0xFA4, v33;
	v34 =	vsel vm6, $0x15BC, v34;
	v35 =	vsel vm6, $0x1CD4, v35  }
0x2c: {  	v25 =	vsel vm0, $0x1D0, v25;
	v27 =	vsel vm5, $0x386, v27;
	v28 =	vsel vm5, $0x6AE, v28  }
0x2d: {  	v29 =	vsel vm5, $0xAD6, v29;
	v33 =	vsel vm5, $0xFFE, v33;
	v34 =	vsel vm5, $0x1626, v34  }
0x2e: {  	v35 =	vsel vm5, $0x1D4E, v35;
	v25 =	vsel vm1, $0x1EF, v25;
	v26 =	vadd.s32 $0x810, v24  }
0x2f: {  	v27 =	vsel vm4, $0x3B1, v27;
	v28 =	vsel vm4, $0x6E9, v28;
	v29 =	vsel vm4, $0xB21, v29  }
0x30: {  	s0 =	srdreg.scid;
	v32 =	vadd.s32 $0x2040, v24;
	v33 =	vsel vm4, $0x1059, v33;
	v34 =	vsel vm4, $0x1691, v34  }
0x31: {  	s2 =	stileid.u32;
	s0 =	sand.u32 $0x1, s0;
	v35 =	vsel vm4, $0x1DC9, v35;
	v38 =	vadd.s32 $0x3870, v24;
	v27 =	vsel vm3, $0x3DD, v27  }
0x32: {  	s3 =	sshll.u32 s2, $0x8;
	s4 =	sshll.u32 s0, $0x7;
	v28 =	vsel vm3, $0x725, v28;
	v29 =	vsel vm3, $0xB6D, v29;
	v33 =	vsel vm3, $0x10B5, v33  }
0x33: {  	s1 =	rddreg [dreg:$0x0];
	s3 =	sor.u32 s4, s3;
	v34 =	vsel vm3, $0x16FD, v34;
	v35 =	vsel vm3, $0x1E45, v35;
	v27 =	vsel vm2, $0x40A, v27  }
0x34: {  	s11 =	simm.s32 $0x2080;
	s0 =	ssub.s32 $0x2, s0;
	s5 =	sshrl.u32 s3, $0x3;
	v28 =	vsel vm2, $0x762, v28;
	v31 =	vsel vm2, $0xBBA, v29;
	v33 =	vsel vm2, $0x1112, v33  }
0x35: {  	s13 =	simm.s32 $0x4100;
	s30 =	sshrl.u32 s0, $0x1;
	s6 =	smul.u32 $0x2080, s5;
	v34 =	vsel vm2, $0x176A, v34;
	v37 =	vsel vm2, $0x1EC2, v35;
	v27 =	vsel vm0, $0x438, v27  }
.Ltmp0:
0x36: {  	s4 =	simm.s32 $0x0;
	s0 =	ssub.s32 s0, s30;
	v30 =	vsel vm0, $0x7A0, v28;
	v28 =	vadd.s32 $0x1020, v24;
	v31 =	vsel vm0, $0xC08, v31;
	(pc) =	sbr.rel .LBB2_1-.Ltmp0, $4  }
0x37: {  	[smem:$0x7FF] =	sst s4;
	s5 =	sadd.s32 $0x400, s1;
	s0 =	smax.u32 s0, $0x1;
	v33 =	vsel vm0, $0x1170, v33;
	v36 =	vsel vm0, $0x17D8, v34;
	v34 =	vadd.s32 $0x2850, v24  }
0x38: {  	_ =	strace $0x80000047;
	[dreg:$0x5] =	wrdreg s0;
	s31 =	sadd.s32 s5, s6;
	v37 =	vsel vm0, $0x1F40, v37;
	v27 =	vsel vm1, $0x467, v27;
	v29 =	vsel vm1, $0x7DF, v30  }
0x39: {  	s14 =	simm.s32 $0x2;
	[dreg:$0x3] =	wrdreg s31;
	s1 =	sadd.s32 $0x10, s31;
	v30 =	vadd.s32 $0x1830, v24;
	v31 =	vsel vm1, $0xC57, v31;
	v33 =	vsel vm1, $0x11CF, v33  }
0x3a: {  	s15 =	simm.s32 $0x8100;
	s2 =	simm.s32 $0x0;
	[dreg:$0x4] =	wrdreg s1;
	v35 =	vsel vm1, $0x1847, v36;
	v36 =	vadd.s32 $0x3060, v24;
	v37 =	vsel vm1, $0x1FBF, v37  }
.LBB2_34:
0x3b: {  	s0 =	simm.s32 $0x3  }
0x3c: {  	_ =	swait.ge [sflag:s0], $0x4000  }
0x3d: {  	[sflag:s0] =	ssyncset.done $0x0  }
0x3e: {  	s1 =	simm.s32 $0x4;
	[sflag:s0] =	ssyncadd.s32 $0xFFFFC000  }
0x3f: {  	_ =	swait.ge [sflag:s1], $0x4000  }
0x40: {  	s2 =	rddreg [dreg:$0x6]  }
0x41: {  	s31 =	rddreg [dreg:$0x5];
	s2 =	sadd.s32 $0x1, s2  }
0x42: {  	p0 =	sne.s32 s2, s31  }
.Ltmp1:
0x43: {  	_ = 	snop;
	(pc) =	sbr.rel @!p0 .LBB2_35-.Ltmp1, $3  }
0x44: {  	_ =	sdelay $0x1  }
0x45: {  	[sflag:s1] =	ssyncset.done $0x0  }
0x46: {  	[sflag:s1] =	ssyncadd.s32 $0xFFFFC000  }
.LBB2_1:
0x47: {  	[dreg:$0x6] =	wrdreg s2;
	s0 =	simm.s32 $0x0;
	s1 =	simm.s32 $0x200  }
.LBB2_2:
0x48: {  	p0 =	sne.s32 s1, $0xFE00;
	[tilespmem:s0+$0x8170] =	vst v1  }
0x49: {  	[tilespmem:s0+$0x4100] =	vst v1  }
0x4a: {  	[tilespmem:s0+$0x4110] =	vst v1  }
0x4b: {  	[tilespmem:s0+$0x4120] =	vst v1  }
0x4c: {  	[tilespmem:s0+$0x4130] =	vst v1  }
0x4d: {  	[tilespmem:s0+$0x4140] =	vst v1  }
0x4e: {  	[tilespmem:s0+$0x4150] =	vst v1  }
0x4f: {  	[tilespmem:s0+$0x4160] =	vst v1  }
0x50: {  	[tilespmem:s0+$0x4170] =	vst v1  }
0x51: {  	[tilespmem:s0+$0x8100] =	vst v1  }
0x52: {  	[tilespmem:s0+$0x8110] =	vst v1  }
.Ltmp2:
0x53: {  	[tilespmem:s0+$0x8120] =	vst v1;
	(pc) =	sbr.rel @p0 .LBB2_2-.Ltmp2, $4  }
0x54: {  	[tilespmem:s0+$0x8130] =	vst v1  }
0x55: {  	[tilespmem:s0+$0x8140] =	vst v1  }
0x56: {  	[tilespmem:s0+$0x8150] =	vst v1  }
0x57: {  	[tilespmem:s0+$0x8160] =	vst v1;
	s0 =	sshra.s32 s1, $0x2;
	s1 =	sadd.s32 $0x200, s1  }
0x58: {  	[tilespmem:s0+$0x8170] =	vst v1  }
0x59: {  	[tilespmem:s0+$0x4100] =	vst v1  }
0x5a: {  	[tilespmem:s0+$0x4110] =	vst v1  }
0x5b: {  	[tilespmem:s0+$0x4120] =	vst v1  }
0x5c: {  	[tilespmem:s0+$0x4130] =	vst v1  }
0x5d: {  	[tilespmem:s0+$0x4140] =	vst v1  }
0x5e: {  	[tilespmem:s0+$0x4150] =	vst v1  }
0x5f: {  	[tilespmem:s0+$0x4160] =	vst v1  }
0x60: {  	[tilespmem:s0+$0x4170] =	vst v1  }
0x61: {  	[tilespmem:s0+$0x8100] =	vst v1  }
0x62: {  	[tilespmem:s0+$0x8110] =	vst v1  }
0x63: {  	[tilespmem:s0+$0x8120] =	vst v1  }
0x64: {  	[tilespmem:s0+$0x8130] =	vst v1  }
0x65: {  	[tilespmem:s0+$0x8140] =	vst v1  }
0x66: {  	[tilespmem:s0+$0x8150] =	vst v1;
	s19 =	simm.s32 $0x0  }
0x67: {  	[tilespmem:s0+$0x8160] =	vst v1;
	s30 =	rddreg [dreg:$0x3];
	s1 =	simm.s32 $0x80;
	s2 =	simm.s32 $0x400  }
0x68: {  	[tilespmem:s19], [sflag:$0x1] =	stream.strided.gather [hbm4b:s30+s1], $0x2080, s2, s1, $0x38;
	[tilespmem:$0xC100] =	vst v63  }
0x69: {  	s31 =	rddreg [dreg:$0x4]  }
0x6a: {  	[tilespmem:s11], [sflag:$0x2] =	stream.strided.gather [hbm4b:s31+s1], $0x2080, s2, s1, $0x38;
	[tilespmem:$0xC100] =	vst v63  }
.LBB2_4:
0x6b: {  	s0 =	simm.s32 $0x1  }
0x6c: {  	p0 =	seq.s32 s19, $0x0;
	s24 =	simm.s32 $0x10;
	s1 =	simm.s32 $0x11  }
0x6d: {  	s7 =	simm.s32 $0x1F;
	s8 =	simm.s32 $0x20;
	_ =	swait.ge [sflag:s0], $0x2080  }
0x6e: {  	s16 =	simm.s32 $0x12;
	s6 =	smul.u32 s24, s1;
	[sflag:s0] =	ssyncset.done $0x0  }
0x6f: {  	s8 =	smul.u32 s8, s7;
	[sflag:s0] =	ssyncadd.s32 $0xFFFFDF80;
	s0 =	simm.s32 @!p0 $0x3  }
0x70: {  	s23 =	simm.s32 $0x13;
	s1 =	smul.u32 s16, s1;
	_ =	swait.ge @!p0 [sflag:s0], $0x4000  }
0x71: {  	s20 =	sshll.u32 s19, $0x1;
	s16 =	smul.u32 s23, s16;
	[sflag:s0] =	ssyncset.done @!p0 $0x0  }
0x72: {  	s6 =	sshrl.u32 s6, $0x1;
	[sflag:s0] =	ssyncadd.s32 @!p0 $0xFFFFC000;
	s0 =	simm.s32 $0x1E  }
0x73: {  	s22 =	simm.s32 $0x5080;
	s8 =	sshrl.u32 s8, $0x1;
	v39 =	vadd.s32 s6, v0;
	s7 =	smul.u32 s7, s0  }
0x74: {  	s17 =	simm.s32 $0x14;
	s25 =	simm.s32 $0x15;
	s26 =	sshrl.u32 s16, $0x1;
	v41 =	vadd.s32 s8, v0  }
0x75: {  	s29 =	simm.s32 $0x16;
	s28 =	smul.u32 s25, s17;
	v44 =	vadd.s32 s26, v0;
	s7 =	sshrl.u32 s7, $0x1  }
0x76: {  	s2 =	simm.s32 $0x17;
	s1 =	sshrl.u32 s1, $0x1;
	s6 =	smul.u32 s17, s23;
	v42 =	vadd.s32 s7, v0  }
0x77: {  	s12 =	simm.s32 $0x18;
	s31 =	smul.u32 s29, s25;
	s9 =	sshrl.u32 s28, $0x1;
	v43 =	vadd.s32 s1, v0  }
0x78: {  	s21 =	sadd.s32 s3, s20;
	s10 =	smul.u32 s2, s29;
	v47 =	vadd.s32 s9, v0;
	s30 =	sshrl.u32 s6, $0x1;
	v40 =	vld.idx.msk [tilespmem:v39+s4+$0x0], $0xffff  }
0x79: {  	s18 =	smul.u32 s12, s2;
	s25 =	simm.s32 $0x19;
	s17 =	sshrl.u32 s31, $0x1;
	v45 =	vadd.s32 s30, v0;
	v51 =	vld.idx.msk [tilespmem:v41+s4+$0x0], $0xffff  }
0x7a: {  	s28 =	simm.s32 $0x1A;
	s26 =	smul.u32 s25, s12;
	v48 =	vadd.s32 s17, v0;
	v41 =	vld.idx.msk [tilespmem:v44+s4+$0x0], $0xffff;
	s7 =	sshrl.u32 s10, $0x1  }
0x7b: {  	s29 =	simm.s32 $0x1B;
	s8 =	smul.u32 s28, s25;
	s6 =	sshrl.u32 s18, $0x1;
	v50 =	vadd.s32 s7, v0;
	v39 =	vld.idx.msk [tilespmem:v42+s4+$0x0], $0xffff  }
0x7c: {  	s16 =	smul.u32 s29, s28;
	s25 =	simm.s32 $0x1C;
	s1 =	sshrl.u32 s26, $0x1;
	v49 =	vadd.s32 s6, v0;
	v42 =	vld.idx.msk [tilespmem:v43+s4+$0x0], $0xffff  }
0x7d: {  	s17 =	smul.u32 s25, s29;
	s26 =	simm.s32 $0x1D;
	v46 =	vadd.s32 s1, v0;
	s30 =	sshrl.u32 s8, $0x1;
	v44 =	vld.idx.msk [tilespmem:v47+s4+$0x0], $0xffff  }
0x7e: {  	s23 =	simm.s32 $0x5890;
	s31 =	sshrl.u32 s16, $0x1;
	s6 =	smul.u32 s26, s25;
	v47 =	vadd.s32 s30, v0;
	v43 =	vld.idx.msk [tilespmem:v45+s4+$0x0], $0xffff  }
0x7f: {  	s1 =	smul.u32 s0, s26;
	s25 =	simm.s32 $0x30;
	s7 =	sshrl.u32 s17, $0x1;
	[tilespmem:s22+$0x0] =	vst v51;
	v45 =	vld.idx.msk [tilespmem:v48+s4+$0x0], $0xffff;
	v48 =	vadd.s32 s31, v0  }
.LBB2_5:
0x80: {  	[tilespmem:s22+$0xFFFFF880] =	vst v40;
	v40 =	vld.idx.msk [tilespmem:v50+s4+$0x0], $0xffff;
	v50 =	vadd.s32 s7, v0;
	s6 =	sshrl.u32 s6, $0x1;
	v51 =	vmov v39;
	s0 =	smov.u32 s24  }
0x81: {  	s24 =	sadd.s32 $0x10, s24;
	s7 =	sadd.s32 $0x11, s0;
	[tilespmem:s22+$0xFFFFF900] =	vst v42;
	v39 =	vld.idx.msk [tilespmem:v49+s4+$0x0], $0xffff;
	v42 =	vadd.s32 s6, v0;
	s1 =	sshrl.u32 s1, $0x1  }
0x82: {  	s8 =	sadd.s32 $0x1F, s0;
	s16 =	sadd.s32 $0x20, s0;
	s6 =	smul.u32 s24, s7;
	[tilespmem:s22+$0xFFFFF980] =	vst v41;
	v41 =	vld.idx.msk [tilespmem:v46+s4+$0x0], $0xffff;
	v46 =	vadd.s32 s1, v0  }
0x83: {  	p1 =	slt.u32 s24, $0x70;
	s1 =	sadd.s32 $0x1E, s0;
	s16 =	smul.u32 s16, s8;
	[tilespmem:s22+$0xFFFFFA00] =	vst v43;
	v43 =	vld.idx.msk [tilespmem:v47+s4+$0x0], $0xffff  }
0x84: {  	s17 =	sadd.s32 $0x12, s0;
	s8 =	smul.u32 s8, s1;
	s6 =	sshrl.u32 s6, $0x1;
	[tilespmem:s22+$0xFFFFFA80] =	vst v44;
	v44 =	vld.idx.msk [tilespmem:v48+s4+$0x0], $0xffff  }
0x85: {  	s16 =	sshrl.u32 s16, $0x1;
	v47 =	vadd.s32 s6, v0;
	s6 =	smul.u32 s17, s7;
	s7 =	sadd.s32 $0x13, s0;
	[tilespmem:s22+$0xFFFFFB00] =	vst v45;
	v45 =	vld.idx.msk [tilespmem:v50+s4+$0x0], $0xffff  }
0x86: {  	s26 =	sadd.s32 $0x14, s0;
	s8 =	sshrl.u32 s8, $0x1;
	v48 =	vadd.s32 s16, v0;
	s17 =	smul.u32 s7, s17;
	[tilespmem:s22+$0xFFFFFB80] =	vst v40;
	v42 =	vld.idx.msk [tilespmem:v42+s4+$0x0], $0xffff  }
0x87: {  	s16 =	sadd.s32 $0x15, s0;
	s7 =	smul.u32 s26, s7;
	v49 =	vadd.s32 s8, v0;
	s6 =	sshrl.u32 s6, $0x1;
	[tilespmem:s22+$0xFFFFFC00] =	vst v39;
	v46 =	vld.idx.msk [tilespmem:v46+s4+$0x0], $0xffff  }
0x88: {  	s8 =	smul.u32 s16, s26;
	v50 =	vadd.s32 s6, v0;
	s6 =	sshrl.u32 s17, $0x1;
	s17 =	sadd.s32 $0x16, s0;
	[tilespmem:s22+$0xFFFFFC80] =	vst v41  }
0x89: {  	v41 =	vadd.s32 s6, v0;
	s6 =	sshrl.u32 s7, $0x1;
	s7 =	smul.u32 s17, s16;
	s16 =	sadd.s32 $0x17, s0;
	[tilespmem:s22+$0xFFFFFD00] =	vst v43  }
0x8a: {  	v40 =	vld.idx.msk [tilespmem:v47+s4+$0x0], $0xffff;
	v43 =	vadd.s32 s6, v0;
	s6 =	sshrl.u32 s8, $0x1;
	s8 =	smul.u32 s16, s17;
	s17 =	sadd.s32 $0x18, s0;
	[tilespmem:s22+$0xFFFFFD80] =	vst v44  }
0x8b: {  	v44 =	vadd.s32 s6, v0;
	s6 =	sshrl.u32 s7, $0x1;
	s7 =	smul.u32 s17, s16;
	s16 =	sadd.s32 $0x19, s0;
	v52 =	vld.idx.msk [tilespmem:v48+s4+$0x0], $0xffff;
	[tilespmem:s22+$0xFFFFFE00] =	vst v45  }
0x8c: {  	v45 =	vadd.s32 s6, v0;
	s6 =	sshrl.u32 s8, $0x1;
	s8 =	smul.u32 s16, s17;
	s17 =	sadd.s32 $0x1A, s0;
	v39 =	vld.idx.msk [tilespmem:v49+s4+$0x0], $0xffff;
	[tilespmem:s22+$0xFFFFFE80] =	vst v42  }
0x8d: {  	v42 =	vld.idx.msk [tilespmem:v50+s4+$0x0], $0xffff;
	v50 =	vadd.s32 s6, v0;
	s6 =	sshrl.u32 s7, $0x1;
	s7 =	smul.u32 s17, s16  }
.Ltmp3:
0x8e: {  	s16 =	sadd.s32 $0x1B, s0;
	[tilespmem:s22+$0xFFFFFF00] =	vst v46;
	(pc) =	sbr.rel @p1 .LBB2_5-.Ltmp3, $4  }
0x8f: {  	v41 =	vld.idx.msk [tilespmem:v41+s4+$0x0], $0xffff;
	v49 =	vadd.s32 s6, v0;
	s6 =	sshrl.u32 s8, $0x1;
	s8 =	smul.u32 s16, s17;
	s17 =	sadd.s32 $0x1C, s0;
	[tilespmem:s22+$0xFFFFFF80] =	vst v51  }
0x90: {  	s0 =	sadd.s32 $0x1D, s0;
	v43 =	vld.idx.msk [tilespmem:v43+s4+$0x0], $0xffff;
	v46 =	vadd.s32 s6, v0;
	s6 =	sshrl.u32 s7, $0x1;
	s7 =	smul.u32 s17, s16  }
0x91: {  	s22 =	sadd.s32 $0x800, s22;
	v44 =	vld.idx.msk [tilespmem:v44+s4+$0x0], $0xffff;
	v47 =	vadd.s32 s6, v0;
	s8 =	sshrl.u32 s8, $0x1;
	s6 =	smul.u32 s0, s17  }
0x92: {  	s1 =	smul.u32 s1, s0;
	v45 =	vld.idx.msk [tilespmem:v45+s4+$0x0], $0xffff;
	v48 =	vadd.s32 s8, v0;
	s7 =	sshrl.u32 s7, $0x1;
	[tilespmem:s22+$0x0] =	vst v52  }
0x93: {  	_ =	sdelay $0x1  }
0x94: {  	[tilespmem:s22+$0xFFFFF880] =	vst v40  }
0x95: {  	[tilespmem:s22+$0xFFFFF900] =	vst v42  }
0x96: {  	v60 =	vld.idx.msk [tilespmem:v50+s4+$0x0], $0xffff;
	v61 =	vadd.s32 s7, v0;
	s0 =	sshrl.u32 s6, $0x1;
	s7 =	simm.s32 $0x2B;
	s10 =	simm.s32 $0x2A;
	[tilespmem:s22+$0xFFFFFF80] =	vst v39  }
0x97: {  	v62 =	vld.idx.msk [tilespmem:v49+s4+$0x0], $0xffff;
	s24 =	simm.s32 $0x2F;
	v63 =	vadd.s32 s0, v0;
	s6 =	sshrl.u32 s1, $0x1;
	[tilespmem:s22+$0xFFFFF980] =	vst v41;
	s1 =	smul.u32 s7, s10  }
0x98: {  	v51 =	vld.idx.msk [tilespmem:v46+s4+$0x0], $0xffff;
	s9 =	simm.s32 $0x29;
	s17 =	simm.s32 $0x28;
	s25 =	smul.u32 s25, s24;
	v52 =	vadd.s32 s6, v0;
	[tilespmem:s22+$0xFFFFFA00] =	vst v43  }
0x99: {  	v53 =	vld.idx.msk [tilespmem:v47+s4+$0x0], $0xffff;
	s8 =	simm.s32 $0x27;
	s30 =	smul.u32 s9, s17;
	[tilespmem:s22+$0xFFFFFA80] =	vst v44  }
0x9a: {  	v54 =	vld.idx.msk [tilespmem:v48+s4+$0x0], $0xffff;
	s0 =	simm.s32 $0x2C;
	s12 =	smul.u32 s17, s8;
	[tilespmem:s22+$0xFFFFFB00] =	vst v45  }
0x9b: {  	s26 =	simm.s32 $0x24;
	s16 =	smul.u32 s0, s7;
	v55 =	vld.idx.msk [tilespmem:v61+s4+$0x0], $0xffff;
	[tilespmem:s22+$0xFFFFFB80] =	vst v60  }
0x9c: {  	s28 =	simm.s32 $0x25;
	s18 =	simm.s32 $0x2E;
	s6 =	smul.u32 s10, s9;
	[tilespmem:s22+$0xFFFFFC00] =	vst v62;
	v56 =	vld.idx.msk [tilespmem:v63+s4+$0x0], $0xffff  }
0x9d: {  	s1 =	sshrl.u32 s1, $0x1;
	s17 =	sshrl.u32 s30, $0x1;
	s30 =	simm.s32 $0x2D;
	[tilespmem:s22+$0xFFFFFC80] =	vst v51;
	v57 =	vld.idx.msk [tilespmem:v52+s4+$0x0], $0xffff  }
0x9e: {  	s7 =	sshrl.u32 s12, $0x1;
	s12 =	smul.u32 s28, s26;
	s16 =	sshrl.u32 s16, $0x1;
	v58 =	vadd.s32 s1, v2;
	[tilespmem:s22+$0xFFFFFD00] =	vst v53  }
0x9f: {  	s1 =	simm.s32 $0x26;
	s9 =	smul.u32 s18, s30;
	[tilespmem:s22+$0xFFFFFD80] =	vst v54;
	v59 =	vadd.s32 s16, v2  }
0xa0: {  	s6 =	sshrl.u32 s6, $0x1;
	s8 =	smul.u32 s8, s1;
	v60 =	vadd.s32 s17, v2;
	[tilespmem:s22+$0xFFFFFE00] =	vst v55  }
0xa1: {  	s25 =	sshrl.u32 s25, $0x1;
	v61 =	vadd.s32 s6, v2;
	s6 =	smul.u32 s24, s18;
	[tilespmem:s22+$0xFFFFFE80] =	vst v56  }
0xa2: {  	s29 =	simm.s32 $0x21;
	s10 =	simm.s32 $0x23;
	v62 =	vadd.s32 s25, v2;
	s1 =	smul.u32 s1, s28;
	[tilespmem:s22+$0xFFFFFF00] =	vst v57  }
0xa3: {  	s31 =	simm.s32 $0x22;
	s18 =	smul.u32 s26, s10;
	v63 =	vadd.s32 s7, v2;
	s8 =	sshrl.u32 s8, $0x1;
	v51 =	vld.idx.msk [tilespmem:v58+s4+$0x0], $0xffff  }
0xa4: {  	s2 =	simm.s32 $0x20;
	p1 =	por $0x1, $0x1;
	s17 =	smul.u32 s10, s31;
	v52 =	vadd.s32 s8, v2;
	v41 =	vld.idx.msk [tilespmem:v59+s4+$0x0], $0xffff  }
.Ltmp4:
0xa5: {  	s24 =	simm.s32 $0x60A0;
	s25 =	simm.s32 $0x20;
	v44 =	vld.idx.msk [tilespmem:v60+s4+$0x0], $0xffff;
	(pc) =	sbr.rel @!p1 .LBB2_8-.Ltmp4, $4  }
0xa6: {  	s31 =	smul.u32 s31, s29;
	s16 =	sshrl.u32 s9, $0x1;
	s28 =	sshrl.u32 s1, $0x1;
	v45 =	vld.idx.msk [tilespmem:v61+s4+$0x0], $0xffff  }
0xa7: {  	s7 =	sshrl.u32 s12, $0x1;
	s6 =	sshrl.u32 s6, $0x1;
	s1 =	simm.s32 $0x6090;
	v50 =	vadd.s32 s28, v2;
	v42 =	vld.idx.msk [tilespmem:v62+s4+$0x0], $0xffff  }
0xa8: {  	v39 =	vadd.s32 s16, v2;
	v47 =	vadd.s32 s7, v2;
	s7 =	smul.u32 s2, s29;
	s17 =	sshrl.u32 s17, $0x1;
	s16 =	sshrl.u32 s18, $0x1;
	v49 =	vadd.s32 s6, v2;
	v43 =	vld.idx.msk [tilespmem:v63+s4+$0x0], $0xffff  }
0xa9: {  	s6 =	sshrl.u32 s31, $0x1;
	v40 =	vadd.s32 s17, v2;
	v48 =	vadd.s32 s16, v2;
	s8 =	smul.u32 s30, s0;
	s0 =	simm.s32 $0x40;
	v46 =	vld.idx.msk [tilespmem:v52+s4+$0x0], $0xffff;
	[tilespmem:s23+$0xFFFFFD80] =	vst v51  }
.LBB2_7:
0xaa: {  	s16 =	sadd.s32 $0xFFFFFFFB, s0  }
0xab: {  	s22 =	sadd.s32 $0xFFFFFFFC, s0;
	s7 =	sshrl.u32 s7, $0x1;
	[tilespmem:s23+$0xFFFFFE00] =	vst v41;
	s17 =	sadd.s32 $0xFFFFFFF9, s0  }
0xac: {  	s28 =	sadd.s32 $0xFFFFFFFA, s0;
	s29 =	sadd.s32 $0xFFFFFFF7, s0;
	v41 =	vadd.s32 s7, v2;
	v50 =	vld.idx.msk [tilespmem:v50+s4+$0x0], $0xffff;
	[tilespmem:s23+$0xFFFFFC80] =	vst v44;
	s7 =	sshrl.u32 s8, $0x1  }
0xad: {  	s30 =	sadd.s32 $0xFFFFFFF8, s0;
	s18 =	sadd.s32 $0xFFFFFFF5, s0;
	s31 =	smul.u32 s22, s16;
	v44 =	vadd.s32 s6, v2;
	v47 =	vld.idx.msk [tilespmem:v47+s4+$0x0], $0xffff;
	[tilespmem:s23+$0xFFFFFD00] =	vst v45;
	v45 =	vadd.s32 s7, v2  }
0xae: {  	s9 =	sadd.s32 $0xFFFFFFFF, s0;
	s6 =	sadd.s32 $0xFFFFFFF4, s0;
	s16 =	smul.u32 s16, s28;
	v49 =	vld.idx.msk [tilespmem:v49+s4+$0x0], $0xffff;
	[tilespmem:s23+$0x0] =	vst v42  }
0xaf: {  	s26 =	sadd.s32 $0xFFFFFFF2, s0;
	s10 =	smul.u32 s0, s9;
	s7 =	sadd.s32 $0xFFFFFFF1, s0;
	v42 =	vld.idx.msk [tilespmem:v48+s4+$0x0], $0xffff  }
0xb0: {  	s8 =	sadd.s32 $0xFFFFFFF0, s0;
	s12 =	smul.u32 s17, s30;
	s31 =	sshrl.u32 s31, $0x1;
	[tilespmem:s23+$0xFFFFFC00] =	vst v43;
	v39 =	vld.idx.msk [tilespmem:v39+s4+$0x0], $0xffff  }
0xb1: {  	s2 =	sadd.s32 $0xFFFFFFF6, s0;
	s17 =	smul.u32 s28, s17;
	s16 =	sshrl.u32 s16, $0x1;
	v43 =	vadd.s32 s31, v2;
	v40 =	vld.idx.msk [tilespmem:v40+s4+$0x0], $0xffff;
	[tilespmem:s23+$0xFFFFFB80] =	vst v46  }
0xb2: {  	s28 =	smul.u32 s30, s29;
	s31 =	sadd.s32 $0xFFFFFFF3, s0;
	v46 =	vadd.s32 s16, v2;
	s16 =	sadd.s32 $0xFFFFFFFE, s0;
	[tilespmem:s23+$0xFFFFFB00] =	vst v50;
	v45 =	vld.idx.msk [tilespmem:v45+s4+$0x0], $0xffff  }
0xb3: {  	s29 =	smul.u32 s29, s2;
	p1 =	slt.u32 s8, $0x70;
	s12 =	sshrl.u32 s12, $0x1;
	v48 =	vld.idx.msk [tilespmem:v44+s4+$0x0], $0xffff;
	[tilespmem:s23+$0xFFFFFA80] =	vst v47  }
0xb4: {  	s2 =	smul.u32 s2, s18;
	s10 =	sshrl.u32 s10, $0x1;
	v44 =	vadd.s32 s12, v2;
	s12 =	sshrl.u32 s17, $0x1;
	v47 =	vld.idx.msk [tilespmem:v41+s4+$0x0], $0xffff;
	[tilespmem:s23+$0xFFFFFF80] =	vst v49  }
0xb5: {  	v51 =	vadd.s32 s10, v2;
	s9 =	smul.u32 s9, s16;
	s17 =	sshrl.u32 s28, $0x1;
	v49 =	vadd.s32 s12, v2;
	s12 =	sadd.s32 $0xFFFFFFFD, s0;
	[tilespmem:s23+$0xFFFFFA00] =	vst v42  }
0xb6: {  	s10 =	sshrl.u32 s29, $0x1;
	v52 =	vadd.s32 s17, v2;
	s17 =	smov.u32 s23;
	s16 =	smul.u32 s16, s12;
	[tilespmem:s23+$0xFFFFFF00] =	vst v39  }
0xb7: {  	v53 =	vadd.s32 s10, v2;
	s10 =	smul.u32 s18, s6;
	s23 =	smov.u32 s1;
	v54 =	vld.idx.msk [tilespmem:v46+s4+$0x0], $0xffff;
	[tilespmem:s17+$0xFFFFF980] =	vst v40  }
0xb8: {  	s6 =	smul.u32 s6, s31;
	s16 =	sshrl.u32 s16, $0x1;
	v41 =	vld.idx.msk [tilespmem:v43+s4+$0x0], $0xffff;
	[tilespmem:s17+$0xFFFFFE80] =	vst v45  }
.Ltmp5:
0xb9: {  	s2 =	sshrl.u32 s2, $0x1;
	v39 =	vadd.s32 s16, v2;
	v44 =	vld.idx.msk [tilespmem:v44+s4+$0x0], $0xffff;
	[tilespmem:s17+$0xFFFFF900] =	vst v48;
	(pc) =	sbr.rel @p1 .LBB2_7-.Ltmp5, $4  }
0xba: {  	s10 =	sshrl.u32 s10, $0x1;
	v50 =	vadd.s32 s2, v2;
	s16 =	smul.u32 s31, s26;
	v45 =	vld.idx.msk [tilespmem:v49+s4+$0x0], $0xffff;
	[tilespmem:s17+$0xFFFFF880] =	vst v47  }
0xbb: {  	s2 =	smul.u32 s26, s7;
	s9 =	sshrl.u32 s9, $0x1;
	s1 =	sadd.s32 $0x800, s1;
	v47 =	vadd.s32 s10, v2;
	v42 =	vld.idx.msk [tilespmem:v51+s4+$0x0], $0xffff  }
0xbc: {  	s7 =	smul.u32 s8, s7;
	s8 =	sshrl.u32 s16, $0x1;
	s10 =	sshrl.u32 s6, $0x1;
	v49 =	vadd.s32 s9, v2;
	v43 =	vld.idx.msk [tilespmem:v52+s4+$0x0], $0xffff  }
0xbd: {  	s0 =	sadd.s32 $0x10, s0;
	s6 =	sshrl.u32 s2, $0x1;
	v40 =	vadd.s32 s8, v2;
	v48 =	vadd.s32 s10, v2;
	s8 =	smul.u32 s12, s22;
	v46 =	vld.idx.msk [tilespmem:v53+s4+$0x0], $0xffff;
	[tilespmem:s23+$0xFFFFFD80] =	vst v54  }
.LBB2_8:
0xbe: {  	_ =	sdelay $0x2  }
0xbf: {  	[tilespmem:s23+$0xFFFFFE00] =	vst v41  }
0xc0: {  	v61 =	vld.idx.msk [tilespmem:v50+s4+$0x0], $0xffff;
	[tilespmem:s23+$0xFFFFFC80] =	vst v44  }
0xc1: {  	v62 =	vld.idx.msk [tilespmem:v47+s4+$0x0], $0xffff;
	s7 =	sshrl.u32 s7, $0x1;
	v52 =	vadd.s32 s6, v2;
	[tilespmem:s23+$0xFFFFFD00] =	vst v45  }
0xc2: {  	v49 =	vld.idx.msk [tilespmem:v49+s4+$0x0], $0xffff;
	s0 =	sshrl.u32 s8, $0x1;
	v53 =	vadd.s32 s7, v2;
	[tilespmem:s23+$0x0] =	vst v42  }
0xc3: {  	v48 =	vld.idx.msk [tilespmem:v48+s4+$0x0], $0xffff;
	s26 =	sadd.s32 $0x10, s25;
	s1 =	sadd.s32 $0x11, s25;
	v63 =	vadd.s32 s0, v2;
	[tilespmem:s23+$0xFFFFFC00] =	vst v43  }
0xc4: {  	v39 =	vld.idx.msk [tilespmem:v39+s4+$0x0], $0xffff;
	s10 =	sadd.s32 $0x12, s25;
	s2 =	smul.u32 s26, s1;
	[tilespmem:s23+$0xFFFFFB80] =	vst v46  }
0xc5: {  	v40 =	vld.idx.msk [tilespmem:v40+s4+$0x0], $0xffff;
	s16 =	sadd.s32 $0x15, s25;
	s28 =	sadd.s32 $0x16, s25;
	s1 =	smul.u32 s10, s1;
	[tilespmem:s23+$0xFFFFFB00] =	vst v61  }
0xc6: {  	s9 =	sadd.s32 $0x20, s25;
	s8 =	sadd.s32 $0x1F, s25;
	s30 =	smul.u32 s28, s16;
	[tilespmem:s23+$0xFFFFFA80] =	vst v62;
	v55 =	vld.idx.msk [tilespmem:v52+s4+$0x0], $0xffff  }
0xc7: {  	s0 =	sadd.s32 $0x1E, s25;
	s7 =	smul.u32 s9, s8;
	[tilespmem:s23+$0xFFFFFF80] =	vst v49;
	v42 =	vld.idx.msk [tilespmem:v53+s4+$0x0], $0xffff  }
0xc8: {  	s12 =	sadd.s32 $0x13, s25;
	s2 =	sshrl.u32 s2, $0x1;
	s6 =	smul.u32 s8, s0;
	[tilespmem:s23+$0xFFFFFA00] =	vst v48;
	v54 =	vld.idx.msk [tilespmem:v63+s4+$0x0], $0xffff  }
0xc9: {  	s9 =	sadd.s32 $0x14, s25;
	s8 =	smul.u32 s12, s10;
	v56 =	vadd.s32 s2, v3;
	s7 =	sshrl.u32 s7, $0x1;
	[tilespmem:s23+$0xFFFFFF00] =	vst v39  }
0xca: {  	s18 =	smul.u32 s16, s9;
	[tilespmem:s23+$0xFFFFF980] =	vst v40;
	s6 =	sshrl.u32 s6, $0x1;
	v57 =	vadd.s32 s7, v3  }
0xcb: {  	s31 =	sadd.s32 $0x17, s25;
	s1 =	sshrl.u32 s1, $0x1;
	s2 =	smul.u32 s9, s12;
	v58 =	vadd.s32 s6, v3;
	[tilespmem:s23+$0xFFFFF900] =	vst v55  }
0xcc: {  	s10 =	smul.u32 s31, s28;
	v59 =	vadd.s32 s1, v3;
	s17 =	sshrl.u32 s8, $0x1;
	[tilespmem:s23+$0xFFFFF880] =	vst v42  }
0xcd: {  	s28 =	sadd.s32 $0x1A, s25;
	s12 =	sadd.s32 $0x18, s25;
	v60 =	vadd.s32 s17, v3;
	s29 =	sshrl.u32 s2, $0x1;
	[tilespmem:s23+$0xFFFFFE80] =	vst v54  }
0xce: {  	s9 =	sshrl.u32 s18, $0x1;
	s18 =	sadd.s32 $0x19, s25;
	s17 =	smul.u32 s12, s31;
	v61 =	vadd.s32 s29, v3;
	v40 =	vld.idx.msk [tilespmem:v56+s4+$0x0], $0xffff  }
0xcf: {  	s16 =	sshrl.u32 s30, $0x1;
	v62 =	vadd.s32 s9, v3;
	s7 =	smul.u32 s28, s18;
	v51 =	vld.idx.msk [tilespmem:v57+s4+$0x0], $0xffff  }
0xd0: {  	p1 =	slt.u32 s26, $0x70;
	s6 =	sshrl.u32 s10, $0x1;
	v63 =	vadd.s32 s16, v3;
	s23 =	smul.u32 s18, s12;
	v39 =	vld.idx.msk [tilespmem:v58+s4+$0x0], $0xffff  }
.Ltmp6:
0xd1: {  	s29 =	sadd.s32 $0x1B, s25;
	v50 =	vadd.s32 s6, v3;
	s2 =	sshrl.u32 s17, $0x1;
	v42 =	vld.idx.msk [tilespmem:v59+s4+$0x0], $0xffff;
	(pc) =	sbr.rel @!p1 .LBB2_10-.Ltmp6, $4  }
0xd2: {  	s10 =	sadd.s32 $0x1C, s25;
	s8 =	smul.u32 s29, s28;
	v49 =	vadd.s32 s2, v3;
	v41 =	vld.idx.msk [tilespmem:v60+s4+$0x0], $0xffff;
	s1 =	sshrl.u32 s23, $0x1  }
0xd3: {  	s9 =	smul.u32 s10, s29;
	s30 =	sshrl.u32 s7, $0x1;
	s12 =	sadd.s32 $0x1D, s25;
	v43 =	vld.idx.msk [tilespmem:v61+s4+$0x0], $0xffff;
	v46 =	vadd.s32 s1, v3  }
0xd4: {  	s22 =	simm.s32 $0x68B0;
	v47 =	vadd.s32 s30, v3;
	s31 =	sshrl.u32 s8, $0x1;
	v44 =	vld.idx.msk [tilespmem:v62+s4+$0x0], $0xffff;
	s6 =	smul.u32 s12, s10  }
0xd5: {  	s7 =	sshrl.u32 s9, $0x1;
	v48 =	vadd.s32 s31, v3;
	s25 =	simm.s32 $0x30;
	v45 =	vld.idx.msk [tilespmem:v63+s4+$0x0], $0xffff;
	s1 =	smul.u32 s0, s12;
	[tilespmem:s24+$0x0] =	vst v51  }
.LBB2_9:
0xd6: {  	[tilespmem:s24+$0xFFFFF880] =	vst v40;
	v40 =	vld.idx.msk [tilespmem:v50+s4+$0x0], $0xffff;
	v50 =	vadd.s32 s7, v3;
	s2 =	sshrl.u32 s6, $0x1;
	v51 =	vmov v39;
	s0 =	smov.u32 s26  }
0xd7: {  	s26 =	sadd.s32 $0x10, s26;
	s6 =	sadd.s32 $0x11, s0;
	[tilespmem:s24+$0xFFFFF900] =	vst v42;
	v39 =	vld.idx.msk [tilespmem:v49+s4+$0x0], $0xffff;
	v42 =	vadd.s32 s2, v3;
	s1 =	sshrl.u32 s1, $0x1  }
0xd8: {  	s7 =	sadd.s32 $0x1F, s0;
	s8 =	sadd.s32 $0x20, s0;
	s2 =	smul.u32 s26, s6;
	[tilespmem:s24+$0xFFFFF980] =	vst v41;
	v41 =	vld.idx.msk [tilespmem:v46+s4+$0x0], $0xffff;
	v46 =	vadd.s32 s1, v3  }
0xd9: {  	p1 =	slt.u32 s26, $0x70;
	s1 =	sadd.s32 $0x1E, s0;
	s8 =	smul.u32 s8, s7;
	[tilespmem:s24+$0xFFFFFA00] =	vst v43;
	v43 =	vld.idx.msk [tilespmem:v47+s4+$0x0], $0xffff  }
0xda: {  	s9 =	sadd.s32 $0x12, s0;
	s7 =	smul.u32 s7, s1;
	s2 =	sshrl.u32 s2, $0x1;
	[tilespmem:s24+$0xFFFFFA80] =	vst v44;
	v44 =	vld.idx.msk [tilespmem:v48+s4+$0x0], $0xffff  }
0xdb: {  	s8 =	sshrl.u32 s8, $0x1;
	v47 =	vadd.s32 s2, v3;
	s2 =	smul.u32 s9, s6;
	s6 =	sadd.s32 $0x13, s0;
	[tilespmem:s24+$0xFFFFFB00] =	vst v45;
	v45 =	vld.idx.msk [tilespmem:v50+s4+$0x0], $0xffff  }
0xdc: {  	s10 =	sadd.s32 $0x14, s0;
	s7 =	sshrl.u32 s7, $0x1;
	v48 =	vadd.s32 s8, v3;
	s9 =	smul.u32 s6, s9;
	[tilespmem:s24+$0xFFFFFB80] =	vst v40;
	v42 =	vld.idx.msk [tilespmem:v42+s4+$0x0], $0xffff  }
0xdd: {  	s8 =	sadd.s32 $0x15, s0;
	s6 =	smul.u32 s10, s6;
	v49 =	vadd.s32 s7, v3;
	s2 =	sshrl.u32 s2, $0x1;
	[tilespmem:s24+$0xFFFFFC00] =	vst v39;
	v46 =	vld.idx.msk [tilespmem:v46+s4+$0x0], $0xffff  }
0xde: {  	s7 =	smul.u32 s8, s10;
	v50 =	vadd.s32 s2, v3;
	s2 =	sshrl.u32 s9, $0x1;
	s9 =	sadd.s32 $0x16, s0;
	[tilespmem:s24+$0xFFFFFC80] =	vst v41  }
0xdf: {  	v41 =	vadd.s32 s2, v3;
	s2 =	sshrl.u32 s6, $0x1;
	s6 =	smul.u32 s9, s8;
	s8 =	sadd.s32 $0x17, s0;
	[tilespmem:s24+$0xFFFFFD00] =	vst v43  }
0xe0: {  	v40 =	vld.idx.msk [tilespmem:v47+s4+$0x0], $0xffff;
	v43 =	vadd.s32 s2, v3;
	s2 =	sshrl.u32 s7, $0x1;
	s7 =	smul.u32 s8, s9;
	s9 =	sadd.s32 $0x18, s0;
	[tilespmem:s24+$0xFFFFFD80] =	vst v44  }
0xe1: {  	v44 =	vadd.s32 s2, v3;
	s2 =	sshrl.u32 s6, $0x1;
	s6 =	smul.u32 s9, s8;
	s8 =	sadd.s32 $0x19, s0;
	v52 =	vld.idx.msk [tilespmem:v48+s4+$0x0], $0xffff;
	[tilespmem:s24+$0xFFFFFE00] =	vst v45  }
0xe2: {  	v45 =	vadd.s32 s2, v3;
	s2 =	sshrl.u32 s7, $0x1;
	s7 =	smul.u32 s8, s9;
	s9 =	sadd.s32 $0x1A, s0;
	v39 =	vld.idx.msk [tilespmem:v49+s4+$0x0], $0xffff;
	[tilespmem:s24+$0xFFFFFE80] =	vst v42  }
0xe3: {  	v42 =	vld.idx.msk [tilespmem:v50+s4+$0x0], $0xffff;
	v50 =	vadd.s32 s2, v3;
	s2 =	sshrl.u32 s6, $0x1;
	s6 =	smul.u32 s9, s8  }
.Ltmp7:
0xe4: {  	s8 =	sadd.s32 $0x1B, s0;
	[tilespmem:s24+$0xFFFFFF00] =	vst v46;
	(pc) =	sbr.rel @p1 .LBB2_9-.Ltmp7, $4  }
0xe5: {  	v41 =	vld.idx.msk [tilespmem:v41+s4+$0x0], $0xffff;
	v49 =	vadd.s32 s2, v3;
	s2 =	sshrl.u32 s7, $0x1;
	s7 =	smul.u32 s8, s9;
	s9 =	sadd.s32 $0x1C, s0;
	[tilespmem:s24+$0xFFFFFF80] =	vst v51  }
0xe6: {  	s0 =	sadd.s32 $0x1D, s0;
	v43 =	vld.idx.msk [tilespmem:v43+s4+$0x0], $0xffff;
	v46 =	vadd.s32 s2, v3;
	s2 =	sshrl.u32 s6, $0x1;
	s8 =	smul.u32 s9, s8  }
0xe7: {  	s24 =	sadd.s32 $0x800, s24;
	s6 =	smul.u32 s0, s9;
	v44 =	vld.idx.msk [tilespmem:v44+s4+$0x0], $0xffff;
	v47 =	vadd.s32 s2, v3;
	s2 =	sshrl.u32 s7, $0x1  }
0xe8: {  	s1 =	smul.u32 s1, s0;
	v45 =	vld.idx.msk [tilespmem:v45+s4+$0x0], $0xffff;
	v48 =	vadd.s32 s2, v3;
	s7 =	sshrl.u32 s8, $0x1;
	[tilespmem:s24+$0x0] =	vst v52  }
.LBB2_10:
0xe9: {  	_ =	sdelay $0x1  }
0xea: {  	[tilespmem:s24+$0xFFFFF880] =	vst v40  }
0xeb: {  	[tilespmem:s24+$0xFFFFF900] =	vst v42  }
0xec: {  	v58 =	vld.idx.msk [tilespmem:v50+s4+$0x0], $0xffff;
	v59 =	vadd.s32 s7, v3;
	s0 =	sshrl.u32 s6, $0x1;
	[tilespmem:s24+$0xFFFFFF80] =	vst v39  }
0xed: {  	v60 =	vld.idx.msk [tilespmem:v49+s4+$0x0], $0xffff;
	v61 =	vadd.s32 s0, v3;
	s30 =	sshrl.u32 s1, $0x1;
	[tilespmem:s24+$0xFFFFF980] =	vst v41  }
0xee: {  	v62 =	vld.idx.msk [tilespmem:v46+s4+$0x0], $0xffff;
	s26 =	sadd.s32 $0x10, s25;
	s31 =	sadd.s32 $0x11, s25;
	v63 =	vadd.s32 s30, v3;
	[tilespmem:s24+$0xFFFFFA00] =	vst v43  }
0xef: {  	v51 =	vld.idx.msk [tilespmem:v47+s4+$0x0], $0xffff;
	s9 =	sadd.s32 $0x1F, s25;
	s10 =	sadd.s32 $0x20, s25;
	s2 =	smul.u32 s26, s31;
	[tilespmem:s24+$0xFFFFFA80] =	vst v44  }
0xf0: {  	v52 =	vld.idx.msk [tilespmem:v48+s4+$0x0], $0xffff;
	s8 =	sadd.s32 $0x12, s25;
	s7 =	smul.u32 s10, s9;
	[tilespmem:s24+$0xFFFFFB00] =	vst v45  }
0xf1: {  	s12 =	sadd.s32 $0x13, s25;
	s1 =	smul.u32 s8, s31;
	v53 =	vld.idx.msk [tilespmem:v59+s4+$0x0], $0xffff;
	[tilespmem:s24+$0xFFFFFB80] =	vst v58  }
0xf2: {  	s16 =	sadd.s32 $0x15, s25;
	s0 =	sadd.s32 $0x1E, s25;
	s8 =	smul.u32 s12, s8;
	[tilespmem:s24+$0xFFFFFC00] =	vst v60;
	v54 =	vld.idx.msk [tilespmem:v61+s4+$0x0], $0xffff  }
0xf3: {  	s28 =	sadd.s32 $0x16, s25;
	s6 =	smul.u32 s9, s0;
	s2 =	sshrl.u32 s2, $0x1;
	[tilespmem:s24+$0xFFFFFC80] =	vst v62;
	v55 =	vld.idx.msk [tilespmem:v63+s4+$0x0], $0xffff  }
0xf4: {  	s31 =	sadd.s32 $0x17, s25;
	s30 =	smul.u32 s28, s16;
	s7 =	sshrl.u32 s7, $0x1;
	v56 =	vadd.s32 s2, v4;
	[tilespmem:s24+$0xFFFFFD00] =	vst v51  }
0xf5: {  	s9 =	sadd.s32 $0x14, s25;
	s10 =	smul.u32 s31, s28;
	s6 =	sshrl.u32 s6, $0x1;
	v57 =	vadd.s32 s7, v4;
	[tilespmem:s24+$0xFFFFFD80] =	vst v52  }
0xf6: {  	s1 =	sshrl.u32 s1, $0x1;
	s2 =	smul.u32 s9, s12;
	v58 =	vadd.s32 s6, v4;
	[tilespmem:s24+$0xFFFFFE00] =	vst v53  }
0xf7: {  	s17 =	sshrl.u32 s8, $0x1;
	s18 =	smul.u32 s16, s9;
	v59 =	vadd.s32 s1, v4;
	[tilespmem:s24+$0xFFFFFE80] =	vst v54  }
0xf8: {  	s28 =	sadd.s32 $0x1A, s25;
	s12 =	sadd.s32 $0x18, s25;
	v60 =	vadd.s32 s17, v4;
	s29 =	sshrl.u32 s2, $0x1;
	[tilespmem:s24+$0xFFFFFF00] =	vst v55  }
0xf9: {  	s9 =	sshrl.u32 s18, $0x1;
	s17 =	smul.u32 s12, s31;
	s18 =	sadd.s32 $0x19, s25;
	v61 =	vadd.s32 s29, v4;
	v40 =	vld.idx.msk [tilespmem:v56+s4+$0x0], $0xffff  }
0xfa: {  	s16 =	sshrl.u32 s30, $0x1;
	v62 =	vadd.s32 s9, v4;
	s7 =	smul.u32 s28, s18;
	v51 =	vld.idx.msk [tilespmem:v57+s4+$0x0], $0xffff  }
0xfb: {  	p1 =	slt.u32 s26, $0x70;
	s6 =	sshrl.u32 s10, $0x1;
	v63 =	vadd.s32 s16, v4;
	s24 =	smul.u32 s18, s12;
	v39 =	vld.idx.msk [tilespmem:v58+s4+$0x0], $0xffff  }
.Ltmp8:
0xfc: {  	v50 =	vadd.s32 s6, v4;
	s29 =	sadd.s32 $0x1B, s25;
	s2 =	sshrl.u32 s17, $0x1;
	v42 =	vld.idx.msk [tilespmem:v59+s4+$0x0], $0xffff;
	(pc) =	sbr.rel @!p1 .LBB2_12-.Ltmp8, $4  }
0xfd: {  	s10 =	sadd.s32 $0x1C, s25;
	s8 =	smul.u32 s29, s28;
	v49 =	vadd.s32 s2, v4;
	v41 =	vld.idx.msk [tilespmem:v60+s4+$0x0], $0xffff;
	s1 =	sshrl.u32 s24, $0x1  }
0xfe: {  	s9 =	smul.u32 s10, s29;
	s30 =	sshrl.u32 s7, $0x1;
	s12 =	sadd.s32 $0x1D, s25;
	v43 =	vld.idx.msk [tilespmem:v61+s4+$0x0], $0xffff;
	v46 =	vadd.s32 s1, v4  }
0xff: {  	s23 =	simm.s32 $0x70C0;
	v47 =	vadd.s32 s30, v4;
	s31 =	sshrl.u32 s8, $0x1;
	v44 =	vld.idx.msk [tilespmem:v62+s4+$0x0], $0xffff;
	s6 =	smul.u32 s12, s10  }
0x100: {  	s7 =	sshrl.u32 s9, $0x1;
	v48 =	vadd.s32 s31, v4;
	s25 =	simm.s32 $0x40;
	v45 =	vld.idx.msk [tilespmem:v63+s4+$0x0], $0xffff;
	s1 =	smul.u32 s0, s12;
	[tilespmem:s22+$0x0] =	vst v51  }
.LBB2_11:
0x101: {  	[tilespmem:s22+$0xFFFFF880] =	vst v40;
	v40 =	vld.idx.msk [tilespmem:v50+s4+$0x0], $0xffff;
	v50 =	vadd.s32 s7, v4;
	s2 =	sshrl.u32 s6, $0x1;
	v51 =	vmov v39;
	s0 =	smov.u32 s26  }
0x102: {  	s26 =	sadd.s32 $0x10, s26;
	s6 =	sadd.s32 $0x11, s0;
	[tilespmem:s22+$0xFFFFF900] =	vst v42;
	v39 =	vld.idx.msk [tilespmem:v49+s4+$0x0], $0xffff;
	v42 =	vadd.s32 s2, v4;
	s1 =	sshrl.u32 s1, $0x1  }
0x103: {  	s7 =	sadd.s32 $0x1F, s0;
	s8 =	sadd.s32 $0x20, s0;
	s2 =	smul.u32 s26, s6;
	[tilespmem:s22+$0xFFFFF980] =	vst v41;
	v41 =	vld.idx.msk [tilespmem:v46+s4+$0x0], $0xffff;
	v46 =	vadd.s32 s1, v4  }
0x104: {  	p1 =	slt.u32 s26, $0x70;
	s1 =	sadd.s32 $0x1E, s0;
	s8 =	smul.u32 s8, s7;
	[tilespmem:s22+$0xFFFFFA00] =	vst v43;
	v43 =	vld.idx.msk [tilespmem:v47+s4+$0x0], $0xffff  }
0x105: {  	s9 =	sadd.s32 $0x12, s0;
	s7 =	smul.u32 s7, s1;
	s2 =	sshrl.u32 s2, $0x1;
	[tilespmem:s22+$0xFFFFFA80] =	vst v44;
	v44 =	vld.idx.msk [tilespmem:v48+s4+$0x0], $0xffff  }
0x106: {  	s8 =	sshrl.u32 s8, $0x1;
	v47 =	vadd.s32 s2, v4;
	s2 =	smul.u32 s9, s6;
	s6 =	sadd.s32 $0x13, s0;
	[tilespmem:s22+$0xFFFFFB00] =	vst v45;
	v45 =	vld.idx.msk [tilespmem:v50+s4+$0x0], $0xffff  }
0x107: {  	s10 =	sadd.s32 $0x14, s0;
	s7 =	sshrl.u32 s7, $0x1;
	v48 =	vadd.s32 s8, v4;
	s9 =	smul.u32 s6, s9;
	[tilespmem:s22+$0xFFFFFB80] =	vst v40;
	v42 =	vld.idx.msk [tilespmem:v42+s4+$0x0], $0xffff  }
0x108: {  	s8 =	sadd.s32 $0x15, s0;
	s6 =	smul.u32 s10, s6;
	v49 =	vadd.s32 s7, v4;
	s2 =	sshrl.u32 s2, $0x1;
	[tilespmem:s22+$0xFFFFFC00] =	vst v39;
	v46 =	vld.idx.msk [tilespmem:v46+s4+$0x0], $0xffff  }
0x109: {  	s7 =	smul.u32 s8, s10;
	v50 =	vadd.s32 s2, v4;
	s2 =	sshrl.u32 s9, $0x1;
	s9 =	sadd.s32 $0x16, s0;
	[tilespmem:s22+$0xFFFFFC80] =	vst v41  }
0x10a: {  	v41 =	vadd.s32 s2, v4;
	s2 =	sshrl.u32 s6, $0x1;
	s6 =	smul.u32 s9, s8;
	s8 =	sadd.s32 $0x17, s0;
	[tilespmem:s22+$0xFFFFFD00] =	vst v43  }
0x10b: {  	v40 =	vld.idx.msk [tilespmem:v47+s4+$0x0], $0xffff;
	v43 =	vadd.s32 s2, v4;
	s2 =	sshrl.u32 s7, $0x1;
	s7 =	smul.u32 s8, s9;
	s9 =	sadd.s32 $0x18, s0;
	[tilespmem:s22+$0xFFFFFD80] =	vst v44  }
0x10c: {  	v44 =	vadd.s32 s2, v4;
	s2 =	sshrl.u32 s6, $0x1;
	s6 =	smul.u32 s9, s8;
	s8 =	sadd.s32 $0x19, s0;
	v52 =	vld.idx.msk [tilespmem:v48+s4+$0x0], $0xffff;
	[tilespmem:s22+$0xFFFFFE00] =	vst v45  }
0x10d: {  	v45 =	vadd.s32 s2, v4;
	s2 =	sshrl.u32 s7, $0x1;
	s7 =	smul.u32 s8, s9;
	s9 =	sadd.s32 $0x1A, s0;
	v39 =	vld.idx.msk [tilespmem:v49+s4+$0x0], $0xffff;
	[tilespmem:s22+$0xFFFFFE80] =	vst v42  }
0x10e: {  	v42 =	vld.idx.msk [tilespmem:v50+s4+$0x0], $0xffff;
	v50 =	vadd.s32 s2, v4;
	s2 =	sshrl.u32 s6, $0x1;
	s6 =	smul.u32 s9, s8  }
.Ltmp9:
0x10f: {  	s8 =	sadd.s32 $0x1B, s0;
	[tilespmem:s22+$0xFFFFFF00] =	vst v46;
	(pc) =	sbr.rel @p1 .LBB2_11-.Ltmp9, $4  }
0x110: {  	v41 =	vld.idx.msk [tilespmem:v41+s4+$0x0], $0xffff;
	v49 =	vadd.s32 s2, v4;
	s2 =	sshrl.u32 s7, $0x1;
	s7 =	smul.u32 s8, s9;
	s9 =	sadd.s32 $0x1C, s0;
	[tilespmem:s22+$0xFFFFFF80] =	vst v51  }
0x111: {  	s0 =	sadd.s32 $0x1D, s0;
	v43 =	vld.idx.msk [tilespmem:v43+s4+$0x0], $0xffff;
	v46 =	vadd.s32 s2, v4;
	s2 =	sshrl.u32 s6, $0x1;
	s8 =	smul.u32 s9, s8  }
0x112: {  	s22 =	sadd.s32 $0x800, s22;
	s6 =	smul.u32 s0, s9;
	v44 =	vld.idx.msk [tilespmem:v44+s4+$0x0], $0xffff;
	v47 =	vadd.s32 s2, v4;
	s2 =	sshrl.u32 s7, $0x1  }
0x113: {  	s1 =	smul.u32 s1, s0;
	v45 =	vld.idx.msk [tilespmem:v45+s4+$0x0], $0xffff;
	v48 =	vadd.s32 s2, v4;
	s7 =	sshrl.u32 s8, $0x1;
	[tilespmem:s22+$0x0] =	vst v52  }
.LBB2_12:
0x114: {  	_ =	sdelay $0x1  }
0x115: {  	[tilespmem:s22+$0xFFFFF880] =	vst v40  }
0x116: {  	[tilespmem:s22+$0xFFFFF900] =	vst v42  }
0x117: {  	v58 =	vld.idx.msk [tilespmem:v50+s4+$0x0], $0xffff;
	v59 =	vadd.s32 s7, v4;
	s0 =	sshrl.u32 s6, $0x1;
	[tilespmem:s22+$0xFFFFFF80] =	vst v39  }
0x118: {  	v60 =	vld.idx.msk [tilespmem:v49+s4+$0x0], $0xffff;
	v61 =	vadd.s32 s0, v4;
	s30 =	sshrl.u32 s1, $0x1;
	[tilespmem:s22+$0xFFFFF980] =	vst v41  }
0x119: {  	v62 =	vld.idx.msk [tilespmem:v46+s4+$0x0], $0xffff;
	s26 =	sadd.s32 $0x10, s25;
	s31 =	sadd.s32 $0x11, s25;
	v63 =	vadd.s32 s30, v4;
	[tilespmem:s22+$0xFFFFFA00] =	vst v43  }
0x11a: {  	v51 =	vld.idx.msk [tilespmem:v47+s4+$0x0], $0xffff;
	s9 =	sadd.s32 $0x1F, s25;
	s10 =	sadd.s32 $0x20, s25;
	s2 =	smul.u32 s26, s31;
	[tilespmem:s22+$0xFFFFFA80] =	vst v44  }
0x11b: {  	v52 =	vld.idx.msk [tilespmem:v48+s4+$0x0], $0xffff;
	s8 =	sadd.s32 $0x12, s25;
	s7 =	smul.u32 s10, s9;
	[tilespmem:s22+$0xFFFFFB00] =	vst v45  }
0x11c: {  	s12 =	sadd.s32 $0x13, s25;
	s1 =	smul.u32 s8, s31;
	v53 =	vld.idx.msk [tilespmem:v59+s4+$0x0], $0xffff;
	[tilespmem:s22+$0xFFFFFB80] =	vst v58  }
0x11d: {  	s16 =	sadd.s32 $0x15, s25;
	s0 =	sadd.s32 $0x1E, s25;
	s8 =	smul.u32 s12, s8;
	[tilespmem:s22+$0xFFFFFC00] =	vst v60;
	v54 =	vld.idx.msk [tilespmem:v61+s4+$0x0], $0xffff  }
0x11e: {  	s28 =	sadd.s32 $0x16, s25;
	s6 =	smul.u32 s9, s0;
	s2 =	sshrl.u32 s2, $0x1;
	[tilespmem:s22+$0xFFFFFC80] =	vst v62;
	v55 =	vld.idx.msk [tilespmem:v63+s4+$0x0], $0xffff  }
0x11f: {  	s31 =	sadd.s32 $0x17, s25;
	s30 =	smul.u32 s28, s16;
	s7 =	sshrl.u32 s7, $0x1;
	v56 =	vadd.s32 s2, v5;
	[tilespmem:s22+$0xFFFFFD00] =	vst v51  }
0x120: {  	s9 =	sadd.s32 $0x14, s25;
	s10 =	smul.u32 s31, s28;
	s6 =	sshrl.u32 s6, $0x1;
	v57 =	vadd.s32 s7, v5;
	[tilespmem:s22+$0xFFFFFD80] =	vst v52  }
0x121: {  	s1 =	sshrl.u32 s1, $0x1;
	s2 =	smul.u32 s9, s12;
	v58 =	vadd.s32 s6, v5;
	[tilespmem:s22+$0xFFFFFE00] =	vst v53  }
0x122: {  	s17 =	sshrl.u32 s8, $0x1;
	s18 =	smul.u32 s16, s9;
	v59 =	vadd.s32 s1, v5;
	[tilespmem:s22+$0xFFFFFE80] =	vst v54  }
0x123: {  	s28 =	sadd.s32 $0x1A, s25;
	s12 =	sadd.s32 $0x18, s25;
	v60 =	vadd.s32 s17, v5;
	s29 =	sshrl.u32 s2, $0x1;
	[tilespmem:s22+$0xFFFFFF00] =	vst v55  }
0x124: {  	s9 =	sshrl.u32 s18, $0x1;
	s17 =	smul.u32 s12, s31;
	s18 =	sadd.s32 $0x19, s25;
	v61 =	vadd.s32 s29, v5;
	v40 =	vld.idx.msk [tilespmem:v56+s4+$0x0], $0xffff  }
0x125: {  	s16 =	sshrl.u32 s30, $0x1;
	v62 =	vadd.s32 s9, v5;
	s7 =	smul.u32 s28, s18;
	v51 =	vld.idx.msk [tilespmem:v57+s4+$0x0], $0xffff  }
0x126: {  	p1 =	slt.u32 s26, $0x70;
	s6 =	sshrl.u32 s10, $0x1;
	v63 =	vadd.s32 s16, v5;
	s22 =	smul.u32 s18, s12;
	v39 =	vld.idx.msk [tilespmem:v58+s4+$0x0], $0xffff  }
.Ltmp10:
0x127: {  	v50 =	vadd.s32 s6, v5;
	s29 =	sadd.s32 $0x1B, s25;
	s2 =	sshrl.u32 s17, $0x1;
	v42 =	vld.idx.msk [tilespmem:v59+s4+$0x0], $0xffff;
	(pc) =	sbr.rel @!p1 .LBB2_14-.Ltmp10, $4  }
0x128: {  	s10 =	sadd.s32 $0x1C, s25;
	s8 =	smul.u32 s29, s28;
	v49 =	vadd.s32 s2, v5;
	v41 =	vld.idx.msk [tilespmem:v60+s4+$0x0], $0xffff;
	s1 =	sshrl.u32 s22, $0x1  }
0x129: {  	s9 =	smul.u32 s10, s29;
	s30 =	sshrl.u32 s7, $0x1;
	s12 =	sadd.s32 $0x1D, s25;
	v43 =	vld.idx.msk [tilespmem:v61+s4+$0x0], $0xffff;
	v46 =	vadd.s32 s1, v5  }
0x12a: {  	s24 =	simm.s32 $0x78D0;
	v47 =	vadd.s32 s30, v5;
	s31 =	sshrl.u32 s8, $0x1;
	v44 =	vld.idx.msk [tilespmem:v62+s4+$0x0], $0xffff;
	s6 =	smul.u32 s12, s10  }
0x12b: {  	s7 =	sshrl.u32 s9, $0x1;
	v48 =	vadd.s32 s31, v5;
	v45 =	vld.idx.msk [tilespmem:v63+s4+$0x0], $0xffff;
	s22 =	simm.s32 $0x50;
	s1 =	smul.u32 s0, s12;
	[tilespmem:s23+$0x0] =	vst v51  }
.LBB2_13:
0x12c: {  	[tilespmem:s23+$0xFFFFF880] =	vst v40;
	v40 =	vld.idx.msk [tilespmem:v50+s4+$0x0], $0xffff;
	v50 =	vadd.s32 s7, v5;
	s2 =	sshrl.u32 s6, $0x1;
	v51 =	vmov v39;
	s0 =	smov.u32 s26  }
0x12d: {  	s26 =	sadd.s32 $0x10, s26;
	s6 =	sadd.s32 $0x11, s0;
	[tilespmem:s23+$0xFFFFF900] =	vst v42;
	v39 =	vld.idx.msk [tilespmem:v49+s4+$0x0], $0xffff;
	v42 =	vadd.s32 s2, v5;
	s1 =	sshrl.u32 s1, $0x1  }
0x12e: {  	s7 =	sadd.s32 $0x1F, s0;
	s8 =	sadd.s32 $0x20, s0;
	s2 =	smul.u32 s26, s6;
	[tilespmem:s23+$0xFFFFF980] =	vst v41;
	v41 =	vld.idx.msk [tilespmem:v46+s4+$0x0], $0xffff;
	v46 =	vadd.s32 s1, v5  }
0x12f: {  	p1 =	slt.u32 s26, $0x70;
	s1 =	sadd.s32 $0x1E, s0;
	s8 =	smul.u32 s8, s7;
	[tilespmem:s23+$0xFFFFFA00] =	vst v43;
	v43 =	vld.idx.msk [tilespmem:v47+s4+$0x0], $0xffff  }
0x130: {  	s9 =	sadd.s32 $0x12, s0;
	s7 =	smul.u32 s7, s1;
	s2 =	sshrl.u32 s2, $0x1;
	[tilespmem:s23+$0xFFFFFA80] =	vst v44;
	v44 =	vld.idx.msk [tilespmem:v48+s4+$0x0], $0xffff  }
0x131: {  	s8 =	sshrl.u32 s8, $0x1;
	v47 =	vadd.s32 s2, v5;
	s2 =	smul.u32 s9, s6;
	s6 =	sadd.s32 $0x13, s0;
	[tilespmem:s23+$0xFFFFFB00] =	vst v45;
	v45 =	vld.idx.msk [tilespmem:v50+s4+$0x0], $0xffff  }
0x132: {  	s10 =	sadd.s32 $0x14, s0;
	s7 =	sshrl.u32 s7, $0x1;
	v48 =	vadd.s32 s8, v5;
	s9 =	smul.u32 s6, s9;
	[tilespmem:s23+$0xFFFFFB80] =	vst v40;
	v42 =	vld.idx.msk [tilespmem:v42+s4+$0x0], $0xffff  }
0x133: {  	s8 =	sadd.s32 $0x15, s0;
	s6 =	smul.u32 s10, s6;
	v49 =	vadd.s32 s7, v5;
	s2 =	sshrl.u32 s2, $0x1;
	[tilespmem:s23+$0xFFFFFC00] =	vst v39;
	v46 =	vld.idx.msk [tilespmem:v46+s4+$0x0], $0xffff  }
0x134: {  	s7 =	smul.u32 s8, s10;
	v50 =	vadd.s32 s2, v5;
	s2 =	sshrl.u32 s9, $0x1;
	s9 =	sadd.s32 $0x16, s0;
	[tilespmem:s23+$0xFFFFFC80] =	vst v41  }
0x135: {  	v41 =	vadd.s32 s2, v5;
	s2 =	sshrl.u32 s6, $0x1;
	s6 =	smul.u32 s9, s8;
	s8 =	sadd.s32 $0x17, s0;
	[tilespmem:s23+$0xFFFFFD00] =	vst v43  }
0x136: {  	v40 =	vld.idx.msk [tilespmem:v47+s4+$0x0], $0xffff;
	v43 =	vadd.s32 s2, v5;
	s2 =	sshrl.u32 s7, $0x1;
	s7 =	smul.u32 s8, s9;
	s9 =	sadd.s32 $0x18, s0;
	[tilespmem:s23+$0xFFFFFD80] =	vst v44  }
0x137: {  	v44 =	vadd.s32 s2, v5;
	s2 =	sshrl.u32 s6, $0x1;
	s6 =	smul.u32 s9, s8;
	s8 =	sadd.s32 $0x19, s0;
	v52 =	vld.idx.msk [tilespmem:v48+s4+$0x0], $0xffff;
	[tilespmem:s23+$0xFFFFFE00] =	vst v45  }
0x138: {  	v45 =	vadd.s32 s2, v5;
	s2 =	sshrl.u32 s7, $0x1;
	s7 =	smul.u32 s8, s9;
	s9 =	sadd.s32 $0x1A, s0;
	v39 =	vld.idx.msk [tilespmem:v49+s4+$0x0], $0xffff;
	[tilespmem:s23+$0xFFFFFE80] =	vst v42  }
0x139: {  	v42 =	vld.idx.msk [tilespmem:v50+s4+$0x0], $0xffff;
	v50 =	vadd.s32 s2, v5;
	s2 =	sshrl.u32 s6, $0x1;
	s6 =	smul.u32 s9, s8  }
.Ltmp11:
0x13a: {  	s8 =	sadd.s32 $0x1B, s0;
	[tilespmem:s23+$0xFFFFFF00] =	vst v46;
	(pc) =	sbr.rel @p1 .LBB2_13-.Ltmp11, $4  }
0x13b: {  	v41 =	vld.idx.msk [tilespmem:v41+s4+$0x0], $0xffff;
	v49 =	vadd.s32 s2, v5;
	s2 =	sshrl.u32 s7, $0x1;
	s7 =	smul.u32 s8, s9;
	s9 =	sadd.s32 $0x1C, s0;
	[tilespmem:s23+$0xFFFFFF80] =	vst v51  }
0x13c: {  	s0 =	sadd.s32 $0x1D, s0;
	v43 =	vld.idx.msk [tilespmem:v43+s4+$0x0], $0xffff;
	v46 =	vadd.s32 s2, v5;
	s2 =	sshrl.u32 s6, $0x1;
	s8 =	smul.u32 s9, s8  }
0x13d: {  	s23 =	sadd.s32 $0x800, s23;
	s6 =	smul.u32 s0, s9;
	v44 =	vld.idx.msk [tilespmem:v44+s4+$0x0], $0xffff;
	v47 =	vadd.s32 s2, v5;
	s2 =	sshrl.u32 s7, $0x1  }
0x13e: {  	s1 =	smul.u32 s1, s0;
	v45 =	vld.idx.msk [tilespmem:v45+s4+$0x0], $0xffff;
	v48 =	vadd.s32 s2, v5;
	s7 =	sshrl.u32 s8, $0x1;
	[tilespmem:s23+$0x0] =	vst v52  }
.LBB2_14:
0x13f: {  	_ =	sdelay $0x1  }
0x140: {  	[tilespmem:s23+$0xFFFFF880] =	vst v40  }
0x141: {  	[tilespmem:s23+$0xFFFFF900] =	vst v42  }
0x142: {  	v57 =	vld.idx.msk [tilespmem:v50+s4+$0x0], $0xffff;
	v58 =	vadd.s32 s7, v5;
	s0 =	sshrl.u32 s6, $0x1;
	[tilespmem:s23+$0xFFFFFF80] =	vst v39  }
0x143: {  	v59 =	vld.idx.msk [tilespmem:v49+s4+$0x0], $0xffff;
	v60 =	vadd.s32 s0, v5;
	s29 =	sshrl.u32 s1, $0x1;
	[tilespmem:s23+$0xFFFFF980] =	vst v41  }
0x144: {  	v61 =	vld.idx.msk [tilespmem:v46+s4+$0x0], $0xffff;
	v62 =	vadd.s32 s29, v5;
	[tilespmem:s23+$0xFFFFFA00] =	vst v43  }
0x145: {  	v63 =	vld.idx.msk [tilespmem:v47+s4+$0x0], $0xffff;
	s25 =	sadd.s32 $0x10, s22;
	s30 =	sadd.s32 $0x11, s22;
	[tilespmem:s23+$0xFFFFFA80] =	vst v44  }
0x146: {  	v51 =	vld.idx.msk [tilespmem:v48+s4+$0x0], $0xffff;
	s31 =	sadd.s32 $0x1F, s22;
	s9 =	sadd.s32 $0x20, s22;
	s2 =	smul.u32 s25, s30;
	[tilespmem:s23+$0xFFFFFB00] =	vst v45  }
0x147: {  	s8 =	sadd.s32 $0x12, s22;
	s7 =	smul.u32 s9, s31;
	v52 =	vld.idx.msk [tilespmem:v58+s4+$0x0], $0xffff;
	[tilespmem:s23+$0xFFFFFB80] =	vst v57  }
0x148: {  	s10 =	sadd.s32 $0x13, s22;
	s0 =	sadd.s32 $0x1E, s22;
	s1 =	smul.u32 s8, s30;
	[tilespmem:s23+$0xFFFFFC00] =	vst v59;
	v53 =	vld.idx.msk [tilespmem:v60+s4+$0x0], $0xffff  }
0x149: {  	s16 =	sadd.s32 $0x15, s22;
	s6 =	smul.u32 s31, s0;
	s2 =	sshrl.u32 s2, $0x1;
	[tilespmem:s23+$0xFFFFFC80] =	vst v61;
	v54 =	vld.idx.msk [tilespmem:v62+s4+$0x0], $0xffff  }
0x14a: {  	s18 =	sadd.s32 $0x16, s22;
	s8 =	smul.u32 s10, s8;
	s7 =	sshrl.u32 s7, $0x1;
	v55 =	vadd.s32 s2, v6;
	[tilespmem:s23+$0xFFFFFD00] =	vst v63  }
0x14b: {  	s12 =	sadd.s32 $0x14, s22;
	s26 =	smul.u32 s18, s16;
	v56 =	vadd.s32 s7, v6;
	s6 =	sshrl.u32 s6, $0x1;
	[tilespmem:s23+$0xFFFFFD80] =	vst v51  }
0x14c: {  	s28 =	sadd.s32 $0x17, s22;
	s1 =	sshrl.u32 s1, $0x1;
	s7 =	smul.u32 s16, s12;
	v57 =	vadd.s32 s6, v6;
	[tilespmem:s23+$0xFFFFFE00] =	vst v52  }
0x14d: {  	s30 =	smul.u32 s28, s18;
	s18 =	sadd.s32 $0x1A, s22;
	s17 =	sshrl.u32 s8, $0x1;
	v58 =	vadd.s32 s1, v6;
	[tilespmem:s23+$0xFFFFFE80] =	vst v53  }
0x14e: {  	s31 =	sadd.s32 $0x18, s22;
	s2 =	smul.u32 s12, s10;
	v59 =	vadd.s32 s17, v6;
	s29 =	sshrl.u32 s7, $0x1;
	[tilespmem:s23+$0xFFFFFF00] =	vst v54  }
0x14f: {  	s9 =	sshrl.u32 s26, $0x1;
	s26 =	sadd.s32 $0x1B, s22;
	s10 =	smul.u32 s31, s28;
	v61 =	vadd.s32 s29, v6;
	v45 =	vld.idx.msk [tilespmem:v55+s4+$0x0], $0xffff  }
0x150: {  	s12 =	sadd.s32 $0x19, s22;
	s8 =	smul.u32 s26, s18;
	v63 =	vadd.s32 s9, v6;
	s23 =	sshrl.u32 s2, $0x1;
	v62 =	vld.idx.msk [tilespmem:v56+s4+$0x0], $0xffff  }
0x151: {  	s16 =	sshrl.u32 s30, $0x1;
	s17 =	smul.u32 s12, s31;
	s9 =	sadd.s32 $0x1C, s22;
	v60 =	vadd.s32 s23, v6;
	v39 =	vld.idx.msk [tilespmem:v57+s4+$0x0], $0xffff  }
0x152: {  	p1 =	slt.u32 s25, $0x70;
	v51 =	vadd.s32 s16, v6;
	s6 =	smul.u32 s9, s26;
	v42 =	vld.idx.msk [tilespmem:v58+s4+$0x0], $0xffff  }
.Ltmp12:
0x153: {  	s2 =	sshrl.u32 s10, $0x1;
	v40 =	vld.idx.msk [tilespmem:v59+s4+$0x0], $0xffff;
	(pc) =	sbr.rel @!p1 .LBB2_16-.Ltmp12, $4  }
0x154: {  	s10 =	sadd.s32 $0x1D, s22;
	s23 =	smul.u32 s18, s12;
	v49 =	vadd.s32 s2, v6;
	v43 =	vld.idx.msk [tilespmem:v61+s4+$0x0], $0xffff  }
0x155: {  	s30 =	sshrl.u32 s8, $0x1;
	s28 =	sshrl.u32 s17, $0x1;
	s29 =	smul.u32 s10, s9;
	v44 =	vld.idx.msk [tilespmem:v63+s4+$0x0], $0xffff  }
0x156: {  	v48 =	vadd.s32 s30, v6;
	v47 =	vadd.s32 s28, v6;
	s31 =	sshrl.u32 s6, $0x1;
	s1 =	sshrl.u32 s23, $0x1;
	v41 =	vld.idx.msk [tilespmem:v60+s4+$0x0], $0xffff;
	[tilespmem:s24+$0x0] =	vst v62  }
0x157: {  	v50 =	vadd.s32 s31, v6;
	s0 =	smul.u32 s0, s10;
	v46 =	vadd.s32 s1, v6;
	s1 =	sshrl.u32 s29, $0x1;
	[tilespmem:s24+$0xFFFFF880] =	vst v45;
	v45 =	vld.idx.msk [tilespmem:v51+s4+$0x0], $0xffff  }
.LBB2_15:
0x158: {  	s2 =	sadd.s32 $0x11, s25  }
0x159: {  	[tilespmem:s24+$0xFFFFF900] =	vst v42;
	v42 =	vld.idx.msk [tilespmem:v49+s4+$0x0], $0xffff;
	v49 =	vadd.s32 s1, v6;
	s0 =	sshrl.u32 s0, $0x1;
	s1 =	smov.u32 s25;
	s25 =	sadd.s32 $0x10, s25  }
0x15a: {  	s6 =	smul.u32 s25, s2;
	s7 =	sadd.s32 $0x1F, s1;
	s8 =	sadd.s32 $0x20, s1  }
0x15b: {  	[tilespmem:s24+$0xFFFFF980] =	vst v40;
	v40 =	vld.idx.msk [tilespmem:v47+s4+$0x0], $0xffff;
	v47 =	vadd.s32 s0, v6;
	s0 =	sadd.s32 $0x1E, s1;
	p1 =	slt.u32 s25, $0x70;
	s8 =	smul.u32 s8, s7  }
0x15c: {  	s9 =	sadd.s32 $0x12, s1;
	[tilespmem:s24+$0xFFFFFA00] =	vst v41;
	v41 =	vld.idx.msk [tilespmem:v46+s4+$0x0], $0xffff;
	s7 =	smul.u32 s7, s0;
	s6 =	sshrl.u32 s6, $0x1  }
0x15d: {  	s10 =	sadd.s32 $0x14, s1;
	s2 =	smul.u32 s9, s2;
	[tilespmem:s24+$0xFFFFFA80] =	vst v43;
	v43 =	vld.idx.msk [tilespmem:v48+s4+$0x0], $0xffff;
	v46 =	vadd.s32 s6, v6;
	s6 =	sadd.s32 $0x13, s1  }
0x15e: {  	s8 =	sshrl.u32 s8, $0x1;
	[tilespmem:s24+$0xFFFFFB00] =	vst v44;
	v44 =	vld.idx.msk [tilespmem:v50+s4+$0x0], $0xffff;
	s7 =	sshrl.u32 s7, $0x1;
	s9 =	smul.u32 s6, s9  }
0x15f: {  	s2 =	sshrl.u32 s2, $0x1;
	v48 =	vadd.s32 s8, v6;
	[tilespmem:s24+$0xFFFFFB80] =	vst v45;
	v45 =	vld.idx.msk [tilespmem:v49+s4+$0x0], $0xffff;
	s6 =	smul.u32 s10, s6;
	s8 =	sadd.s32 $0x15, s1  }
0x160: {  	v49 =	vadd.s32 s7, v6;
	[tilespmem:s24+$0xFFFFFC00] =	vst v42;
	v47 =	vld.idx.msk [tilespmem:v47+s4+$0x0], $0xffff;
	v42 =	vadd.s32 s2, v6;
	s7 =	smul.u32 s8, s10;
	s2 =	sshrl.u32 s9, $0x1;
	s9 =	sadd.s32 $0x16, s1  }
0x161: {  	[tilespmem:s24+$0xFFFFFC80] =	vst v40;
	v40 =	vadd.s32 s2, v6;
	s2 =	sshrl.u32 s6, $0x1;
	s6 =	smul.u32 s9, s8;
	s8 =	sadd.s32 $0x17, s1  }
0x162: {  	[tilespmem:s24+$0xFFFFFD00] =	vst v41;
	v41 =	vadd.s32 s2, v6;
	s2 =	sshrl.u32 s7, $0x1;
	s7 =	smul.u32 s8, s9;
	s9 =	sadd.s32 $0x18, s1  }
0x163: {  	v50 =	vld.idx.msk [tilespmem:v46+s4+$0x0], $0xffff;
	[tilespmem:s24+$0xFFFFFD80] =	vst v43;
	v43 =	vadd.s32 s2, v6;
	s2 =	sshrl.u32 s6, $0x1;
	s6 =	smul.u32 s9, s8;
	s8 =	sadd.s32 $0x19, s1  }
0x164: {  	v51 =	vld.idx.msk [tilespmem:v48+s4+$0x0], $0xffff;
	[tilespmem:s24+$0xFFFFFE00] =	vst v44;
	v44 =	vadd.s32 s2, v6;
	s2 =	sshrl.u32 s7, $0x1;
	s7 =	smul.u32 s8, s9;
	s9 =	sadd.s32 $0x1A, s1  }
0x165: {  	v52 =	vld.idx.msk [tilespmem:v49+s4+$0x0], $0xffff;
	[tilespmem:s24+$0xFFFFFE80] =	vst v45;
	v45 =	vadd.s32 s2, v6;
	s2 =	sshrl.u32 s6, $0x1;
	s6 =	smul.u32 s9, s8;
	s8 =	sadd.s32 $0x1B, s1  }
0x166: {  	v42 =	vld.idx.msk [tilespmem:v42+s4+$0x0], $0xffff;
	[tilespmem:s24+$0xFFFFFF00] =	vst v47;
	v49 =	vadd.s32 s2, v6;
	s2 =	sshrl.u32 s7, $0x1;
	s7 =	smul.u32 s8, s9  }
.Ltmp13:
0x167: {  	v40 =	vld.idx.msk [tilespmem:v40+s4+$0x0], $0xffff;
	s9 =	sadd.s32 $0x1C, s1;
	[tilespmem:s24+$0xFFFFFF80] =	vst v39;
	(pc) =	sbr.rel @p1 .LBB2_15-.Ltmp13, $4  }
0x168: {  	s1 =	sadd.s32 $0x1D, s1;
	v41 =	vld.idx.msk [tilespmem:v41+s4+$0x0], $0xffff;
	v47 =	vadd.s32 s2, v6;
	s2 =	sshrl.u32 s6, $0x1;
	s6 =	smul.u32 s9, s8  }
0x169: {  	s24 =	sadd.s32 $0x800, s24;
	v43 =	vld.idx.msk [tilespmem:v43+s4+$0x0], $0xffff;
	v46 =	vadd.s32 s2, v6;
	s2 =	sshrl.u32 s7, $0x1;
	s7 =	smul.u32 s1, s9  }
0x16a: {  	s0 =	smul.u32 s0, s1;
	v44 =	vld.idx.msk [tilespmem:v44+s4+$0x0], $0xffff;
	v48 =	vadd.s32 s2, v6;
	s2 =	sshrl.u32 s6, $0x1;
	[tilespmem:s24+$0x0] =	vst v51  }
0x16b: {  	v39 =	vmov v52;
	[tilespmem:s24+$0xFFFFF880] =	vst v50;
	v45 =	vld.idx.msk [tilespmem:v45+s4+$0x0], $0xffff;
	v50 =	vadd.s32 s2, v6;
	s1 =	sshrl.u32 s7, $0x1  }
.LBB2_16:
0x16c: {  	_ =	sdelay $0x1  }
0x16d: {  	[tilespmem:s24+$0xFFFFF900] =	vst v42  }
0x16e: {  	[tilespmem:s24+$0xFFFFF980] =	vst v40  }
0x16f: {  	v55 =	vld.idx.msk [tilespmem:v49+s4+$0x0], $0xffff;
	v56 =	vadd.s32 s1, v6;
	[tilespmem:s24+$0xFFFFFF80] =	vst v39;
	s0 =	sshrl.u32 s0, $0x1  }
0x170: {  	v57 =	vld.idx.msk [tilespmem:v47+s4+$0x0], $0xffff;
	v58 =	vadd.s32 s0, v6;
	[tilespmem:s24+$0xFFFFFA80] =	vst v43  }
0x171: {  	v59 =	vld.idx.msk [tilespmem:v46+s4+$0x0], $0xffff;
	[tilespmem:s24+$0xFFFFFA00] =	vst v41  }
0x172: {  	v60 =	vld.idx.msk [tilespmem:v48+s4+$0x0], $0xffff;
	[tilespmem:s24+$0xFFFFFB00] =	vst v44  }
0x173: {  	v61 =	vld.idx.msk [tilespmem:v50+s4+$0x0], $0xffff;
	[tilespmem:s24+$0xFFFFFB80] =	vst v45  }
0x174: {  	v62 =	vld.idx.msk [tilespmem:v56+s4+$0x0], $0xffff;
	[tilespmem:s24+$0xFFFFFC00] =	vst v55  }
0x175: {  	[tilespmem:s24+$0xFFFFFC80] =	vst v57;
	v63 =	vld.idx.msk [tilespmem:v58+s4+$0x0], $0xffff  }
0x176: {  	[tilespmem:s24+$0xFFFFFD00] =	vst v59  }
0x177: {  	[tilespmem:s24+$0xFFFFFD80] =	vst v60  }
0x178: {  	[tilespmem:s24+$0xFFFFFE00] =	vst v61  }
0x179: {  	[tilespmem:s24+$0xFFFFFE80] =	vst v62  }
0x17a: {  	s1 =	simm.s32 $0x0;
	[tilespmem:s24+$0xFFFFFF00] =	vst v63  }
0x17b: {  	v39 =	vld.idx.msk [tilespmem:v7+s1+$0x0], $0xffff  }
0x17c: {  	v40 =	vld.idx.msk [tilespmem:v8+s1+$0x0], $0xffff  }
0x17d: {  	v41 =	vld.idx.msk [tilespmem:v9+s1+$0x0], $0xffff  }
0x17e: {  	v42 =	vld.idx.msk [tilespmem:v10+s1+$0x0], $0xffff  }
0x17f: {  	v43 =	vld.idx.msk [tilespmem:v11+s1+$0x0], $0xffff  }
0x180: {  	v45 =	vld.idx.msk [tilespmem:v12+s1+$0x0], $0xffff;
	[tilespmem:$0x7960] =	vst v39  }
0x181: {  	v46 =	vld.idx.msk [tilespmem:v13+s1+$0x0], $0xffff;
	[tilespmem:$0x79E0] =	vst v40  }
0x182: {  	v47 =	vld.idx.msk [tilespmem:v14+s1+$0x0], $0xffff;
	[tilespmem:$0x7A60] =	vst v41  }
0x183: {  	v48 =	vld.idx.msk [tilespmem:v15+s1+$0x0], $0xffff;
	[tilespmem:$0x7AE0] =	vst v42  }
0x184: {  	v49 =	vld.idx.msk [tilespmem:v16+s1+$0x0], $0xffff;
	[tilespmem:$0x7B60] =	vst v43  }
0x185: {  	s22 =	simm.s32 $0x0;
	s8 =	simm.s32 $0x6;
	s9 =	simm.s32 $0x7;
	v50 =	vld.idx.msk [tilespmem:v17+s1+$0x0], $0xffff;
	[tilespmem:$0x7BE0] =	vst v45  }
0x186: {  	s10 =	simm.s32 $0x8;
	s6 =	simm.s32 $0x4;
	s16 =	simm.s32 $0x5;
	v51 =	vld.idx.msk [tilespmem:v18+s1+$0x0], $0xffff;
	[tilespmem:$0x7C60] =	vst v46  }
0x187: {  	s17 =	simm.s32 $0x1;
	s18 =	simm.s32 $0x2;
	s12 =	smul.u32 s9, s8;
	v52 =	vld.idx.msk [tilespmem:v19+s1+$0x0], $0xffff;
	[tilespmem:$0x7CE0] =	vst v47  }
0x188: {  	s28 =	simm.s32 $0xE;
	s10 =	smul.u32 s10, s9;
	s0 =	simm.s32 $0x3;
	v53 =	vld.idx.msk [tilespmem:v20+s1+$0x0], $0xffff;
	[tilespmem:$0x7D60] =	vst v48  }
0x189: {  	s2 =	sand.u32 $0x70, s22;
	s23 =	smul.u32 s6, s0;
	s12 =	sshrl.u32 s12, $0x1;
	v54 =	vld.idx.msk [tilespmem:v21+s1+$0x0], $0xffff;
	[tilespmem:$0x7DE0] =	vst v49  }
0x18a: {  	s26 =	smul.u32 s16, s6;
	s10 =	sshrl.u32 s10, $0x1;
	s12 =	sadd.s32 s2, s12;
	v55 =	vld.idx.msk [tilespmem:v22+s1+$0x0], $0xffff;
	[tilespmem:$0x7E60] =	vst v50  }
0x18b: {  	s25 =	smul.u32 s8, s16;
	s10 =	sadd.s32 s2, s10;
	s23 =	sshrl.u32 s23, $0x1;
	v56 =	vadd.s32 s12, v0;
	[tilespmem:$0x7EE0] =	vst v51  }
0x18c: {  	s26 =	sshrl.u32 s26, $0x1;
	s12 =	smul.u32 s0, s18;
	v57 =	vadd.s32 s10, v0;
	s23 =	sadd.s32 s2, s23;
	[tilespmem:$0x7F60] =	vst v52  }
0x18d: {  	s26 =	sadd.s32 s2, s26;
	v58 =	vadd.s32 s23, v0;
	s24 =	sshrl.u32 s25, $0x1;
	s25 =	smul.u32 s22, s17;
	[tilespmem:$0x7FE0] =	vst v53  }
0x18e: {  	v59 =	vadd.s32 s26, v0;
	s23 =	smul.u32 s18, s17;
	s12 =	sshrl.u32 s12, $0x1;
	s26 =	sadd.s32 s2, s24;
	[tilespmem:$0x8060] =	vst v54  }
0x18f: {  	s31 =	simm.s32 $0xF;
	s12 =	sadd.s32 s2, s12;
	s25 =	sshrl.u32 s25, $0x1;
	v60 =	vadd.s32 s26, v0;
	[tilespmem:$0x80E0] =	vst v55  }
0x190: {  	s29 =	simm.s32 $0xC;
	s23 =	sshrl.u32 s23, $0x1;
	v61 =	vadd.s32 s12, v0;
	s26 =	sadd.s32 s2, s25;
	v62 =	vld.idx.msk [tilespmem:v56+s4+$0x0], $0xffff  }
0x191: {  	s7 =	sand.u32 $0x8, s22;
	s9 =	sand.u32 $0xF, s9;
	s2 =	sadd.s32 s2, s23;
	v51 =	vadd.s32 s26, v0;
	v52 =	vld.idx.msk [tilespmem:v57+s4+$0x0], $0xffff  }
0x192: {  	s16 =	sand.u32 $0xD, s16;
	s18 =	sand.u32 $0xA, s18;
	v63 =	vmov s9;
	s24 =	sand.u32 $0xB, s0;
	v53 =	vadd.s32 s2, v0;
	v44 =	vld.idx.msk [tilespmem:v58+s4+$0x0], $0xffff  }
0x193: {  	s12 =	sand.u32 $0x9, s17;
	vm1 =	vgt.u32 v63, v0;
	s25 =	simm.s32 $0x8;
	v40 =	vmov s24;
	s24 =	sand.u32 $0xE, s8;
	v50 =	vld.idx.msk [tilespmem:v59+s4+$0x0], $0xffff  }
0x194: {  	s0 =	simm.s32 $0xB;
	s1 =	sand.u32 $0x3FFFFFF0, s1;
	s17 =	sand.u32 $0x8, s25;
	v39 =	vmov s7;
	v41 =	vmov s18;
	v54 =	vmov s24;
	v47 =	vld.idx.msk [tilespmem:v60+s4+$0x0], $0xffff  }
0x195: {  	s1 =	sadd.s32 $0x4100, s1;
	s26 =	sand.u32 $0xB, s0;
	v45 =	vmov s12;
	v42 =	vmov s17;
	s12 =	sand.u32 $0xC, s6;
	v48 =	vld.idx.msk [tilespmem:v61+s4+$0x0], $0xffff;
	vm0 =	vgt.u32 v54, v0  }
0x196: {  	s23 =	simm.s32 $0x4500;
	s30 =	sand.u32 $0x70, s25;
	s18 =	simm.s32 $0x10;
	v43 =	vmov s26;
	v55 =	vmov s12;
	v46 =	vld.idx.msk [tilespmem:v51+s4+$0x0], $0xffff;
	v56 =	vnsel vm0, $0x0, v62  }
0x197: {  	s24 =	simm.s32 $0x8;
	s26 =	simm.s32 $0xD;
	s17 =	smul.u32 s18, s31;
	v49 =	vld.idx.msk [tilespmem:v53+s4+$0x0], $0xffff;
	v51 =	vmov s16;
	vm0 =	vgt.u32 v55, v0;
	v52 =	vnsel vm1, $0x0, v52;
	[tilespmem:s1+$0x300] =	vst v56  }
.LBB2_17:
0x198: {  	s16 =	sadd.s32 $0x9, s22;
	s2 =	sadd.s32 $0xA, s22;
	s9 =	smul.u32 s31, s28  }
0x199: {  	vm1 =	vgt.u32 v39, v0;
	[tilespmem:s1+$0x380] =	vst v52;
	v39 =	vmov v42;
	s22 =	smov.u32 s25;
	s7 =	smov.u32 s23;
	s8 =	smov.u32 s24  }
0x19a: {  	s6 =	sadd.s32 $0xB, s25;
	s12 =	smul.u32 s28, s26;
	vm2 =	vgt.u32 v40, v0;
	v42 =	vnsel vm0, $0x0, v50;
	vm0 =	vgt.u32 v51, v0;
	v40 =	vmovc v43;
	s10 =	sand.u32 $0xA, s2  }
0x19b: {  	s18 =	smul.u32 s29, s0;
	vm3 =	vgt.u32 v41, v0;
	s17 =	sshrl.u32 s17, $0x1;
	s9 =	sshrl.u32 s9, $0x1;
	v41 =	vmov s10;
	[tilespmem:s1+$0x200] =	vst v42;
	v42 =	vnsel vm0, $0x0, v47  }
0x19c: {  	v44 =	vnsel vm2, $0x0, v44;
	s10 =	smul.u32 s26, s29;
	s17 =	sadd.s32 s30, s17;
	vm0 =	vgt.u32 v45, v0;
	v43 =	vnsel vm3, $0x0, v48;
	s9 =	sadd.s32 s30, s9;
	[tilespmem:s1+$0x280] =	vst v42  }
0x19d: {  	s0 =	smul.u32 s0, s2;
	s18 =	sshrl.u32 s18, $0x1;
	s12 =	sshrl.u32 s12, $0x1;
	v47 =	vadd.s32 s17, v0;
	v45 =	vnsel vm1, $0x0, v46;
	v42 =	vadd.s32 s9, v0;
	[tilespmem:s1+$0x100] =	vst v43  }
0x19e: {  	s2 =	smul.u32 s2, s16;
	s9 =	sadd.s32 s30, s18;
	s10 =	sshrl.u32 s10, $0x1;
	v43 =	vnsel vm0, $0x0, v49;
	[tilespmem:s1+$0x180] =	vst v44  }
0x19f: {  	s17 =	smul.u32 s25, s16;
	s0 =	sshrl.u32 s0, $0x1;
	v44 =	vadd.s32 s9, v0;
	s9 =	sadd.s32 s30, s10;
	[tilespmem:s1+$0x80] =	vst v43  }
0x1a0: {  	s2 =	sshrl.u32 s2, $0x1;
	s0 =	sadd.s32 s30, s0;
	v46 =	vadd.s32 s9, v0;
	s9 =	sadd.s32 s30, s12;
	[tilespmem:s1+$0x0] =	vst v45  }
0x1a1: {  	s2 =	sadd.s32 s30, s2;
	v48 =	vadd.s32 s0, v0;
	s1 =	sshrl.u32 s17, $0x1;
	v49 =	vadd.s32 s9, v0;
	s9 =	sand.u32 $0xF, s31  }
0x1a2: {  	s25 =	sadd.s32 $0x8, s25;
	v51 =	vadd.s32 s2, v0;
	s0 =	sadd.s32 s30, s1;
	s1 =	sand.u32 $0x9, s16;
	v52 =	vld.idx.msk [tilespmem:v42+s4+$0x0], $0xffff  }
0x1a3: {  	p1 =	slt.u32 s25, $0x78;
	s2 =	sand.u32 $0x8, s25;
	v53 =	vadd.s32 s0, v0;
	v45 =	vmov s1;
	s0 =	sand.u32 $0xE, s28;
	v54 =	vld.idx.msk [tilespmem:v47+s4+$0x0], $0xffff  }
0x1a4: {  	v42 =	vmov s2;
	s1 =	sand.u32 $0xB, s6;
	v55 =	vmov s0;
	s0 =	smov.u32 s6;
	v44 =	vld.idx.msk [tilespmem:v44+s4+$0x0], $0xffff  }
.Ltmp14:
0x1a5: {  	s23 =	sadd.s32 $0x400, s23;
	v43 =	vmov s1;
	v50 =	vld.idx.msk [tilespmem:v46+s4+$0x0], $0xffff;
	(pc) =	sbr.rel @p1 .LBB2_17-.Ltmp14, $4  }
0x1a6: {  	s24 =	sadd.s32 $0x8, s24;
	s2 =	sand.u32 $0xD, s26;
	s1 =	sand.u32 $0xC, s29;
	v47 =	vld.idx.msk [tilespmem:v49+s4+$0x0], $0xffff  }
0x1a7: {  	s30 =	sand.u32 $0x70, s25;
	s28 =	sadd.s32 $0xE, s22;
	s6 =	sand.u32 $0x3FFFFFF0, s8;
	vm1 =	vgt.u32 v55, v0;
	v55 =	vmov s9;
	v49 =	vmov s1;
	v48 =	vld.idx.msk [tilespmem:v48+s4+$0x0], $0xffff  }
0x1a8: {  	s31 =	sadd.s32 $0xF, s22;
	s8 =	sadd.s32 $0x10, s22;
	s1 =	sadd.s32 s6, s7;
	vm0 =	vgt.u32 v49, v0;
	v52 =	vnsel vm1, $0x0, v52;
	vm1 =	vgt.u32 v55, v0;
	v46 =	vld.idx.msk [tilespmem:v53+s4+$0x0], $0xffff  }
0x1a9: {  	s26 =	sadd.s32 $0xD, s22;
	s29 =	sadd.s32 $0xC, s22;
	s17 =	smul.u32 s8, s31;
	v49 =	vld.idx.msk [tilespmem:v51+s4+$0x0], $0xffff;
	v51 =	vmov s2;
	[tilespmem:s1+$0x300] =	vst v52;
	v52 =	vnsel vm1, $0x0, v54  }
0x1aa: {  	s2 =	smul.u32 s31, s28;
	s7 =	sadd.s32 $0x9, s22  }
0x1ab: {  	s6 =	sadd.s32 $0xA, s22;
	s8 =	smul.u32 s26, s29;
	s10 =	sshrl.u32 s17, $0x1  }
0x1ac: {  	s9 =	smul.u32 s28, s26;
	s2 =	sshrl.u32 s2, $0x1;
	s10 =	sadd.s32 s30, s10  }
0x1ad: {  	s22 =	smul.u32 s0, s6;
	s8 =	sshrl.u32 s8, $0x1;
	s2 =	sadd.s32 s30, s2;
	v54 =	vadd.s32 s10, v0  }
0x1ae: {  	s9 =	sshrl.u32 s9, $0x1;
	s10 =	smul.u32 s29, s0;
	s8 =	sadd.s32 s30, s8;
	v53 =	vadd.s32 s2, v0  }
0x1af: {  	s12 =	smul.u32 s6, s7;
	s9 =	sadd.s32 s30, s9;
	v55 =	vadd.s32 s8, v0;
	s2 =	sshrl.u32 s22, $0x1  }
0x1b0: {  	v56 =	vadd.s32 s9, v0;
	s0 =	sshrl.u32 s10, $0x1;
	s2 =	sadd.s32 s30, s2  }
0x1b1: {  	s16 =	smul.u32 s25, s7;
	s17 =	sshrl.u32 s12, $0x1;
	v57 =	vadd.s32 s2, v0;
	s0 =	sadd.s32 s30, s0  }
0x1b2: {  	[tilespmem:s1+$0x380] =	vst v52;
	v50 =	vnsel vm0, $0x0, v50;
	vm4 =	vgt.u32 v51, v0;
	s2 =	sadd.s32 s30, s17;
	v59 =	vadd.s32 s0, v0;
	v63 =	vld.idx.msk [tilespmem:v54+s4+$0x0], $0xffff  }
0x1b3: {  	vm5 =	vgt.u32 v40, v0;
	[tilespmem:s1+$0x200] =	vst v50;
	v60 =	vnsel vm4, $0x0, v47;
	s18 =	sshrl.u32 s16, $0x1;
	v62 =	vadd.s32 s2, v0;
	v47 =	vld.idx.msk [tilespmem:v53+s4+$0x0], $0xffff  }
0x1b4: {  	vm1 =	vgt.u32 v41, v0;
	v44 =	vnsel vm5, $0x0, v44;
	[tilespmem:s1+$0x280] =	vst v60;
	s0 =	sadd.s32 s30, s18;
	v53 =	vld.idx.msk [tilespmem:v55+s4+$0x0], $0xffff  }
0x1b5: {  	vm7 =	vgt.u32 v39, v0;
	s25 =	sand.u32 $0xF, s31;
	v61 =	vnsel vm1, $0x0, v48;
	[tilespmem:s1+$0x180] =	vst v44;
	v52 =	vadd.s32 s0, v0;
	v56 =	vld.idx.msk [tilespmem:v56+s4+$0x0], $0xffff  }
0x1b6: {  	vm6 =	vgt.u32 v45, v0;
	v58 =	vmov s25;
	[tilespmem:s1+$0x100] =	vst v61;
	v46 =	vnsel vm7, $0x0, v46;
	s22 =	sand.u32 $0xE, s28;
	v57 =	vld.idx.msk [tilespmem:v57+s4+$0x0], $0xffff  }
0x1b7: {  	vm9 =	vgt.u32 v58, v0;
	s28 =	sand.u32 $0xC, s29;
	s29 =	sand.u32 $0x3FFFFFF0, s24;
	[tilespmem:s1+$0x0] =	vst v46;
	v54 =	vnsel vm6, $0x0, v49;
	v55 =	vmov s22;
	v59 =	vld.idx.msk [tilespmem:v59+s4+$0x0], $0xffff  }
0x1b8: {  	v60 =	vmov s28;
	s31 =	sadd.s32 s29, s23;
	s30 =	sand.u32 $0xD, s26;
	[tilespmem:s1+$0x80] =	vst v54;
	vm8 =	vgt.u32 v55, v0;
	v41 =	vld.idx.msk [tilespmem:v62+s4+$0x0], $0xffff;
	v62 =	vnsel vm9, $0x0, v63  }
0x1b9: {  	s6 =	sand.u32 $0xA, s6;
	vm10 =	vgt.u32 v60, v0;
	v61 =	vmov s30;
	v47 =	vnsel vm8, $0x0, v47;
	[tilespmem:s31+$0x380] =	vst v62  }
0x1ba: {  	vm11 =	vgt.u32 v61, v0;
	v63 =	vmov s6;
	v40 =	vld.idx.msk [tilespmem:v52+s4+$0x0], $0xffff;
	v45 =	vnsel vm10, $0x0, v53;
	[tilespmem:s31+$0x300] =	vst v47  }
0x1bb: {  	s8 =	sand.u32 $0x9, s7;
	vm12 =	vgt.u32 v63, v0;
	v44 =	vnsel vm11, $0x0, v56;
	[tilespmem:s31+$0x200] =	vst v45  }
0x1bc: {  	vm13 =	vgt.u32 v43, v0;
	v49 =	vmov s8;
	[tilespmem:s31+$0x280] =	vst v44;
	v39 =	vnsel vm12, $0x0, v57  }
0x1bd: {  	vm14 =	vgt.u32 v49, v0;
	v43 =	vnsel vm13, $0x0, v59;
	[tilespmem:s31+$0x100] =	vst v39  }
0x1be: {  	vm15 =	vgt.u32 v42, v0;
	v50 =	vnsel vm14, $0x0, v41;
	[tilespmem:s31+$0x180] =	vst v43  }
0x1bf: {  	v40 =	vnsel vm15, $0x0, v40;
	[tilespmem:s31+$0x80] =	vst v50  }
0x1c0: {  	[tilespmem:s31+$0x0] =	vst v40  }
0x1c1: {  	v39 =	vld.idx.msk [tilespmem:v23+s4+$0x0], $0xffff;
	_ =	sdelay $0x4  }
0x1c2: {  	v51 =	vand.u32 $0x7FFFFFFF, v39  }
0x1c3: {  	v40 =	vsub.f32 $0.0e+00, v51;
	_ =	sdelay $0x1  }
0x1c4: {  	v40 =	vmul.f32 $1.442695020e+00, v40;
	_ =	sdelay $0x1  }
0x1c5: {  	(erf) = vpow2.f32 v40;
	_ =	sdelay $0x8  }
0x1c6: {  	v40 =	vpop (erf)  }
0x1c7: {  	v52 =	vadd.f32 $2.000000000e+00, v40;
	_ =	sdelay $0x1  }
0x1c8: {  	(erf) = vrcp.f32 v52;
	_ =	sdelay $0x8  }
0x1c9: {  	v41 =	vpop (erf)  }
0x1ca: {  	v40 =	vmul.f32 v41, v40;
	_ =	sdelay $0x1  }
0x1cb: {  	v41 =	vmul.f32 v40, v40;
	_ =	sdelay $0x1  }
0x1cc: {  	v53 =	vmul.f32 $1.111111120e-01, v41;
	_ =	sdelay $0x1  }
0x1cd: {  	v42 =	vadd.f32 $1.428571490e-01, v53;
	_ =	sdelay $0x1  }
0x1ce: {  	v42 =	vmul.f32 v42, v41;
	_ =	sdelay $0x1  }
0x1cf: {  	v42 =	vadd.f32 $2.000000030e-01, v42;
	_ =	sdelay $0x1  }
0x1d0: {  	v42 =	vmul.f32 v42, v41;
	_ =	sdelay $0x1  }
0x1d1: {  	v42 =	vadd.f32 $3.333333430e-01, v42;
	_ =	sdelay $0x1  }
0x1d2: {  	v41 =	vmul.f32 v42, v41;
	_ =	sdelay $0x1  }
0x1d3: {  	v40 =	vadd.f32 v40, v40;
	v41 =	vadd.f32 $1.000000000e+00, v41;
	_ =	sdelay $0x1  }
0x1d4: {  	v40 =	vmul.f32 v41, v40  }
0x1d5: {  	v39 =	vmax.f32 v39, $0.0e+00  }
0x1d6: {  	v39 =	vadd.f32 v40, v39;
	_ =	sdelay $0x1  }
0x1d7: {  	[tilespmem:v24+s13+$0x0] =	vst.idx.msk $0xffff, v39  }
0x1d8: {  	v39 =	vld.idx.msk [tilespmem:v25+s4+$0x0], $0xffff;
	_ =	sdelay $0x4  }
0x1d9: {  	v54 =	vand.u32 $0x7FFFFFFF, v39  }
0x1da: {  	v40 =	vsub.f32 $0.0e+00, v54;
	_ =	sdelay $0x1  }
0x1db: {  	v40 =	vmul.f32 $1.442695020e+00, v40;
	_ =	sdelay $0x1  }
0x1dc: {  	(erf) = vpow2.f32 v40;
	_ =	sdelay $0x8  }
0x1dd: {  	v40 =	vpop (erf)  }
0x1de: {  	v55 =	vadd.f32 $2.000000000e+00, v40;
	_ =	sdelay $0x1  }
0x1df: {  	(erf) = vrcp.f32 v55;
	_ =	sdelay $0x8  }
0x1e0: {  	v41 =	vpop (erf)  }
0x1e1: {  	v40 =	vmul.f32 v41, v40;
	_ =	sdelay $0x1  }
0x1e2: {  	v41 =	vmul.f32 v40, v40;
	_ =	sdelay $0x1  }
0x1e3: {  	v56 =	vmul.f32 $1.111111120e-01, v41;
	_ =	sdelay $0x1  }
0x1e4: {  	v42 =	vadd.f32 $1.428571490e-01, v56;
	_ =	sdelay $0x1  }
0x1e5: {  	v42 =	vmul.f32 v42, v41;
	_ =	sdelay $0x1  }
0x1e6: {  	v42 =	vadd.f32 $2.000000030e-01, v42;
	_ =	sdelay $0x1  }
0x1e7: {  	v42 =	vmul.f32 v42, v41;
	_ =	sdelay $0x1  }
0x1e8: {  	v42 =	vadd.f32 $3.333333430e-01, v42;
	_ =	sdelay $0x1  }
0x1e9: {  	v41 =	vmul.f32 v42, v41;
	_ =	sdelay $0x1  }
0x1ea: {  	v40 =	vadd.f32 v40, v40;
	v41 =	vadd.f32 $1.000000000e+00, v41;
	_ =	sdelay $0x1  }
0x1eb: {  	v40 =	vmul.f32 v41, v40  }
0x1ec: {  	v39 =	vmax.f32 v39, $0.0e+00  }
0x1ed: {  	v39 =	vadd.f32 v40, v39;
	_ =	sdelay $0x1  }
0x1ee: {  	[tilespmem:v26+s13+$0x0] =	vst.idx.msk $0xffff, v39  }
0x1ef: {  	v39 =	vld.idx.msk [tilespmem:v27+s4+$0x0], $0xffff;
	_ =	sdelay $0x4  }
0x1f0: {  	v57 =	vand.u32 $0x7FFFFFFF, v39  }
0x1f1: {  	v40 =	vsub.f32 $0.0e+00, v57;
	_ =	sdelay $0x1  }
0x1f2: {  	v40 =	vmul.f32 $1.442695020e+00, v40;
	_ =	sdelay $0x1  }
0x1f3: {  	(erf) = vpow2.f32 v40;
	_ =	sdelay $0x8  }
0x1f4: {  	v40 =	vpop (erf)  }
0x1f5: {  	v58 =	vadd.f32 $2.000000000e+00, v40;
	_ =	sdelay $0x1  }
0x1f6: {  	(erf) = vrcp.f32 v58;
	_ =	sdelay $0x8  }
0x1f7: {  	v41 =	vpop (erf)  }
0x1f8: {  	v40 =	vmul.f32 v41, v40;
	_ =	sdelay $0x1  }
0x1f9: {  	v41 =	vmul.f32 v40, v40;
	_ =	sdelay $0x1  }
0x1fa: {  	v59 =	vmul.f32 $1.111111120e-01, v41;
	_ =	sdelay $0x1  }
0x1fb: {  	v42 =	vadd.f32 $1.428571490e-01, v59;
	_ =	sdelay $0x1  }
0x1fc: {  	v42 =	vmul.f32 v42, v41;
	_ =	sdelay $0x1  }
0x1fd: {  	v42 =	vadd.f32 $2.000000030e-01, v42;
	_ =	sdelay $0x1  }
0x1fe: {  	v42 =	vmul.f32 v42, v41;
	_ =	sdelay $0x1  }
0x1ff: {  	v42 =	vadd.f32 $3.333333430e-01, v42;
	_ =	sdelay $0x1  }
0x200: {  	v41 =	vmul.f32 v42, v41;
	_ =	sdelay $0x1  }
0x201: {  	v40 =	vadd.f32 v40, v40;
	v41 =	vadd.f32 $1.000000000e+00, v41;
	_ =	sdelay $0x1  }
0x202: {  	v40 =	vmul.f32 v41, v40  }
0x203: {  	v39 =	vmax.f32 v39, $0.0e+00  }
0x204: {  	v39 =	vadd.f32 v40, v39;
	_ =	sdelay $0x1  }
0x205: {  	[tilespmem:v28+s13+$0x0] =	vst.idx.msk $0xffff, v39  }
0x206: {  	v39 =	vld.idx.msk [tilespmem:v29+s4+$0x0], $0xffff;
	_ =	sdelay $0x4  }
0x207: {  	v60 =	vand.u32 $0x7FFFFFFF, v39  }
0x208: {  	v40 =	vsub.f32 $0.0e+00, v60;
	_ =	sdelay $0x1  }
0x209: {  	v40 =	vmul.f32 $1.442695020e+00, v40;
	_ =	sdelay $0x1  }
0x20a: {  	(erf) = vpow2.f32 v40;
	_ =	sdelay $0x8  }
0x20b: {  	v40 =	vpop (erf)  }
0x20c: {  	v61 =	vadd.f32 $2.000000000e+00, v40;
	_ =	sdelay $0x1  }
0x20d: {  	(erf) = vrcp.f32 v61;
	_ =	sdelay $0x8  }
0x20e: {  	v41 =	vpop (erf)  }
0x20f: {  	v40 =	vmul.f32 v41, v40;
	_ =	sdelay $0x1  }
0x210: {  	v41 =	vmul.f32 v40, v40;
	_ =	sdelay $0x1  }
0x211: {  	v62 =	vmul.f32 $1.111111120e-01, v41;
	_ =	sdelay $0x1  }
0x212: {  	v42 =	vadd.f32 $1.428571490e-01, v62;
	_ =	sdelay $0x1  }
0x213: {  	v42 =	vmul.f32 v42, v41;
	_ =	sdelay $0x1  }
0x214: {  	v42 =	vadd.f32 $2.000000030e-01, v42;
	_ =	sdelay $0x1  }
0x215: {  	v42 =	vmul.f32 v42, v41;
	_ =	sdelay $0x1  }
0x216: {  	v42 =	vadd.f32 $3.333333430e-01, v42;
	_ =	sdelay $0x1  }
0x217: {  	v41 =	vmul.f32 v42, v41;
	_ =	sdelay $0x1  }
0x218: {  	v40 =	vadd.f32 v40, v40;
	v41 =	vadd.f32 $1.000000000e+00, v41;
	_ =	sdelay $0x1  }
0x219: {  	v40 =	vmul.f32 v41, v40  }
0x21a: {  	v39 =	vmax.f32 v39, $0.0e+00  }
0x21b: {  	v39 =	vadd.f32 v40, v39;
	_ =	sdelay $0x1  }
0x21c: {  	[tilespmem:v30+s13+$0x0] =	vst.idx.msk $0xffff, v39  }
0x21d: {  	v39 =	vld.idx.msk [tilespmem:v31+s4+$0x0], $0xffff;
	_ =	sdelay $0x4  }
0x21e: {  	v63 =	vand.u32 $0x7FFFFFFF, v39  }
0x21f: {  	v40 =	vsub.f32 $0.0e+00, v63;
	_ =	sdelay $0x1  }
0x220: {  	v40 =	vmul.f32 $1.442695020e+00, v40;
	_ =	sdelay $0x1  }
0x221: {  	(erf) = vpow2.f32 v40;
	_ =	sdelay $0x8  }
0x222: {  	v40 =	vpop (erf)  }
0x223: {  	v44 =	vadd.f32 $2.000000000e+00, v40;
	_ =	sdelay $0x1  }
0x224: {  	(erf) = vrcp.f32 v44;
	_ =	sdelay $0x8  }
0x225: {  	v41 =	vpop (erf)  }
0x226: {  	v40 =	vmul.f32 v41, v40;
	_ =	sdelay $0x1  }
0x227: {  	v41 =	vmul.f32 v40, v40;
	_ =	sdelay $0x1  }
0x228: {  	v45 =	vmul.f32 $1.111111120e-01, v41;
	_ =	sdelay $0x1  }
0x229: {  	v42 =	vadd.f32 $1.428571490e-01, v45;
	_ =	sdelay $0x1  }
0x22a: {  	v42 =	vmul.f32 v42, v41;
	_ =	sdelay $0x1  }
0x22b: {  	v42 =	vadd.f32 $2.000000030e-01, v42;
	_ =	sdelay $0x1  }
0x22c: {  	v42 =	vmul.f32 v42, v41;
	_ =	sdelay $0x1  }
0x22d: {  	v42 =	vadd.f32 $3.333333430e-01, v42;
	_ =	sdelay $0x1  }
0x22e: {  	v41 =	vmul.f32 v42, v41;
	_ =	sdelay $0x1  }
0x22f: {  	v40 =	vadd.f32 v40, v40;
	v41 =	vadd.f32 $1.000000000e+00, v41;
	_ =	sdelay $0x1  }
0x230: {  	v40 =	vmul.f32 v41, v40  }
0x231: {  	v39 =	vmax.f32 v39, $0.0e+00  }
0x232: {  	v39 =	vadd.f32 v40, v39;
	_ =	sdelay $0x1  }
0x233: {  	[tilespmem:v32+s13+$0x0] =	vst.idx.msk $0xffff, v39  }
0x234: {  	v39 =	vld.idx.msk [tilespmem:v33+s4+$0x0], $0xffff;
	_ =	sdelay $0x4  }
0x235: {  	v46 =	vand.u32 $0x7FFFFFFF, v39  }
0x236: {  	v40 =	vsub.f32 $0.0e+00, v46;
	_ =	sdelay $0x1  }
0x237: {  	v40 =	vmul.f32 $1.442695020e+00, v40;
	_ =	sdelay $0x1  }
0x238: {  	(erf) = vpow2.f32 v40;
	_ =	sdelay $0x8  }
0x239: {  	v40 =	vpop (erf)  }
0x23a: {  	v47 =	vadd.f32 $2.000000000e+00, v40;
	_ =	sdelay $0x1  }
0x23b: {  	(erf) = vrcp.f32 v47;
	_ =	sdelay $0x8  }
0x23c: {  	v41 =	vpop (erf)  }
0x23d: {  	v40 =	vmul.f32 v41, v40;
	_ =	sdelay $0x1  }
0x23e: {  	v41 =	vmul.f32 v40, v40;
	_ =	sdelay $0x1  }
0x23f: {  	v48 =	vmul.f32 $1.111111120e-01, v41;
	_ =	sdelay $0x1  }
0x240: {  	v42 =	vadd.f32 $1.428571490e-01, v48;
	_ =	sdelay $0x1  }
0x241: {  	v42 =	vmul.f32 v42, v41;
	_ =	sdelay $0x1  }
0x242: {  	v42 =	vadd.f32 $2.000000030e-01, v42;
	_ =	sdelay $0x1  }
0x243: {  	v42 =	vmul.f32 v42, v41;
	_ =	sdelay $0x1  }
0x244: {  	v42 =	vadd.f32 $3.333333430e-01, v42;
	_ =	sdelay $0x1  }
0x245: {  	v41 =	vmul.f32 v42, v41;
	_ =	sdelay $0x1  }
0x246: {  	v40 =	vadd.f32 v40, v40;
	v41 =	vadd.f32 $1.000000000e+00, v41;
	_ =	sdelay $0x1  }
0x247: {  	v40 =	vmul.f32 v41, v40  }
0x248: {  	v39 =	vmax.f32 v39, $0.0e+00  }
0x249: {  	v39 =	vadd.f32 v40, v39;
	_ =	sdelay $0x1  }
0x24a: {  	[tilespmem:v34+s13+$0x0] =	vst.idx.msk $0xffff, v39  }
0x24b: {  	v39 =	vld.idx.msk [tilespmem:v35+s4+$0x0], $0xffff;
	_ =	sdelay $0x4  }
0x24c: {  	v49 =	vand.u32 $0x7FFFFFFF, v39  }
0x24d: {  	v40 =	vsub.f32 $0.0e+00, v49;
	_ =	sdelay $0x1  }
0x24e: {  	v40 =	vmul.f32 $1.442695020e+00, v40;
	_ =	sdelay $0x1  }
0x24f: {  	(erf) = vpow2.f32 v40;
	_ =	sdelay $0x8  }
0x250: {  	v40 =	vpop (erf)  }
0x251: {  	v50 =	vadd.f32 $2.000000000e+00, v40;
	_ =	sdelay $0x1  }
0x252: {  	(erf) = vrcp.f32 v50;
	_ =	sdelay $0x8  }
0x253: {  	v41 =	vpop (erf)  }
0x254: {  	v40 =	vmul.f32 v41, v40;
	_ =	sdelay $0x1  }
0x255: {  	v41 =	vmul.f32 v40, v40;
	_ =	sdelay $0x1  }
0x256: {  	v51 =	vmul.f32 $1.111111120e-01, v41;
	_ =	sdelay $0x1  }
0x257: {  	v42 =	vadd.f32 $1.428571490e-01, v51;
	_ =	sdelay $0x1  }
0x258: {  	v42 =	vmul.f32 v42, v41;
	_ =	sdelay $0x1  }
0x259: {  	v42 =	vadd.f32 $2.000000030e-01, v42;
	_ =	sdelay $0x1  }
0x25a: {  	v42 =	vmul.f32 v42, v41;
	_ =	sdelay $0x1  }
0x25b: {  	v42 =	vadd.f32 $3.333333430e-01, v42;
	_ =	sdelay $0x1  }
0x25c: {  	v41 =	vmul.f32 v42, v41;
	_ =	sdelay $0x1  }
0x25d: {  	v40 =	vadd.f32 v40, v40;
	v41 =	vadd.f32 $1.000000000e+00, v41;
	_ =	sdelay $0x1  }
0x25e: {  	v40 =	vmul.f32 v41, v40  }
0x25f: {  	v39 =	vmax.f32 v39, $0.0e+00  }
0x260: {  	v39 =	vadd.f32 v40, v39;
	_ =	sdelay $0x1  }
0x261: {  	[tilespmem:v36+s13+$0x0] =	vst.idx.msk $0xffff, v39  }
0x262: {  	v39 =	vld.idx.msk [tilespmem:v37+s4+$0x0], $0xffff;
	_ =	sdelay $0x4  }
0x263: {  	v52 =	vand.u32 $0x7FFFFFFF, v39  }
0x264: {  	v40 =	vsub.f32 $0.0e+00, v52;
	_ =	sdelay $0x1  }
0x265: {  	v40 =	vmul.f32 $1.442695020e+00, v40;
	_ =	sdelay $0x1  }
0x266: {  	(erf) = vpow2.f32 v40;
	_ =	sdelay $0x8  }
0x267: {  	v40 =	vpop (erf)  }
0x268: {  	v53 =	vadd.f32 $2.000000000e+00, v40;
	_ =	sdelay $0x1  }
0x269: {  	(erf) = vrcp.f32 v53;
	_ =	sdelay $0x8  }
0x26a: {  	v41 =	vpop (erf)  }
0x26b: {  	v40 =	vmul.f32 v41, v40;
	_ =	sdelay $0x1  }
0x26c: {  	v41 =	vmul.f32 v40, v40;
	_ =	sdelay $0x1  }
0x26d: {  	v54 =	vmul.f32 $1.111111120e-01, v41;
	_ =	sdelay $0x1  }
0x26e: {  	v42 =	vadd.f32 $1.428571490e-01, v54;
	_ =	sdelay $0x1  }
0x26f: {  	v42 =	vmul.f32 v42, v41;
	_ =	sdelay $0x1  }
0x270: {  	v42 =	vadd.f32 $2.000000030e-01, v42;
	_ =	sdelay $0x1  }
0x271: {  	v42 =	vmul.f32 v42, v41;
	_ =	sdelay $0x1  }
0x272: {  	v42 =	vadd.f32 $3.333333430e-01, v42;
	_ =	sdelay $0x1  }
0x273: {  	v41 =	vmul.f32 v42, v41;
	_ =	sdelay $0x1  }
0x274: {  	v40 =	vadd.f32 v40, v40;
	v41 =	vadd.f32 $1.000000000e+00, v41;
	_ =	sdelay $0x1  }
0x275: {  	v40 =	vmul.f32 v41, v40  }
0x276: {  	v39 =	vmax.f32 v39, $0.0e+00  }
0x277: {  	v39 =	vadd.f32 v40, v39  }
0x278: {  	s9 =	sshll.u32 s21, $0xB;
	s10 =	rddreg [dreg:$0x1]  }
0x279: {  	p1 =	seq.s32 s19, $0x3F;
	s0 =	sadd.s32 s10, s9;
	[tilespmem:v38+s13+$0x0] =	vst.idx.msk $0xffff, v39  }
0x27a: {  	[hbm4b:s0+s4] =	stream.linear.scatter [tilespmem:s13], [sflag:$0x3], $0x4000, $0x38;
	[tilespmem:$0xC100] =	vst v63  }
0x27b: {  	s0 =	sadd.s32 @!p1 $0x2, s20  }
0x27c: {  	s1 =	sadd.s32 @!p1 s3, s0  }
0x27d: {  	s1 =	sshrl.u32 @!p1 s1, $0x3  }
0x27e: {  	s0 =	sshll.u32 @!p1 s0, $0x7;
	s1 =	smul.u32 @!p1 $0x10400, s1  }
0x27f: {  	s0 =	sand.u32 @!p1 $0x300, s0  }
0x280: {  	s0 =	sor.u32 @!p1 s0, s1  }
0x281: {  	s25 =	simm.s32 $0x13;
	s2 =	simm.s32 @!p1 $0x400;
	s0 =	sshrl.u32 @!p1 s0, $0x3  }
0x282: {  	s6 =	simm.s32 @!p1 $0x0;
	s1 =	simm.s32 @!p1 $0x80;
	s0 =	sadd.s32 @!p1 s5, s0  }
0x283: {  	[tilespmem:s6], [sflag:$0x1] =	stream.strided.gather @!p1 [hbm4b:s0+s1], $0x2080, s2, s1, $0x38;
	[tilespmem:$0xC100] =	vst v63  }
0x284: {  	s16 =	simm.s32 $0x11;
	s24 =	simm.s32 $0x10;
	_ =	swait.ge [sflag:s14], $0x2080  }
0x285: {  	s23 =	simm.s32 $0x12;
	s17 =	smul.u32 s24, s16;
	[sflag:s14] =	ssyncset.done $0x0  }
0x286: {  	s18 =	simm.s32 $0x1F;
	s1 =	simm.s32 @!p0 $0x4;
	[sflag:s14] =	ssyncadd.s32 $0xFFFFDF80  }
0x287: {  	s8 =	smul.u32 s25, s23;
	s22 =	simm.s32 $0x20;
	_ =	swait.ge @!p0 [sflag:s1], $0x4000  }
0x288: {  	s12 =	sadd.s32 s20, s3;
	s7 =	smul.u32 s22, s18;
	[sflag:s1] =	ssyncset.done @!p0 $0x0  }
0x289: {  	s2 =	sshrl.u32 s17, $0x1;
	[sflag:s1] =	ssyncadd.s32 @!p0 $0xFFFFC000;
	s1 =	simm.s32 $0x1E  }
0x28a: {  	s28 =	simm.s32 $0x15;
	s7 =	sshrl.u32 s7, $0x1;
	v55 =	vadd.s32 s2, v0;
	s6 =	smul.u32 s18, s1  }
0x28b: {  	s26 =	simm.s32 $0x14;
	s29 =	sshrl.u32 s8, $0x1;
	v56 =	vadd.s32 s7, v0;
	s0 =	smul.u32 s23, s16  }
0x28c: {  	s21 =	sadd.s32 $0x1, s12;
	s30 =	smul.u32 s28, s26;
	v59 =	vadd.s32 s29, v0;
	s6 =	sshrl.u32 s6, $0x1  }
0x28d: {  	s31 =	simm.s32 $0x16;
	s2 =	smul.u32 s26, s25;
	s0 =	sshrl.u32 s0, $0x1;
	v57 =	vadd.s32 s6, v0  }
0x28e: {  	s9 =	simm.s32 $0x17;
	s10 =	sshrl.u32 s30, $0x1;
	s7 =	smul.u32 s31, s28;
	v58 =	vadd.s32 s0, v0  }
0x28f: {  	s12 =	smul.u32 s9, s31;
	v61 =	vadd.s32 s10, v0;
	s16 =	simm.s32 $0x18;
	s2 =	sshrl.u32 s2, $0x1;
	v40 =	vld.idx.msk [tilespmem:v55+s11+$0x0], $0xffff  }
0x290: {  	s17 =	sshrl.u32 s7, $0x1;
	s23 =	simm.s32 $0x19;
	v60 =	vadd.s32 s2, v0;
	s18 =	smul.u32 s16, s9;
	v62 =	vld.idx.msk [tilespmem:v56+s11+$0x0], $0xffff  }
0x291: {  	v63 =	vadd.s32 s17, v0;
	s25 =	smul.u32 s23, s16;
	s26 =	simm.s32 $0x1A;
	v41 =	vld.idx.msk [tilespmem:v59+s11+$0x0], $0xffff;
	s6 =	sshrl.u32 s12, $0x1  }
0x292: {  	s28 =	simm.s32 $0x1B;
	s7 =	smul.u32 s26, s23;
	s2 =	sshrl.u32 s18, $0x1;
	v50 =	vadd.s32 s6, v0;
	v39 =	vld.idx.msk [tilespmem:v57+s11+$0x0], $0xffff  }
0x293: {  	s29 =	simm.s32 $0x1C;
	s8 =	smul.u32 s28, s26;
	s0 =	sshrl.u32 s25, $0x1;
	v42 =	vld.idx.msk [tilespmem:v58+s11+$0x0], $0xffff;
	v49 =	vadd.s32 s2, v0  }
0x294: {  	v46 =	vadd.s32 s0, v0;
	s30 =	sshrl.u32 s7, $0x1;
	s9 =	smul.u32 s29, s28;
	v44 =	vld.idx.msk [tilespmem:v61+s11+$0x0], $0xffff;
	s12 =	simm.s32 $0x1D  }
0x295: {  	s22 =	simm.s32 $0x9080;
	s31 =	sshrl.u32 s8, $0x1;
	v48 =	vadd.s32 s30, v0;
	v43 =	vld.idx.msk [tilespmem:v60+s11+$0x0], $0xffff;
	s0 =	smul.u32 s12, s29  }
0x296: {  	s23 =	simm.s32 $0x9890;
	v47 =	vadd.s32 s31, v0;
	v45 =	vld.idx.msk [tilespmem:v63+s11+$0x0], $0xffff;
	s7 =	sshrl.u32 s9, $0x1;
	s6 =	smul.u32 s1, s12;
	[tilespmem:s22+$0x0] =	vst v62  }
.LBB2_19:
0x297: {  	[tilespmem:s22+$0xFFFFF880] =	vst v40;
	v40 =	vld.idx.msk [tilespmem:v50+s11+$0x0], $0xffff;
	v50 =	vadd.s32 s7, v0;
	s1 =	sshrl.u32 s0, $0x1;
	v51 =	vmov v39;
	s0 =	smov.u32 s24  }
0x298: {  	s24 =	sadd.s32 $0x10, s24;
	s2 =	sadd.s32 $0x11, s0;
	[tilespmem:s22+$0xFFFFF900] =	vst v42;
	v39 =	vld.idx.msk [tilespmem:v49+s11+$0x0], $0xffff;
	v42 =	vadd.s32 s1, v0;
	s1 =	sshrl.u32 s6, $0x1  }
0x299: {  	s7 =	sadd.s32 $0x1F, s0;
	s8 =	sadd.s32 $0x20, s0;
	s6 =	smul.u32 s24, s2;
	[tilespmem:s22+$0xFFFFF980] =	vst v41;
	v41 =	vld.idx.msk [tilespmem:v46+s11+$0x0], $0xffff;
	v46 =	vadd.s32 s1, v0  }
0x29a: {  	p0 =	slt.u32 s24, $0x70;
	s1 =	sadd.s32 $0x1E, s0;
	s8 =	smul.u32 s8, s7;
	[tilespmem:s22+$0xFFFFFA00] =	vst v43;
	v43 =	vld.idx.msk [tilespmem:v48+s11+$0x0], $0xffff  }
0x29b: {  	s9 =	sadd.s32 $0x12, s0;
	s7 =	smul.u32 s7, s1;
	s6 =	sshrl.u32 s6, $0x1;
	[tilespmem:s22+$0xFFFFFA80] =	vst v44;
	v44 =	vld.idx.msk [tilespmem:v47+s11+$0x0], $0xffff  }
0x29c: {  	s2 =	smul.u32 s9, s2;
	s8 =	sshrl.u32 s8, $0x1;
	v47 =	vadd.s32 s6, v0;
	s6 =	sadd.s32 $0x13, s0;
	[tilespmem:s22+$0xFFFFFB00] =	vst v45;
	v45 =	vld.idx.msk [tilespmem:v50+s11+$0x0], $0xffff  }
0x29d: {  	s10 =	sadd.s32 $0x14, s0;
	s7 =	sshrl.u32 s7, $0x1;
	v48 =	vadd.s32 s8, v0;
	s9 =	smul.u32 s6, s9;
	[tilespmem:s22+$0xFFFFFB80] =	vst v40;
	v42 =	vld.idx.msk [tilespmem:v42+s11+$0x0], $0xffff  }
0x29e: {  	s2 =	sshrl.u32 s2, $0x1;
	s8 =	sadd.s32 $0x15, s0;
	s6 =	smul.u32 s10, s6;
	v49 =	vadd.s32 s7, v0;
	[tilespmem:s22+$0xFFFFFC00] =	vst v39;
	v46 =	vld.idx.msk [tilespmem:v46+s11+$0x0], $0xffff  }
0x29f: {  	v50 =	vadd.s32 s2, v0;
	s7 =	smul.u32 s8, s10;
	s2 =	sshrl.u32 s9, $0x1;
	s9 =	sadd.s32 $0x16, s0;
	[tilespmem:s22+$0xFFFFFC80] =	vst v41  }
0x2a0: {  	v41 =	vadd.s32 s2, v0;
	s2 =	sshrl.u32 s6, $0x1;
	s6 =	smul.u32 s9, s8;
	s8 =	sadd.s32 $0x17, s0;
	[tilespmem:s22+$0xFFFFFD00] =	vst v43  }
0x2a1: {  	v40 =	vld.idx.msk [tilespmem:v47+s11+$0x0], $0xffff;
	v43 =	vadd.s32 s2, v0;
	s2 =	sshrl.u32 s7, $0x1;
	s7 =	smul.u32 s8, s9;
	s9 =	sadd.s32 $0x18, s0;
	[tilespmem:s22+$0xFFFFFD80] =	vst v44  }
0x2a2: {  	v44 =	vadd.s32 s2, v0;
	s2 =	sshrl.u32 s6, $0x1;
	s6 =	smul.u32 s9, s8;
	s8 =	sadd.s32 $0x19, s0;
	v52 =	vld.idx.msk [tilespmem:v48+s11+$0x0], $0xffff;
	[tilespmem:s22+$0xFFFFFE00] =	vst v45  }
0x2a3: {  	v45 =	vadd.s32 s2, v0;
	s2 =	sshrl.u32 s7, $0x1;
	s7 =	smul.u32 s8, s9;
	s9 =	sadd.s32 $0x1A, s0;
	v39 =	vld.idx.msk [tilespmem:v49+s11+$0x0], $0xffff;
	[tilespmem:s22+$0xFFFFFE80] =	vst v42  }
0x2a4: {  	v42 =	vld.idx.msk [tilespmem:v50+s11+$0x0], $0xffff;
	v50 =	vadd.s32 s2, v0;
	s2 =	sshrl.u32 s6, $0x1;
	s6 =	smul.u32 s9, s8  }
.Ltmp15:
0x2a5: {  	s8 =	sadd.s32 $0x1B, s0;
	[tilespmem:s22+$0xFFFFFF00] =	vst v46;
	(pc) =	sbr.rel @p0 .LBB2_19-.Ltmp15, $4  }
0x2a6: {  	v41 =	vld.idx.msk [tilespmem:v41+s11+$0x0], $0xffff;
	v49 =	vadd.s32 s2, v0;
	s2 =	sshrl.u32 s7, $0x1;
	s7 =	smul.u32 s8, s9;
	s9 =	sadd.s32 $0x1C, s0;
	[tilespmem:s22+$0xFFFFFF80] =	vst v51  }
0x2a7: {  	v43 =	vld.idx.msk [tilespmem:v43+s11+$0x0], $0xffff;
	v46 =	vadd.s32 s2, v0;
	s2 =	sshrl.u32 s6, $0x1;
	s6 =	smul.u32 s9, s8;
	s8 =	sadd.s32 $0x1D, s0  }
0x2a8: {  	s22 =	sadd.s32 $0x800, s22;
	v44 =	vld.idx.msk [tilespmem:v44+s11+$0x0], $0xffff;
	v48 =	vadd.s32 s2, v0;
	s2 =	sshrl.u32 s7, $0x1;
	s0 =	smul.u32 s8, s9  }
0x2a9: {  	v45 =	vld.idx.msk [tilespmem:v45+s11+$0x0], $0xffff;
	v47 =	vadd.s32 s2, v0;
	s7 =	sshrl.u32 s6, $0x1;
	s6 =	smul.u32 s1, s8;
	[tilespmem:s22+$0x0] =	vst v52;
	s1 =	simm.s32 $0x30  }
0x2aa: {  	_ =	sdelay $0x1  }
0x2ab: {  	[tilespmem:s22+$0xFFFFF880] =	vst v40  }
0x2ac: {  	[tilespmem:s22+$0xFFFFF900] =	vst v42  }
0x2ad: {  	v60 =	vld.idx.msk [tilespmem:v50+s11+$0x0], $0xffff;
	v61 =	vadd.s32 s7, v0;
	s0 =	sshrl.u32 s0, $0x1;
	s7 =	simm.s32 $0x29;
	s12 =	simm.s32 $0x2F;
	[tilespmem:s22+$0xFFFFFF80] =	vst v39  }
0x2ae: {  	v62 =	vld.idx.msk [tilespmem:v49+s11+$0x0], $0xffff;
	s10 =	simm.s32 $0x28;
	v63 =	vadd.s32 s0, v0;
	s6 =	sshrl.u32 s6, $0x1;
	[tilespmem:s22+$0xFFFFF980] =	vst v41;
	s1 =	smul.u32 s1, s12  }
0x2af: {  	v51 =	vld.idx.msk [tilespmem:v46+s11+$0x0], $0xffff;
	s8 =	simm.s32 $0x27;
	s24 =	smul.u32 s7, s10;
	v52 =	vadd.s32 s6, v0;
	[tilespmem:s22+$0xFFFFFA00] =	vst v43  }
0x2b0: {  	v53 =	vld.idx.msk [tilespmem:v48+s11+$0x0], $0xffff;
	s2 =	simm.s32 $0x2B;
	s0 =	simm.s32 $0x2C;
	s29 =	smul.u32 s10, s8;
	[tilespmem:s22+$0xFFFFFA80] =	vst v44  }
0x2b1: {  	v54 =	vld.idx.msk [tilespmem:v47+s11+$0x0], $0xffff;
	s25 =	simm.s32 $0x2A;
	s9 =	smul.u32 s0, s2;
	[tilespmem:s22+$0xFFFFFB00] =	vst v45  }
0x2b2: {  	s28 =	simm.s32 $0x26;
	s2 =	smul.u32 s2, s25;
	v55 =	vld.idx.msk [tilespmem:v61+s11+$0x0], $0xffff;
	[tilespmem:s22+$0xFFFFFB80] =	vst v60  }
0x2b3: {  	s16 =	simm.s32 $0x24;
	s31 =	simm.s32 $0x2E;
	s8 =	smul.u32 s8, s28;
	[tilespmem:s22+$0xFFFFFC00] =	vst v62;
	v56 =	vld.idx.msk [tilespmem:v63+s11+$0x0], $0xffff  }
0x2b4: {  	s26 =	simm.s32 $0x22;
	s12 =	smul.u32 s12, s31;
	s2 =	sshrl.u32 s2, $0x1;
	[tilespmem:s22+$0xFFFFFC80] =	vst v51;
	v57 =	vld.idx.msk [tilespmem:v52+s11+$0x0], $0xffff  }
0x2b5: {  	s6 =	smul.u32 s25, s7;
	s25 =	simm.s32 $0x23;
	s9 =	sshrl.u32 s9, $0x1;
	[tilespmem:s22+$0xFFFFFD00] =	vst v53;
	v58 =	vadd.s32 s2, v2  }
0x2b6: {  	s30 =	sshrl.u32 s24, $0x1;
	s7 =	sshrl.u32 s29, $0x1;
	s29 =	smul.u32 s16, s25;
	[tilespmem:s22+$0xFFFFFD80] =	vst v54;
	v59 =	vadd.s32 s9, v2  }
0x2b7: {  	s17 =	simm.s32 $0x25;
	s10 =	smul.u32 s25, s26;
	s6 =	sshrl.u32 s6, $0x1;
	v60 =	vadd.s32 s30, v2;
	[tilespmem:s22+$0xFFFFFE00] =	vst v55  }
0x2b8: {  	s1 =	sshrl.u32 s1, $0x1;
	v61 =	vadd.s32 s6, v2;
	s2 =	smul.u32 s28, s17;
	[tilespmem:s22+$0xFFFFFE80] =	vst v56  }
0x2b9: {  	s18 =	simm.s32 $0x21;
	v62 =	vadd.s32 s1, v2;
	s28 =	smul.u32 s17, s16;
	[tilespmem:s22+$0xFFFFFF00] =	vst v57  }
0x2ba: {  	s8 =	sshrl.u32 s8, $0x1;
	s9 =	simm.s32 $0x2D;
	s30 =	smul.u32 s26, s18;
	v63 =	vadd.s32 s7, v2;
	v51 =	vld.idx.msk [tilespmem:v58+s11+$0x0], $0xffff  }
0x2bb: {  	p0 =	por $0x1, $0x1;
	s24 =	smul.u32 s31, s9;
	v52 =	vadd.s32 s8, v2;
	v41 =	vld.idx.msk [tilespmem:v59+s11+$0x0], $0xffff  }
.Ltmp16:
0x2bc: {  	s25 =	simm.s32 $0x20;
	s6 =	sshrl.u32 s12, $0x1;
	v44 =	vld.idx.msk [tilespmem:v60+s11+$0x0], $0xffff;
	(pc) =	sbr.rel @!p0 .LBB2_22-.Ltmp16, $4  }
0x2bd: {  	s31 =	sshrl.u32 s10, $0x1;
	s2 =	sshrl.u32 s2, $0x1;
	s7 =	sshrl.u32 s28, $0x1;
	v45 =	vld.idx.msk [tilespmem:v61+s11+$0x0], $0xffff  }
0x2be: {  	v49 =	vadd.s32 s6, v2;
	s8 =	sshrl.u32 s29, $0x1;
	s6 =	sshrl.u32 s30, $0x1;
	s1 =	sshrl.u32 s24, $0x1;
	v42 =	vld.idx.msk [tilespmem:v62+s11+$0x0], $0xffff  }
0x2bf: {  	v40 =	vadd.s32 s31, v2;
	s24 =	simm.s32 $0xA0A0;
	v50 =	vadd.s32 s2, v2;
	v48 =	vadd.s32 s8, v2;
	s8 =	smul.u32 s9, s0;
	s22 =	simm.s32 $0x20;
	v43 =	vld.idx.msk [tilespmem:v63+s11+$0x0], $0xffff  }
0x2c0: {  	v47 =	vadd.s32 s7, v2;
	s0 =	simm.s32 $0x40;
	v39 =	vadd.s32 s1, v2;
	s1 =	simm.s32 $0xA090;
	s7 =	smul.u32 s22, s18;
	v46 =	vld.idx.msk [tilespmem:v52+s11+$0x0], $0xffff;
	[tilespmem:s23+$0xFFFFFD80] =	vst v51  }
.LBB2_21:
0x2c1: {  	s2 =	sadd.s32 $0xFFFFFFFB, s0  }
0x2c2: {  	s22 =	sadd.s32 $0xFFFFFFFC, s0;
	s7 =	sshrl.u32 s7, $0x1;
	s9 =	sadd.s32 $0xFFFFFFF9, s0  }
0x2c3: {  	[tilespmem:s23+$0xFFFFFE00] =	vst v41;
	s10 =	sadd.s32 $0xFFFFFFFA, s0;
	s12 =	sadd.s32 $0xFFFFFFF7, s0;
	s18 =	smul.u32 s22, s2  }
0x2c4: {  	s28 =	sadd.s32 $0xFFFFFFFF, s0;
	v41 =	vadd.s32 s7, v2;
	v50 =	vld.idx.msk [tilespmem:v50+s11+$0x0], $0xffff;
	[tilespmem:s23+$0xFFFFFC80] =	vst v44;
	s7 =	sshrl.u32 s8, $0x1;
	s2 =	smul.u32 s2, s10  }
0x2c5: {  	s17 =	sadd.s32 $0xFFFFFFF8, s0;
	s16 =	sadd.s32 $0xFFFFFFF4, s0;
	v44 =	vadd.s32 s6, v2;
	s29 =	smul.u32 s0, s28;
	v47 =	vld.idx.msk [tilespmem:v47+s11+$0x0], $0xffff;
	[tilespmem:s23+$0xFFFFFD00] =	vst v45;
	v45 =	vadd.s32 s7, v2  }
0x2c6: {  	s26 =	sadd.s32 $0xFFFFFFF5, s0;
	s30 =	sadd.s32 $0xFFFFFFF6, s0;
	s31 =	smul.u32 s9, s17;
	v49 =	vld.idx.msk [tilespmem:v49+s11+$0x0], $0xffff;
	[tilespmem:s23+$0x0] =	vst v42  }
0x2c7: {  	s6 =	sadd.s32 $0xFFFFFFF2, s0;
	s9 =	smul.u32 s10, s9;
	s7 =	sadd.s32 $0xFFFFFFF1, s0;
	v42 =	vld.idx.msk [tilespmem:v48+s11+$0x0], $0xffff  }
0x2c8: {  	s8 =	sadd.s32 $0xFFFFFFF0, s0;
	s10 =	smul.u32 s17, s12;
	s18 =	sshrl.u32 s18, $0x1;
	[tilespmem:s23+$0xFFFFFC00] =	vst v43;
	v39 =	vld.idx.msk [tilespmem:v39+s11+$0x0], $0xffff  }
0x2c9: {  	s12 =	smul.u32 s12, s30;
	s2 =	sshrl.u32 s2, $0x1;
	v43 =	vadd.s32 s18, v2;
	v40 =	vld.idx.msk [tilespmem:v40+s11+$0x0], $0xffff;
	[tilespmem:s23+$0xFFFFFB80] =	vst v46  }
0x2ca: {  	s18 =	sadd.s32 $0xFFFFFFF3, s0;
	v46 =	vadd.s32 s2, v2;
	s2 =	sadd.s32 $0xFFFFFFFE, s0;
	[tilespmem:s23+$0xFFFFFB00] =	vst v50;
	v45 =	vld.idx.msk [tilespmem:v45+s11+$0x0], $0xffff  }
0x2cb: {  	p0 =	slt.u32 s8, $0x70;
	s17 =	sshrl.u32 s31, $0x1;
	s12 =	sshrl.u32 s12, $0x1;
	v48 =	vld.idx.msk [tilespmem:v44+s11+$0x0], $0xffff;
	[tilespmem:s23+$0xFFFFFA80] =	vst v47  }
0x2cc: {  	s9 =	sshrl.u32 s9, $0x1;
	v53 =	vadd.s32 s12, v2;
	s12 =	smul.u32 s26, s16;
	v44 =	vadd.s32 s17, v2;
	s17 =	sshrl.u32 s29, $0x1;
	v47 =	vld.idx.msk [tilespmem:v41+s11+$0x0], $0xffff;
	[tilespmem:s23+$0xFFFFFF80] =	vst v49  }
0x2cd: {  	s10 =	sshrl.u32 s10, $0x1;
	s28 =	smul.u32 s28, s2;
	v49 =	vadd.s32 s9, v2;
	s9 =	sadd.s32 $0xFFFFFFFD, s0;
	v51 =	vadd.s32 s17, v2;
	[tilespmem:s23+$0xFFFFFA00] =	vst v42  }
0x2ce: {  	v52 =	vadd.s32 s10, v2;
	s10 =	smov.u32 s23;
	s2 =	smul.u32 s2, s9;
	[tilespmem:s23+$0xFFFFFF00] =	vst v39  }
0x2cf: {  	s17 =	smul.u32 s30, s26;
	s23 =	smov.u32 s1;
	v54 =	vld.idx.msk [tilespmem:v46+s11+$0x0], $0xffff;
	[tilespmem:s10+$0xFFFFF980] =	vst v40  }
0x2d0: {  	s16 =	smul.u32 s16, s18;
	s2 =	sshrl.u32 s2, $0x1;
	v41 =	vld.idx.msk [tilespmem:v43+s11+$0x0], $0xffff;
	[tilespmem:s10+$0xFFFFFE80] =	vst v45  }
.Ltmp17:
0x2d1: {  	s17 =	sshrl.u32 s17, $0x1;
	v39 =	vadd.s32 s2, v2;
	v44 =	vld.idx.msk [tilespmem:v44+s11+$0x0], $0xffff;
	[tilespmem:s10+$0xFFFFF900] =	vst v48;
	(pc) =	sbr.rel @p0 .LBB2_21-.Ltmp17, $4  }
0x2d2: {  	s12 =	sshrl.u32 s12, $0x1;
	v50 =	vadd.s32 s17, v2;
	s2 =	smul.u32 s18, s6;
	v45 =	vld.idx.msk [tilespmem:v49+s11+$0x0], $0xffff;
	[tilespmem:s10+$0xFFFFF880] =	vst v47  }
0x2d3: {  	s1 =	sadd.s32 $0x800, s1;
	s6 =	smul.u32 s6, s7;
	v47 =	vadd.s32 s12, v2;
	s10 =	sshrl.u32 s28, $0x1;
	v42 =	vld.idx.msk [tilespmem:v51+s11+$0x0], $0xffff  }
0x2d4: {  	s7 =	smul.u32 s8, s7;
	s8 =	sshrl.u32 s16, $0x1;
	s2 =	sshrl.u32 s2, $0x1;
	v49 =	vadd.s32 s10, v2;
	v43 =	vld.idx.msk [tilespmem:v52+s11+$0x0], $0xffff  }
0x2d5: {  	s0 =	sadd.s32 $0x10, s0;
	v48 =	vadd.s32 s8, v2;
	s8 =	smul.u32 s9, s22;
	s6 =	sshrl.u32 s6, $0x1;
	v40 =	vadd.s32 s2, v2;
	v46 =	vld.idx.msk [tilespmem:v53+s11+$0x0], $0xffff;
	[tilespmem:s23+$0xFFFFFD80] =	vst v54  }
.LBB2_22:
0x2d6: {  	_ =	sdelay $0x2  }
0x2d7: {  	[tilespmem:s23+$0xFFFFFE00] =	vst v41  }
0x2d8: {  	v61 =	vld.idx.msk [tilespmem:v50+s11+$0x0], $0xffff;
	[tilespmem:s23+$0xFFFFFC80] =	vst v44  }
0x2d9: {  	v62 =	vld.idx.msk [tilespmem:v47+s11+$0x0], $0xffff;
	v52 =	vadd.s32 s6, v2;
	s0 =	sshrl.u32 s8, $0x1;
	[tilespmem:s23+$0xFFFFFD00] =	vst v45  }
0x2da: {  	v49 =	vld.idx.msk [tilespmem:v49+s11+$0x0], $0xffff;
	s7 =	sshrl.u32 s7, $0x1;
	v63 =	vadd.s32 s0, v2;
	[tilespmem:s23+$0x0] =	vst v42  }
0x2db: {  	v48 =	vld.idx.msk [tilespmem:v48+s11+$0x0], $0xffff;
	s26 =	sadd.s32 $0x10, s25;
	s1 =	sadd.s32 $0x11, s25;
	v53 =	vadd.s32 s7, v2;
	[tilespmem:s23+$0xFFFFFC00] =	vst v43  }
0x2dc: {  	v39 =	vld.idx.msk [tilespmem:v39+s11+$0x0], $0xffff;
	s10 =	sadd.s32 $0x12, s25;
	s2 =	smul.u32 s26, s1;
	[tilespmem:s23+$0xFFFFFB80] =	vst v46  }
0x2dd: {  	v40 =	vld.idx.msk [tilespmem:v40+s11+$0x0], $0xffff;
	s16 =	sadd.s32 $0x15, s25;
	s28 =	sadd.s32 $0x16, s25;
	s1 =	smul.u32 s10, s1;
	[tilespmem:s23+$0xFFFFFB00] =	vst v61  }
0x2de: {  	s9 =	sadd.s32 $0x20, s25;
	s8 =	sadd.s32 $0x1F, s25;
	s30 =	smul.u32 s28, s16;
	[tilespmem:s23+$0xFFFFFA80] =	vst v62;
	v55 =	vld.idx.msk [tilespmem:v52+s11+$0x0], $0xffff  }
0x2df: {  	s0 =	sadd.s32 $0x1E, s25;
	s7 =	smul.u32 s9, s8;
	[tilespmem:s23+$0xFFFFFF80] =	vst v49;
	v54 =	vld.idx.msk [tilespmem:v63+s11+$0x0], $0xffff  }
0x2e0: {  	s12 =	sadd.s32 $0x13, s25;
	s2 =	sshrl.u32 s2, $0x1;
	s6 =	smul.u32 s8, s0;
	[tilespmem:s23+$0xFFFFFA00] =	vst v48;
	v42 =	vld.idx.msk [tilespmem:v53+s11+$0x0], $0xffff  }
0x2e1: {  	s9 =	sadd.s32 $0x14, s25;
	s8 =	smul.u32 s12, s10;
	v56 =	vadd.s32 s2, v3;
	s7 =	sshrl.u32 s7, $0x1;
	[tilespmem:s23+$0xFFFFFF00] =	vst v39  }
0x2e2: {  	s18 =	smul.u32 s16, s9;
	[tilespmem:s23+$0xFFFFF980] =	vst v40;
	s6 =	sshrl.u32 s6, $0x1;
	v57 =	vadd.s32 s7, v3  }
0x2e3: {  	s31 =	sadd.s32 $0x17, s25;
	s1 =	sshrl.u32 s1, $0x1;
	s2 =	smul.u32 s9, s12;
	v58 =	vadd.s32 s6, v3;
	[tilespmem:s23+$0xFFFFF900] =	vst v55  }
0x2e4: {  	s10 =	smul.u32 s31, s28;
	v59 =	vadd.s32 s1, v3;
	s17 =	sshrl.u32 s8, $0x1;
	[tilespmem:s23+$0xFFFFFE80] =	vst v54  }
0x2e5: {  	s28 =	sadd.s32 $0x1A, s25;
	s12 =	sadd.s32 $0x18, s25;
	v60 =	vadd.s32 s17, v3;
	s29 =	sshrl.u32 s2, $0x1;
	[tilespmem:s23+$0xFFFFF880] =	vst v42  }
0x2e6: {  	s9 =	sshrl.u32 s18, $0x1;
	s18 =	sadd.s32 $0x19, s25;
	s17 =	smul.u32 s12, s31;
	v61 =	vadd.s32 s29, v3;
	v40 =	vld.idx.msk [tilespmem:v56+s11+$0x0], $0xffff  }
0x2e7: {  	s16 =	sshrl.u32 s30, $0x1;
	v62 =	vadd.s32 s9, v3;
	s7 =	smul.u32 s28, s18;
	v51 =	vld.idx.msk [tilespmem:v57+s11+$0x0], $0xffff  }
0x2e8: {  	p0 =	slt.u32 s26, $0x70;
	s6 =	sshrl.u32 s10, $0x1;
	v63 =	vadd.s32 s16, v3;
	s23 =	smul.u32 s18, s12;
	v39 =	vld.idx.msk [tilespmem:v58+s11+$0x0], $0xffff  }
.Ltmp18:
0x2e9: {  	s29 =	sadd.s32 $0x1B, s25;
	v50 =	vadd.s32 s6, v3;
	s2 =	sshrl.u32 s17, $0x1;
	v42 =	vld.idx.msk [tilespmem:v59+s11+$0x0], $0xffff;
	(pc) =	sbr.rel @!p0 .LBB2_24-.Ltmp18, $4  }
0x2ea: {  	s10 =	sadd.s32 $0x1C, s25;
	s8 =	smul.u32 s29, s28;
	v49 =	vadd.s32 s2, v3;
	v41 =	vld.idx.msk [tilespmem:v60+s11+$0x0], $0xffff;
	s1 =	sshrl.u32 s23, $0x1  }
0x2eb: {  	s9 =	smul.u32 s10, s29;
	s30 =	sshrl.u32 s7, $0x1;
	s12 =	sadd.s32 $0x1D, s25;
	v43 =	vld.idx.msk [tilespmem:v61+s11+$0x0], $0xffff;
	v46 =	vadd.s32 s1, v3  }
0x2ec: {  	s22 =	simm.s32 $0xA8B0;
	v47 =	vadd.s32 s30, v3;
	s31 =	sshrl.u32 s8, $0x1;
	v44 =	vld.idx.msk [tilespmem:v62+s11+$0x0], $0xffff;
	s6 =	smul.u32 s12, s10  }
0x2ed: {  	s7 =	sshrl.u32 s9, $0x1;
	v48 =	vadd.s32 s31, v3;
	s25 =	simm.s32 $0x30;
	v45 =	vld.idx.msk [tilespmem:v63+s11+$0x0], $0xffff;
	s1 =	smul.u32 s0, s12;
	[tilespmem:s24+$0x0] =	vst v51  }
.LBB2_23:
0x2ee: {  	[tilespmem:s24+$0xFFFFF880] =	vst v40;
	v40 =	vld.idx.msk [tilespmem:v50+s11+$0x0], $0xffff;
	v50 =	vadd.s32 s7, v3;
	s2 =	sshrl.u32 s6, $0x1;
	v51 =	vmov v39;
	s0 =	smov.u32 s26  }
0x2ef: {  	s26 =	sadd.s32 $0x10, s26;
	s6 =	sadd.s32 $0x11, s0;
	[tilespmem:s24+$0xFFFFF900] =	vst v42;
	v39 =	vld.idx.msk [tilespmem:v49+s11+$0x0], $0xffff;
	v42 =	vadd.s32 s2, v3;
	s1 =	sshrl.u32 s1, $0x1  }
0x2f0: {  	s7 =	sadd.s32 $0x1F, s0;
	s8 =	sadd.s32 $0x20, s0;
	s2 =	smul.u32 s26, s6;
	[tilespmem:s24+$0xFFFFF980] =	vst v41;
	v41 =	vld.idx.msk [tilespmem:v46+s11+$0x0], $0xffff;
	v46 =	vadd.s32 s1, v3  }
0x2f1: {  	p0 =	slt.u32 s26, $0x70;
	s1 =	sadd.s32 $0x1E, s0;
	s8 =	smul.u32 s8, s7;
	[tilespmem:s24+$0xFFFFFA00] =	vst v43;
	v43 =	vld.idx.msk [tilespmem:v47+s11+$0x0], $0xffff  }
0x2f2: {  	s9 =	sadd.s32 $0x12, s0;
	s7 =	smul.u32 s7, s1;
	s2 =	sshrl.u32 s2, $0x1;
	[tilespmem:s24+$0xFFFFFA80] =	vst v44;
	v44 =	vld.idx.msk [tilespmem:v48+s11+$0x0], $0xffff  }
0x2f3: {  	s8 =	sshrl.u32 s8, $0x1;
	v47 =	vadd.s32 s2, v3;
	s2 =	smul.u32 s9, s6;
	s6 =	sadd.s32 $0x13, s0;
	[tilespmem:s24+$0xFFFFFB00] =	vst v45;
	v45 =	vld.idx.msk [tilespmem:v50+s11+$0x0], $0xffff  }
0x2f4: {  	s10 =	sadd.s32 $0x14, s0;
	s7 =	sshrl.u32 s7, $0x1;
	v48 =	vadd.s32 s8, v3;
	s9 =	smul.u32 s6, s9;
	[tilespmem:s24+$0xFFFFFB80] =	vst v40;
	v42 =	vld.idx.msk [tilespmem:v42+s11+$0x0], $0xffff  }
0x2f5: {  	s8 =	sadd.s32 $0x15, s0;
	s6 =	smul.u32 s10, s6;
	v49 =	vadd.s32 s7, v3;
	s2 =	sshrl.u32 s2, $0x1;
	[tilespmem:s24+$0xFFFFFC00] =	vst v39;
	v46 =	vld.idx.msk [tilespmem:v46+s11+$0x0], $0xffff  }
0x2f6: {  	s7 =	smul.u32 s8, s10;
	v50 =	vadd.s32 s2, v3;
	s2 =	sshrl.u32 s9, $0x1;
	s9 =	sadd.s32 $0x16, s0;
	[tilespmem:s24+$0xFFFFFC80] =	vst v41  }
0x2f7: {  	v41 =	vadd.s32 s2, v3;
	s2 =	sshrl.u32 s6, $0x1;
	s6 =	smul.u32 s9, s8;
	s8 =	sadd.s32 $0x17, s0;
	[tilespmem:s24+$0xFFFFFD00] =	vst v43  }
0x2f8: {  	v40 =	vld.idx.msk [tilespmem:v47+s11+$0x0], $0xffff;
	v43 =	vadd.s32 s2, v3;
	s2 =	sshrl.u32 s7, $0x1;
	s7 =	smul.u32 s8, s9;
	s9 =	sadd.s32 $0x18, s0;
	[tilespmem:s24+$0xFFFFFD80] =	vst v44  }
0x2f9: {  	v44 =	vadd.s32 s2, v3;
	s2 =	sshrl.u32 s6, $0x1;
	s6 =	smul.u32 s9, s8;
	s8 =	sadd.s32 $0x19, s0;
	v52 =	vld.idx.msk [tilespmem:v48+s11+$0x0], $0xffff;
	[tilespmem:s24+$0xFFFFFE00] =	vst v45  }
0x2fa: {  	v45 =	vadd.s32 s2, v3;
	s2 =	sshrl.u32 s7, $0x1;
	s7 =	smul.u32 s8, s9;
	s9 =	sadd.s32 $0x1A, s0;
	v39 =	vld.idx.msk [tilespmem:v49+s11+$0x0], $0xffff;
	[tilespmem:s24+$0xFFFFFE80] =	vst v42  }
0x2fb: {  	v42 =	vld.idx.msk [tilespmem:v50+s11+$0x0], $0xffff;
	v50 =	vadd.s32 s2, v3;
	s2 =	sshrl.u32 s6, $0x1;
	s6 =	smul.u32 s9, s8  }
.Ltmp19:
0x2fc: {  	s8 =	sadd.s32 $0x1B, s0;
	[tilespmem:s24+$0xFFFFFF00] =	vst v46;
	(pc) =	sbr.rel @p0 .LBB2_23-.Ltmp19, $4  }
0x2fd: {  	v41 =	vld.idx.msk [tilespmem:v41+s11+$0x0], $0xffff;
	v49 =	vadd.s32 s2, v3;
	s2 =	sshrl.u32 s7, $0x1;
	s7 =	smul.u32 s8, s9;
	s9 =	sadd.s32 $0x1C, s0;
	[tilespmem:s24+$0xFFFFFF80] =	vst v51  }
0x2fe: {  	s0 =	sadd.s32 $0x1D, s0;
	v43 =	vld.idx.msk [tilespmem:v43+s11+$0x0], $0xffff;
	v46 =	vadd.s32 s2, v3;
	s2 =	sshrl.u32 s6, $0x1;
	s8 =	smul.u32 s9, s8  }
0x2ff: {  	s24 =	sadd.s32 $0x800, s24;
	s6 =	smul.u32 s0, s9;
	v44 =	vld.idx.msk [tilespmem:v44+s11+$0x0], $0xffff;
	v47 =	vadd.s32 s2, v3;
	s2 =	sshrl.u32 s7, $0x1  }
0x300: {  	s1 =	smul.u32 s1, s0;
	v45 =	vld.idx.msk [tilespmem:v45+s11+$0x0], $0xffff;
	v48 =	vadd.s32 s2, v3;
	s7 =	sshrl.u32 s8, $0x1;
	[tilespmem:s24+$0x0] =	vst v52  }
.LBB2_24:
0x301: {  	_ =	sdelay $0x1  }
0x302: {  	[tilespmem:s24+$0xFFFFF880] =	vst v40  }
0x303: {  	[tilespmem:s24+$0xFFFFF900] =	vst v42  }
0x304: {  	v58 =	vld.idx.msk [tilespmem:v50+s11+$0x0], $0xffff;
	v59 =	vadd.s32 s7, v3;
	s0 =	sshrl.u32 s6, $0x1;
	[tilespmem:s24+$0xFFFFFF80] =	vst v39  }
0x305: {  	v60 =	vld.idx.msk [tilespmem:v49+s11+$0x0], $0xffff;
	v61 =	vadd.s32 s0, v3;
	s30 =	sshrl.u32 s1, $0x1;
	[tilespmem:s24+$0xFFFFF980] =	vst v41  }
0x306: {  	v62 =	vld.idx.msk [tilespmem:v46+s11+$0x0], $0xffff;
	s26 =	sadd.s32 $0x10, s25;
	s31 =	sadd.s32 $0x11, s25;
	v63 =	vadd.s32 s30, v3;
	[tilespmem:s24+$0xFFFFFA00] =	vst v43  }
0x307: {  	v51 =	vld.idx.msk [tilespmem:v47+s11+$0x0], $0xffff;
	s9 =	sadd.s32 $0x1F, s25;
	s10 =	sadd.s32 $0x20, s25;
	s2 =	smul.u32 s26, s31;
	[tilespmem:s24+$0xFFFFFA80] =	vst v44  }
0x308: {  	v52 =	vld.idx.msk [tilespmem:v48+s11+$0x0], $0xffff;
	s8 =	sadd.s32 $0x12, s25;
	s7 =	smul.u32 s10, s9;
	[tilespmem:s24+$0xFFFFFB00] =	vst v45  }
0x309: {  	s12 =	sadd.s32 $0x13, s25;
	s1 =	smul.u32 s8, s31;
	v53 =	vld.idx.msk [tilespmem:v59+s11+$0x0], $0xffff;
	[tilespmem:s24+$0xFFFFFB80] =	vst v58  }
0x30a: {  	s16 =	sadd.s32 $0x15, s25;
	s0 =	sadd.s32 $0x1E, s25;
	s8 =	smul.u32 s12, s8;
	[tilespmem:s24+$0xFFFFFC00] =	vst v60;
	v54 =	vld.idx.msk [tilespmem:v61+s11+$0x0], $0xffff  }
0x30b: {  	s28 =	sadd.s32 $0x16, s25;
	s6 =	smul.u32 s9, s0;
	s2 =	sshrl.u32 s2, $0x1;
	[tilespmem:s24+$0xFFFFFC80] =	vst v62;
	v55 =	vld.idx.msk [tilespmem:v63+s11+$0x0], $0xffff  }
0x30c: {  	s31 =	sadd.s32 $0x17, s25;
	s30 =	smul.u32 s28, s16;
	s7 =	sshrl.u32 s7, $0x1;
	v56 =	vadd.s32 s2, v4;
	[tilespmem:s24+$0xFFFFFD00] =	vst v51  }
0x30d: {  	s9 =	sadd.s32 $0x14, s25;
	s10 =	smul.u32 s31, s28;
	s6 =	sshrl.u32 s6, $0x1;
	v57 =	vadd.s32 s7, v4;
	[tilespmem:s24+$0xFFFFFD80] =	vst v52  }
0x30e: {  	s1 =	sshrl.u32 s1, $0x1;
	s2 =	smul.u32 s9, s12;
	v58 =	vadd.s32 s6, v4;
	[tilespmem:s24+$0xFFFFFE00] =	vst v53  }
0x30f: {  	s17 =	sshrl.u32 s8, $0x1;
	s18 =	smul.u32 s16, s9;
	v59 =	vadd.s32 s1, v4;
	[tilespmem:s24+$0xFFFFFE80] =	vst v54  }
0x310: {  	s28 =	sadd.s32 $0x1A, s25;
	s12 =	sadd.s32 $0x18, s25;
	v60 =	vadd.s32 s17, v4;
	s29 =	sshrl.u32 s2, $0x1;
	[tilespmem:s24+$0xFFFFFF00] =	vst v55  }
0x311: {  	s9 =	sshrl.u32 s18, $0x1;
	s17 =	smul.u32 s12, s31;
	s18 =	sadd.s32 $0x19, s25;
	v61 =	vadd.s32 s29, v4;
	v40 =	vld.idx.msk [tilespmem:v56+s11+$0x0], $0xffff  }
0x312: {  	s16 =	sshrl.u32 s30, $0x1;
	v62 =	vadd.s32 s9, v4;
	s7 =	smul.u32 s28, s18;
	v51 =	vld.idx.msk [tilespmem:v57+s11+$0x0], $0xffff  }
0x313: {  	p0 =	slt.u32 s26, $0x70;
	s6 =	sshrl.u32 s10, $0x1;
	v63 =	vadd.s32 s16, v4;
	s24 =	smul.u32 s18, s12;
	v39 =	vld.idx.msk [tilespmem:v58+s11+$0x0], $0xffff  }
.Ltmp20:
0x314: {  	v50 =	vadd.s32 s6, v4;
	s29 =	sadd.s32 $0x1B, s25;
	s2 =	sshrl.u32 s17, $0x1;
	v42 =	vld.idx.msk [tilespmem:v59+s11+$0x0], $0xffff;
	(pc) =	sbr.rel @!p0 .LBB2_26-.Ltmp20, $4  }
0x315: {  	s10 =	sadd.s32 $0x1C, s25;
	s8 =	smul.u32 s29, s28;
	v49 =	vadd.s32 s2, v4;
	v41 =	vld.idx.msk [tilespmem:v60+s11+$0x0], $0xffff;
	s1 =	sshrl.u32 s24, $0x1  }
0x316: {  	s9 =	smul.u32 s10, s29;
	s30 =	sshrl.u32 s7, $0x1;
	s12 =	sadd.s32 $0x1D, s25;
	v43 =	vld.idx.msk [tilespmem:v61+s11+$0x0], $0xffff;
	v46 =	vadd.s32 s1, v4  }
0x317: {  	s23 =	simm.s32 $0xB0C0;
	v47 =	vadd.s32 s30, v4;
	s31 =	sshrl.u32 s8, $0x1;
	v44 =	vld.idx.msk [tilespmem:v62+s11+$0x0], $0xffff;
	s6 =	smul.u32 s12, s10  }
0x318: {  	s7 =	sshrl.u32 s9, $0x1;
	v48 =	vadd.s32 s31, v4;
	s25 =	simm.s32 $0x40;
	v45 =	vld.idx.msk [tilespmem:v63+s11+$0x0], $0xffff;
	s1 =	smul.u32 s0, s12;
	[tilespmem:s22+$0x0] =	vst v51  }
.LBB2_25:
0x319: {  	[tilespmem:s22+$0xFFFFF880] =	vst v40;
	v40 =	vld.idx.msk [tilespmem:v50+s11+$0x0], $0xffff;
	v50 =	vadd.s32 s7, v4;
	s2 =	sshrl.u32 s6, $0x1;
	v51 =	vmov v39;
	s0 =	smov.u32 s26  }
0x31a: {  	s26 =	sadd.s32 $0x10, s26;
	s6 =	sadd.s32 $0x11, s0;
	[tilespmem:s22+$0xFFFFF900] =	vst v42;
	v39 =	vld.idx.msk [tilespmem:v49+s11+$0x0], $0xffff;
	v42 =	vadd.s32 s2, v4;
	s1 =	sshrl.u32 s1, $0x1  }
0x31b: {  	s7 =	sadd.s32 $0x1F, s0;
	s8 =	sadd.s32 $0x20, s0;
	s2 =	smul.u32 s26, s6;
	[tilespmem:s22+$0xFFFFF980] =	vst v41;
	v41 =	vld.idx.msk [tilespmem:v46+s11+$0x0], $0xffff;
	v46 =	vadd.s32 s1, v4  }
0x31c: {  	p0 =	slt.u32 s26, $0x70;
	s1 =	sadd.s32 $0x1E, s0;
	s8 =	smul.u32 s8, s7;
	[tilespmem:s22+$0xFFFFFA00] =	vst v43;
	v43 =	vld.idx.msk [tilespmem:v47+s11+$0x0], $0xffff  }
0x31d: {  	s9 =	sadd.s32 $0x12, s0;
	s7 =	smul.u32 s7, s1;
	s2 =	sshrl.u32 s2, $0x1;
	[tilespmem:s22+$0xFFFFFA80] =	vst v44;
	v44 =	vld.idx.msk [tilespmem:v48+s11+$0x0], $0xffff  }
0x31e: {  	s8 =	sshrl.u32 s8, $0x1;
	v47 =	vadd.s32 s2, v4;
	s2 =	smul.u32 s9, s6;
	s6 =	sadd.s32 $0x13, s0;
	[tilespmem:s22+$0xFFFFFB00] =	vst v45;
	v45 =	vld.idx.msk [tilespmem:v50+s11+$0x0], $0xffff  }
0x31f: {  	s10 =	sadd.s32 $0x14, s0;
	s7 =	sshrl.u32 s7, $0x1;
	v48 =	vadd.s32 s8, v4;
	s9 =	smul.u32 s6, s9;
	[tilespmem:s22+$0xFFFFFB80] =	vst v40;
	v42 =	vld.idx.msk [tilespmem:v42+s11+$0x0], $0xffff  }
0x320: {  	s8 =	sadd.s32 $0x15, s0;
	s6 =	smul.u32 s10, s6;
	v49 =	vadd.s32 s7, v4;
	s2 =	sshrl.u32 s2, $0x1;
	[tilespmem:s22+$0xFFFFFC00] =	vst v39;
	v46 =	vld.idx.msk [tilespmem:v46+s11+$0x0], $0xffff  }
0x321: {  	s7 =	smul.u32 s8, s10;
	v50 =	vadd.s32 s2, v4;
	s2 =	sshrl.u32 s9, $0x1;
	s9 =	sadd.s32 $0x16, s0;
	[tilespmem:s22+$0xFFFFFC80] =	vst v41  }
0x322: {  	v41 =	vadd.s32 s2, v4;
	s2 =	sshrl.u32 s6, $0x1;
	s6 =	smul.u32 s9, s8;
	s8 =	sadd.s32 $0x17, s0;
	[tilespmem:s22+$0xFFFFFD00] =	vst v43  }
0x323: {  	v40 =	vld.idx.msk [tilespmem:v47+s11+$0x0], $0xffff;
	v43 =	vadd.s32 s2, v4;
	s2 =	sshrl.u32 s7, $0x1;
	s7 =	smul.u32 s8, s9;
	s9 =	sadd.s32 $0x18, s0;
	[tilespmem:s22+$0xFFFFFD80] =	vst v44  }
0x324: {  	v44 =	vadd.s32 s2, v4;
	s2 =	sshrl.u32 s6, $0x1;
	s6 =	smul.u32 s9, s8;
	s8 =	sadd.s32 $0x19, s0;
	v52 =	vld.idx.msk [tilespmem:v48+s11+$0x0], $0xffff;
	[tilespmem:s22+$0xFFFFFE00] =	vst v45  }
0x325: {  	v45 =	vadd.s32 s2, v4;
	s2 =	sshrl.u32 s7, $0x1;
	s7 =	smul.u32 s8, s9;
	s9 =	sadd.s32 $0x1A, s0;
	v39 =	vld.idx.msk [tilespmem:v49+s11+$0x0], $0xffff;
	[tilespmem:s22+$0xFFFFFE80] =	vst v42  }
0x326: {  	v42 =	vld.idx.msk [tilespmem:v50+s11+$0x0], $0xffff;
	v50 =	vadd.s32 s2, v4;
	s2 =	sshrl.u32 s6, $0x1;
	s6 =	smul.u32 s9, s8  }
.Ltmp21:
0x327: {  	s8 =	sadd.s32 $0x1B, s0;
	[tilespmem:s22+$0xFFFFFF00] =	vst v46;
	(pc) =	sbr.rel @p0 .LBB2_25-.Ltmp21, $4  }
0x328: {  	v41 =	vld.idx.msk [tilespmem:v41+s11+$0x0], $0xffff;
	v49 =	vadd.s32 s2, v4;
	s2 =	sshrl.u32 s7, $0x1;
	s7 =	smul.u32 s8, s9;
	s9 =	sadd.s32 $0x1C, s0;
	[tilespmem:s22+$0xFFFFFF80] =	vst v51  }
0x329: {  	s0 =	sadd.s32 $0x1D, s0;
	v43 =	vld.idx.msk [tilespmem:v43+s11+$0x0], $0xffff;
	v46 =	vadd.s32 s2, v4;
	s2 =	sshrl.u32 s6, $0x1;
	s8 =	smul.u32 s9, s8  }
0x32a: {  	s22 =	sadd.s32 $0x800, s22;
	s6 =	smul.u32 s0, s9;
	v44 =	vld.idx.msk [tilespmem:v44+s11+$0x0], $0xffff;
	v47 =	vadd.s32 s2, v4;
	s2 =	sshrl.u32 s7, $0x1  }
0x32b: {  	s1 =	smul.u32 s1, s0;
	v45 =	vld.idx.msk [tilespmem:v45+s11+$0x0], $0xffff;
	v48 =	vadd.s32 s2, v4;
	s7 =	sshrl.u32 s8, $0x1;
	[tilespmem:s22+$0x0] =	vst v52  }
.LBB2_26:
0x32c: {  	_ =	sdelay $0x1  }
0x32d: {  	[tilespmem:s22+$0xFFFFF880] =	vst v40  }
0x32e: {  	[tilespmem:s22+$0xFFFFF900] =	vst v42  }
0x32f: {  	v58 =	vld.idx.msk [tilespmem:v50+s11+$0x0], $0xffff;
	v59 =	vadd.s32 s7, v4;
	s0 =	sshrl.u32 s6, $0x1;
	[tilespmem:s22+$0xFFFFFF80] =	vst v39  }
0x330: {  	v60 =	vld.idx.msk [tilespmem:v49+s11+$0x0], $0xffff;
	v61 =	vadd.s32 s0, v4;
	s30 =	sshrl.u32 s1, $0x1;
	[tilespmem:s22+$0xFFFFF980] =	vst v41  }
0x331: {  	v62 =	vld.idx.msk [tilespmem:v46+s11+$0x0], $0xffff;
	s26 =	sadd.s32 $0x10, s25;
	s31 =	sadd.s32 $0x11, s25;
	v63 =	vadd.s32 s30, v4;
	[tilespmem:s22+$0xFFFFFA00] =	vst v43  }
0x332: {  	v51 =	vld.idx.msk [tilespmem:v47+s11+$0x0], $0xffff;
	s9 =	sadd.s32 $0x1F, s25;
	s10 =	sadd.s32 $0x20, s25;
	s2 =	smul.u32 s26, s31;
	[tilespmem:s22+$0xFFFFFA80] =	vst v44  }
0x333: {  	v52 =	vld.idx.msk [tilespmem:v48+s11+$0x0], $0xffff;
	s8 =	sadd.s32 $0x12, s25;
	s7 =	smul.u32 s10, s9;
	[tilespmem:s22+$0xFFFFFB00] =	vst v45  }
0x334: {  	s12 =	sadd.s32 $0x13, s25;
	s1 =	smul.u32 s8, s31;
	v53 =	vld.idx.msk [tilespmem:v59+s11+$0x0], $0xffff;
	[tilespmem:s22+$0xFFFFFB80] =	vst v58  }
0x335: {  	s16 =	sadd.s32 $0x15, s25;
	s0 =	sadd.s32 $0x1E, s25;
	s8 =	smul.u32 s12, s8;
	[tilespmem:s22+$0xFFFFFC00] =	vst v60;
	v54 =	vld.idx.msk [tilespmem:v61+s11+$0x0], $0xffff  }
0x336: {  	s28 =	sadd.s32 $0x16, s25;
	s6 =	smul.u32 s9, s0;
	s2 =	sshrl.u32 s2, $0x1;
	[tilespmem:s22+$0xFFFFFC80] =	vst v62;
	v55 =	vld.idx.msk [tilespmem:v63+s11+$0x0], $0xffff  }
0x337: {  	s31 =	sadd.s32 $0x17, s25;
	s30 =	smul.u32 s28, s16;
	s7 =	sshrl.u32 s7, $0x1;
	v56 =	vadd.s32 s2, v5;
	[tilespmem:s22+$0xFFFFFD00] =	vst v51  }
0x338: {  	s9 =	sadd.s32 $0x14, s25;
	s10 =	smul.u32 s31, s28;
	s6 =	sshrl.u32 s6, $0x1;
	v57 =	vadd.s32 s7, v5;
	[tilespmem:s22+$0xFFFFFD80] =	vst v52  }
0x339: {  	s1 =	sshrl.u32 s1, $0x1;
	s2 =	smul.u32 s9, s12;
	v58 =	vadd.s32 s6, v5;
	[tilespmem:s22+$0xFFFFFE00] =	vst v53  }
0x33a: {  	s17 =	sshrl.u32 s8, $0x1;
	s18 =	smul.u32 s16, s9;
	v59 =	vadd.s32 s1, v5;
	[tilespmem:s22+$0xFFFFFE80] =	vst v54  }
0x33b: {  	s28 =	sadd.s32 $0x1A, s25;
	s12 =	sadd.s32 $0x18, s25;
	v60 =	vadd.s32 s17, v5;
	s29 =	sshrl.u32 s2, $0x1;
	[tilespmem:s22+$0xFFFFFF00] =	vst v55  }
0x33c: {  	s9 =	sshrl.u32 s18, $0x1;
	s17 =	smul.u32 s12, s31;
	s18 =	sadd.s32 $0x19, s25;
	v61 =	vadd.s32 s29, v5;
	v40 =	vld.idx.msk [tilespmem:v56+s11+$0x0], $0xffff  }
0x33d: {  	s16 =	sshrl.u32 s30, $0x1;
	v62 =	vadd.s32 s9, v5;
	s7 =	smul.u32 s28, s18;
	v51 =	vld.idx.msk [tilespmem:v57+s11+$0x0], $0xffff  }
0x33e: {  	p0 =	slt.u32 s26, $0x70;
	s6 =	sshrl.u32 s10, $0x1;
	v63 =	vadd.s32 s16, v5;
	s22 =	smul.u32 s18, s12;
	v39 =	vld.idx.msk [tilespmem:v58+s11+$0x0], $0xffff  }
.Ltmp22:
0x33f: {  	v50 =	vadd.s32 s6, v5;
	s29 =	sadd.s32 $0x1B, s25;
	s2 =	sshrl.u32 s17, $0x1;
	v42 =	vld.idx.msk [tilespmem:v59+s11+$0x0], $0xffff;
	(pc) =	sbr.rel @!p0 .LBB2_28-.Ltmp22, $4  }
0x340: {  	s10 =	sadd.s32 $0x1C, s25;
	s8 =	smul.u32 s29, s28;
	v49 =	vadd.s32 s2, v5;
	v41 =	vld.idx.msk [tilespmem:v60+s11+$0x0], $0xffff;
	s1 =	sshrl.u32 s22, $0x1  }
0x341: {  	s9 =	smul.u32 s10, s29;
	s30 =	sshrl.u32 s7, $0x1;
	s12 =	sadd.s32 $0x1D, s25;
	v43 =	vld.idx.msk [tilespmem:v61+s11+$0x0], $0xffff;
	v46 =	vadd.s32 s1, v5  }
0x342: {  	s24 =	simm.s32 $0xB8D0;
	v47 =	vadd.s32 s30, v5;
	s31 =	sshrl.u32 s8, $0x1;
	v44 =	vld.idx.msk [tilespmem:v62+s11+$0x0], $0xffff;
	s6 =	smul.u32 s12, s10  }
0x343: {  	s7 =	sshrl.u32 s9, $0x1;
	v48 =	vadd.s32 s31, v5;
	v45 =	vld.idx.msk [tilespmem:v63+s11+$0x0], $0xffff;
	s22 =	simm.s32 $0x50;
	s1 =	smul.u32 s0, s12;
	[tilespmem:s23+$0x0] =	vst v51  }
.LBB2_27:
0x344: {  	[tilespmem:s23+$0xFFFFF880] =	vst v40;
	v40 =	vld.idx.msk [tilespmem:v50+s11+$0x0], $0xffff;
	v50 =	vadd.s32 s7, v5;
	s2 =	sshrl.u32 s6, $0x1;
	v51 =	vmov v39;
	s0 =	smov.u32 s26  }
0x345: {  	s26 =	sadd.s32 $0x10, s26;
	s6 =	sadd.s32 $0x11, s0;
	[tilespmem:s23+$0xFFFFF900] =	vst v42;
	v39 =	vld.idx.msk [tilespmem:v49+s11+$0x0], $0xffff;
	v42 =	vadd.s32 s2, v5;
	s1 =	sshrl.u32 s1, $0x1  }
0x346: {  	s7 =	sadd.s32 $0x1F, s0;
	s8 =	sadd.s32 $0x20, s0;
	s2 =	smul.u32 s26, s6;
	[tilespmem:s23+$0xFFFFF980] =	vst v41;
	v41 =	vld.idx.msk [tilespmem:v46+s11+$0x0], $0xffff;
	v46 =	vadd.s32 s1, v5  }
0x347: {  	p0 =	slt.u32 s26, $0x70;
	s1 =	sadd.s32 $0x1E, s0;
	s8 =	smul.u32 s8, s7;
	[tilespmem:s23+$0xFFFFFA00] =	vst v43;
	v43 =	vld.idx.msk [tilespmem:v47+s11+$0x0], $0xffff  }
0x348: {  	s9 =	sadd.s32 $0x12, s0;
	s7 =	smul.u32 s7, s1;
	s2 =	sshrl.u32 s2, $0x1;
	[tilespmem:s23+$0xFFFFFA80] =	vst v44;
	v44 =	vld.idx.msk [tilespmem:v48+s11+$0x0], $0xffff  }
0x349: {  	s8 =	sshrl.u32 s8, $0x1;
	v47 =	vadd.s32 s2, v5;
	s2 =	smul.u32 s9, s6;
	s6 =	sadd.s32 $0x13, s0;
	[tilespmem:s23+$0xFFFFFB00] =	vst v45;
	v45 =	vld.idx.msk [tilespmem:v50+s11+$0x0], $0xffff  }
0x34a: {  	s10 =	sadd.s32 $0x14, s0;
	s7 =	sshrl.u32 s7, $0x1;
	v48 =	vadd.s32 s8, v5;
	s9 =	smul.u32 s6, s9;
	[tilespmem:s23+$0xFFFFFB80] =	vst v40;
	v42 =	vld.idx.msk [tilespmem:v42+s11+$0x0], $0xffff  }
0x34b: {  	s8 =	sadd.s32 $0x15, s0;
	s6 =	smul.u32 s10, s6;
	v49 =	vadd.s32 s7, v5;
	s2 =	sshrl.u32 s2, $0x1;
	[tilespmem:s23+$0xFFFFFC00] =	vst v39;
	v46 =	vld.idx.msk [tilespmem:v46+s11+$0x0], $0xffff  }
0x34c: {  	s7 =	smul.u32 s8, s10;
	v50 =	vadd.s32 s2, v5;
	s2 =	sshrl.u32 s9, $0x1;
	s9 =	sadd.s32 $0x16, s0;
	[tilespmem:s23+$0xFFFFFC80] =	vst v41  }
0x34d: {  	v41 =	vadd.s32 s2, v5;
	s2 =	sshrl.u32 s6, $0x1;
	s6 =	smul.u32 s9, s8;
	s8 =	sadd.s32 $0x17, s0;
	[tilespmem:s23+$0xFFFFFD00] =	vst v43  }
0x34e: {  	v40 =	vld.idx.msk [tilespmem:v47+s11+$0x0], $0xffff;
	v43 =	vadd.s32 s2, v5;
	s2 =	sshrl.u32 s7, $0x1;
	s7 =	smul.u32 s8, s9;
	s9 =	sadd.s32 $0x18, s0;
	[tilespmem:s23+$0xFFFFFD80] =	vst v44  }
0x34f: {  	v44 =	vadd.s32 s2, v5;
	s2 =	sshrl.u32 s6, $0x1;
	s6 =	smul.u32 s9, s8;
	s8 =	sadd.s32 $0x19, s0;
	v52 =	vld.idx.msk [tilespmem:v48+s11+$0x0], $0xffff;
	[tilespmem:s23+$0xFFFFFE00] =	vst v45  }
0x350: {  	v45 =	vadd.s32 s2, v5;
	s2 =	sshrl.u32 s7, $0x1;
	s7 =	smul.u32 s8, s9;
	s9 =	sadd.s32 $0x1A, s0;
	v39 =	vld.idx.msk [tilespmem:v49+s11+$0x0], $0xffff;
	[tilespmem:s23+$0xFFFFFE80] =	vst v42  }
0x351: {  	v42 =	vld.idx.msk [tilespmem:v50+s11+$0x0], $0xffff;
	v50 =	vadd.s32 s2, v5;
	s2 =	sshrl.u32 s6, $0x1;
	s6 =	smul.u32 s9, s8  }
.Ltmp23:
0x352: {  	s8 =	sadd.s32 $0x1B, s0;
	[tilespmem:s23+$0xFFFFFF00] =	vst v46;
	(pc) =	sbr.rel @p0 .LBB2_27-.Ltmp23, $4  }
0x353: {  	v41 =	vld.idx.msk [tilespmem:v41+s11+$0x0], $0xffff;
	v49 =	vadd.s32 s2, v5;
	s2 =	sshrl.u32 s7, $0x1;
	s7 =	smul.u32 s8, s9;
	s9 =	sadd.s32 $0x1C, s0;
	[tilespmem:s23+$0xFFFFFF80] =	vst v51  }
0x354: {  	s0 =	sadd.s32 $0x1D, s0;
	v43 =	vld.idx.msk [tilespmem:v43+s11+$0x0], $0xffff;
	v46 =	vadd.s32 s2, v5;
	s2 =	sshrl.u32 s6, $0x1;
	s8 =	smul.u32 s9, s8  }
0x355: {  	s23 =	sadd.s32 $0x800, s23;
	s6 =	smul.u32 s0, s9;
	v44 =	vld.idx.msk [tilespmem:v44+s11+$0x0], $0xffff;
	v47 =	vadd.s32 s2, v5;
	s2 =	sshrl.u32 s7, $0x1  }
0x356: {  	s1 =	smul.u32 s1, s0;
	v45 =	vld.idx.msk [tilespmem:v45+s11+$0x0], $0xffff;
	v48 =	vadd.s32 s2, v5;
	s7 =	sshrl.u32 s8, $0x1;
	[tilespmem:s23+$0x0] =	vst v52  }
.LBB2_28:
0x357: {  	_ =	sdelay $0x1  }
0x358: {  	[tilespmem:s23+$0xFFFFF880] =	vst v40  }
0x359: {  	[tilespmem:s23+$0xFFFFF900] =	vst v42  }
0x35a: {  	v57 =	vld.idx.msk [tilespmem:v50+s11+$0x0], $0xffff;
	v58 =	vadd.s32 s7, v5;
	s0 =	sshrl.u32 s6, $0x1;
	[tilespmem:s23+$0xFFFFFF80] =	vst v39  }
0x35b: {  	v59 =	vld.idx.msk [tilespmem:v49+s11+$0x0], $0xffff;
	v60 =	vadd.s32 s0, v5;
	s29 =	sshrl.u32 s1, $0x1;
	[tilespmem:s23+$0xFFFFF980] =	vst v41  }
0x35c: {  	v61 =	vld.idx.msk [tilespmem:v46+s11+$0x0], $0xffff;
	v62 =	vadd.s32 s29, v5;
	[tilespmem:s23+$0xFFFFFA00] =	vst v43  }
0x35d: {  	v63 =	vld.idx.msk [tilespmem:v47+s11+$0x0], $0xffff;
	s25 =	sadd.s32 $0x10, s22;
	s30 =	sadd.s32 $0x11, s22;
	[tilespmem:s23+$0xFFFFFA80] =	vst v44  }
0x35e: {  	v51 =	vld.idx.msk [tilespmem:v48+s11+$0x0], $0xffff;
	s31 =	sadd.s32 $0x1F, s22;
	s9 =	sadd.s32 $0x20, s22;
	s2 =	smul.u32 s25, s30;
	[tilespmem:s23+$0xFFFFFB00] =	vst v45  }
0x35f: {  	s8 =	sadd.s32 $0x12, s22;
	s7 =	smul.u32 s9, s31;
	v52 =	vld.idx.msk [tilespmem:v58+s11+$0x0], $0xffff;
	[tilespmem:s23+$0xFFFFFB80] =	vst v57  }
0x360: {  	s10 =	sadd.s32 $0x13, s22;
	s0 =	sadd.s32 $0x1E, s22;
	s1 =	smul.u32 s8, s30;
	[tilespmem:s23+$0xFFFFFC00] =	vst v59;
	v53 =	vld.idx.msk [tilespmem:v60+s11+$0x0], $0xffff  }
0x361: {  	s16 =	sadd.s32 $0x15, s22;
	s6 =	smul.u32 s31, s0;
	s2 =	sshrl.u32 s2, $0x1;
	[tilespmem:s23+$0xFFFFFC80] =	vst v61;
	v54 =	vld.idx.msk [tilespmem:v62+s11+$0x0], $0xffff  }
0x362: {  	s18 =	sadd.s32 $0x16, s22;
	s8 =	smul.u32 s10, s8;
	s7 =	sshrl.u32 s7, $0x1;
	v55 =	vadd.s32 s2, v6;
	[tilespmem:s23+$0xFFFFFD00] =	vst v63  }
0x363: {  	s12 =	sadd.s32 $0x14, s22;
	s26 =	smul.u32 s18, s16;
	v56 =	vadd.s32 s7, v6;
	s6 =	sshrl.u32 s6, $0x1;
	[tilespmem:s23+$0xFFFFFD80] =	vst v51  }
0x364: {  	s28 =	sadd.s32 $0x17, s22;
	s1 =	sshrl.u32 s1, $0x1;
	s7 =	smul.u32 s16, s12;
	v57 =	vadd.s32 s6, v6;
	[tilespmem:s23+$0xFFFFFE00] =	vst v52  }
0x365: {  	s30 =	smul.u32 s28, s18;
	s18 =	sadd.s32 $0x1A, s22;
	s17 =	sshrl.u32 s8, $0x1;
	v58 =	vadd.s32 s1, v6;
	[tilespmem:s23+$0xFFFFFE80] =	vst v53  }
0x366: {  	s31 =	sadd.s32 $0x18, s22;
	s2 =	smul.u32 s12, s10;
	v59 =	vadd.s32 s17, v6;
	s29 =	sshrl.u32 s7, $0x1;
	[tilespmem:s23+$0xFFFFFF00] =	vst v54  }
0x367: {  	s9 =	sshrl.u32 s26, $0x1;
	s26 =	sadd.s32 $0x1B, s22;
	s10 =	smul.u32 s31, s28;
	v61 =	vadd.s32 s29, v6;
	v45 =	vld.idx.msk [tilespmem:v55+s11+$0x0], $0xffff  }
0x368: {  	s12 =	sadd.s32 $0x19, s22;
	s8 =	smul.u32 s26, s18;
	v63 =	vadd.s32 s9, v6;
	s23 =	sshrl.u32 s2, $0x1;
	v62 =	vld.idx.msk [tilespmem:v56+s11+$0x0], $0xffff  }
0x369: {  	s16 =	sshrl.u32 s30, $0x1;
	s17 =	smul.u32 s12, s31;
	s9 =	sadd.s32 $0x1C, s22;
	v60 =	vadd.s32 s23, v6;
	v39 =	vld.idx.msk [tilespmem:v57+s11+$0x0], $0xffff  }
0x36a: {  	p0 =	slt.u32 s25, $0x70;
	v51 =	vadd.s32 s16, v6;
	s6 =	smul.u32 s9, s26;
	v42 =	vld.idx.msk [tilespmem:v58+s11+$0x0], $0xffff  }
.Ltmp24:
0x36b: {  	s2 =	sshrl.u32 s10, $0x1;
	v40 =	vld.idx.msk [tilespmem:v59+s11+$0x0], $0xffff;
	(pc) =	sbr.rel @!p0 .LBB2_30-.Ltmp24, $4  }
0x36c: {  	s10 =	sadd.s32 $0x1D, s22;
	s23 =	smul.u32 s18, s12;
	v49 =	vadd.s32 s2, v6;
	v43 =	vld.idx.msk [tilespmem:v61+s11+$0x0], $0xffff  }
0x36d: {  	s30 =	sshrl.u32 s8, $0x1;
	s28 =	sshrl.u32 s17, $0x1;
	s29 =	smul.u32 s10, s9;
	v44 =	vld.idx.msk [tilespmem:v63+s11+$0x0], $0xffff  }
0x36e: {  	v48 =	vadd.s32 s30, v6;
	v47 =	vadd.s32 s28, v6;
	s31 =	sshrl.u32 s6, $0x1;
	s1 =	sshrl.u32 s23, $0x1;
	v41 =	vld.idx.msk [tilespmem:v60+s11+$0x0], $0xffff;
	[tilespmem:s24+$0x0] =	vst v62  }
0x36f: {  	v50 =	vadd.s32 s31, v6;
	s0 =	smul.u32 s0, s10;
	v46 =	vadd.s32 s1, v6;
	s1 =	sshrl.u32 s29, $0x1;
	[tilespmem:s24+$0xFFFFF880] =	vst v45;
	v45 =	vld.idx.msk [tilespmem:v51+s11+$0x0], $0xffff  }
.LBB2_29:
0x370: {  	s2 =	sadd.s32 $0x11, s25  }
0x371: {  	[tilespmem:s24+$0xFFFFF900] =	vst v42;
	v42 =	vld.idx.msk [tilespmem:v49+s11+$0x0], $0xffff;
	v49 =	vadd.s32 s1, v6;
	s0 =	sshrl.u32 s0, $0x1;
	s1 =	smov.u32 s25;
	s25 =	sadd.s32 $0x10, s25  }
0x372: {  	s6 =	smul.u32 s25, s2;
	s7 =	sadd.s32 $0x1F, s1;
	s8 =	sadd.s32 $0x20, s1  }
0x373: {  	[tilespmem:s24+$0xFFFFF980] =	vst v40;
	v40 =	vld.idx.msk [tilespmem:v47+s11+$0x0], $0xffff;
	v47 =	vadd.s32 s0, v6;
	s0 =	sadd.s32 $0x1E, s1;
	p0 =	slt.u32 s25, $0x70;
	s8 =	smul.u32 s8, s7  }
0x374: {  	s9 =	sadd.s32 $0x12, s1;
	[tilespmem:s24+$0xFFFFFA00] =	vst v41;
	v41 =	vld.idx.msk [tilespmem:v46+s11+$0x0], $0xffff;
	s7 =	smul.u32 s7, s0;
	s6 =	sshrl.u32 s6, $0x1  }
0x375: {  	s10 =	sadd.s32 $0x14, s1;
	s2 =	smul.u32 s9, s2;
	[tilespmem:s24+$0xFFFFFA80] =	vst v43;
	v43 =	vld.idx.msk [tilespmem:v48+s11+$0x0], $0xffff;
	v46 =	vadd.s32 s6, v6;
	s6 =	sadd.s32 $0x13, s1  }
0x376: {  	s8 =	sshrl.u32 s8, $0x1;
	[tilespmem:s24+$0xFFFFFB00] =	vst v44;
	v44 =	vld.idx.msk [tilespmem:v50+s11+$0x0], $0xffff;
	s7 =	sshrl.u32 s7, $0x1;
	s9 =	smul.u32 s6, s9  }
0x377: {  	s2 =	sshrl.u32 s2, $0x1;
	v48 =	vadd.s32 s8, v6;
	[tilespmem:s24+$0xFFFFFB80] =	vst v45;
	v45 =	vld.idx.msk [tilespmem:v49+s11+$0x0], $0xffff;
	s6 =	smul.u32 s10, s6;
	s8 =	sadd.s32 $0x15, s1  }
0x378: {  	v49 =	vadd.s32 s7, v6;
	[tilespmem:s24+$0xFFFFFC00] =	vst v42;
	v47 =	vld.idx.msk [tilespmem:v47+s11+$0x0], $0xffff;
	v42 =	vadd.s32 s2, v6;
	s7 =	smul.u32 s8, s10;
	s2 =	sshrl.u32 s9, $0x1;
	s9 =	sadd.s32 $0x16, s1  }
0x379: {  	[tilespmem:s24+$0xFFFFFC80] =	vst v40;
	v40 =	vadd.s32 s2, v6;
	s2 =	sshrl.u32 s6, $0x1;
	s6 =	smul.u32 s9, s8;
	s8 =	sadd.s32 $0x17, s1  }
0x37a: {  	[tilespmem:s24+$0xFFFFFD00] =	vst v41;
	v41 =	vadd.s32 s2, v6;
	s2 =	sshrl.u32 s7, $0x1;
	s7 =	smul.u32 s8, s9;
	s9 =	sadd.s32 $0x18, s1  }
0x37b: {  	v50 =	vld.idx.msk [tilespmem:v46+s11+$0x0], $0xffff;
	[tilespmem:s24+$0xFFFFFD80] =	vst v43;
	v43 =	vadd.s32 s2, v6;
	s2 =	sshrl.u32 s6, $0x1;
	s6 =	smul.u32 s9, s8;
	s8 =	sadd.s32 $0x19, s1  }
0x37c: {  	v51 =	vld.idx.msk [tilespmem:v48+s11+$0x0], $0xffff;
	[tilespmem:s24+$0xFFFFFE00] =	vst v44;
	v44 =	vadd.s32 s2, v6;
	s2 =	sshrl.u32 s7, $0x1;
	s7 =	smul.u32 s8, s9;
	s9 =	sadd.s32 $0x1A, s1  }
0x37d: {  	v52 =	vld.idx.msk [tilespmem:v49+s11+$0x0], $0xffff;
	[tilespmem:s24+$0xFFFFFE80] =	vst v45;
	v45 =	vadd.s32 s2, v6;
	s2 =	sshrl.u32 s6, $0x1;
	s6 =	smul.u32 s9, s8;
	s8 =	sadd.s32 $0x1B, s1  }
0x37e: {  	v42 =	vld.idx.msk [tilespmem:v42+s11+$0x0], $0xffff;
	[tilespmem:s24+$0xFFFFFF00] =	vst v47;
	v49 =	vadd.s32 s2, v6;
	s2 =	sshrl.u32 s7, $0x1;
	s7 =	smul.u32 s8, s9  }
.Ltmp25:
0x37f: {  	v40 =	vld.idx.msk [tilespmem:v40+s11+$0x0], $0xffff;
	s9 =	sadd.s32 $0x1C, s1;
	[tilespmem:s24+$0xFFFFFF80] =	vst v39;
	(pc) =	sbr.rel @p0 .LBB2_29-.Ltmp25, $4  }
0x380: {  	s1 =	sadd.s32 $0x1D, s1;
	v41 =	vld.idx.msk [tilespmem:v41+s11+$0x0], $0xffff;
	v47 =	vadd.s32 s2, v6;
	s2 =	sshrl.u32 s6, $0x1;
	s6 =	smul.u32 s9, s8  }
0x381: {  	s24 =	sadd.s32 $0x800, s24;
	v43 =	vld.idx.msk [tilespmem:v43+s11+$0x0], $0xffff;
	v46 =	vadd.s32 s2, v6;
	s2 =	sshrl.u32 s7, $0x1;
	s7 =	smul.u32 s1, s9  }
0x382: {  	s0 =	smul.u32 s0, s1;
	v44 =	vld.idx.msk [tilespmem:v44+s11+$0x0], $0xffff;
	v48 =	vadd.s32 s2, v6;
	s2 =	sshrl.u32 s6, $0x1;
	[tilespmem:s24+$0x0] =	vst v51  }
0x383: {  	v39 =	vmov v52;
	[tilespmem:s24+$0xFFFFF880] =	vst v50;
	v45 =	vld.idx.msk [tilespmem:v45+s11+$0x0], $0xffff;
	v50 =	vadd.s32 s2, v6;
	s1 =	sshrl.u32 s7, $0x1  }
.LBB2_30:
0x384: {  	_ =	sdelay $0x1  }
0x385: {  	[tilespmem:s24+$0xFFFFF900] =	vst v42  }
0x386: {  	[tilespmem:s24+$0xFFFFF980] =	vst v40  }
0x387: {  	v55 =	vld.idx.msk [tilespmem:v49+s11+$0x0], $0xffff;
	v56 =	vadd.s32 s1, v6;
	[tilespmem:s24+$0xFFFFFF80] =	vst v39;
	s0 =	sshrl.u32 s0, $0x1  }
0x388: {  	v57 =	vld.idx.msk [tilespmem:v47+s11+$0x0], $0xffff;
	v58 =	vadd.s32 s0, v6;
	[tilespmem:s24+$0xFFFFFA80] =	vst v43  }
0x389: {  	v59 =	vld.idx.msk [tilespmem:v46+s11+$0x0], $0xffff;
	[tilespmem:s24+$0xFFFFFA00] =	vst v41  }
0x38a: {  	v60 =	vld.idx.msk [tilespmem:v48+s11+$0x0], $0xffff;
	[tilespmem:s24+$0xFFFFFB00] =	vst v44  }
0x38b: {  	v61 =	vld.idx.msk [tilespmem:v50+s11+$0x0], $0xffff;
	[tilespmem:s24+$0xFFFFFB80] =	vst v45  }
0x38c: {  	v62 =	vld.idx.msk [tilespmem:v56+s11+$0x0], $0xffff;
	[tilespmem:s24+$0xFFFFFC00] =	vst v55  }
0x38d: {  	[tilespmem:s24+$0xFFFFFC80] =	vst v57;
	v63 =	vld.idx.msk [tilespmem:v58+s11+$0x0], $0xffff  }
0x38e: {  	[tilespmem:s24+$0xFFFFFD00] =	vst v59  }
0x38f: {  	[tilespmem:s24+$0xFFFFFD80] =	vst v60  }
0x390: {  	[tilespmem:s24+$0xFFFFFE00] =	vst v61  }
0x391: {  	[tilespmem:s24+$0xFFFFFE80] =	vst v62  }
0x392: {  	[tilespmem:s24+$0xFFFFFF00] =	vst v63  }
0x393: {  	v39 =	vld.idx.msk [tilespmem:v7+s11+$0x0], $0xffff  }
0x394: {  	v40 =	vld.idx.msk [tilespmem:v8+s11+$0x0], $0xffff  }
0x395: {  	v41 =	vld.idx.msk [tilespmem:v9+s11+$0x0], $0xffff  }
0x396: {  	v42 =	vld.idx.msk [tilespmem:v10+s11+$0x0], $0xffff  }
0x397: {  	v43 =	vld.idx.msk [tilespmem:v11+s11+$0x0], $0xffff  }
0x398: {  	v45 =	vld.idx.msk [tilespmem:v12+s11+$0x0], $0xffff;
	[tilespmem:$0xB960] =	vst v39  }
0x399: {  	v46 =	vld.idx.msk [tilespmem:v13+s11+$0x0], $0xffff;
	[tilespmem:$0xB9E0] =	vst v40  }
0x39a: {  	v47 =	vld.idx.msk [tilespmem:v14+s11+$0x0], $0xffff;
	[tilespmem:$0xBA60] =	vst v41  }
0x39b: {  	v48 =	vld.idx.msk [tilespmem:v15+s11+$0x0], $0xffff;
	[tilespmem:$0xBAE0] =	vst v42  }
0x39c: {  	s22 =	simm.s32 $0x0;
	v49 =	vld.idx.msk [tilespmem:v16+s11+$0x0], $0xffff;
	[tilespmem:$0xBB60] =	vst v43  }
0x39d: {  	s1 =	simm.s32 $0x0;
	s8 =	simm.s32 $0x6;
	s9 =	simm.s32 $0x7;
	v50 =	vld.idx.msk [tilespmem:v17+s11+$0x0], $0xffff;
	[tilespmem:$0xBBE0] =	vst v45  }
0x39e: {  	s10 =	simm.s32 $0x8;
	s6 =	simm.s32 $0x4;
	s16 =	simm.s32 $0x5;
	v51 =	vld.idx.msk [tilespmem:v18+s11+$0x0], $0xffff;
	[tilespmem:$0xBC60] =	vst v46  }
0x39f: {  	s17 =	simm.s32 $0x1;
	s18 =	simm.s32 $0x2;
	s12 =	smul.u32 s9, s8;
	v52 =	vld.idx.msk [tilespmem:v19+s11+$0x0], $0xffff;
	[tilespmem:$0xBCE0] =	vst v47  }
0x3a0: {  	s28 =	simm.s32 $0xE;
	s10 =	smul.u32 s10, s9;
	s0 =	simm.s32 $0x3;
	v53 =	vld.idx.msk [tilespmem:v20+s11+$0x0], $0xffff;
	[tilespmem:$0xBD60] =	vst v48  }
0x3a1: {  	s2 =	sand.u32 $0x70, s22;
	s23 =	smul.u32 s6, s0;
	s12 =	sshrl.u32 s12, $0x1;
	v54 =	vld.idx.msk [tilespmem:v21+s11+$0x0], $0xffff;
	[tilespmem:$0xBDE0] =	vst v49  }
0x3a2: {  	s26 =	smul.u32 s16, s6;
	s10 =	sshrl.u32 s10, $0x1;
	s12 =	sadd.s32 s2, s12;
	v55 =	vld.idx.msk [tilespmem:v22+s11+$0x0], $0xffff;
	[tilespmem:$0xBE60] =	vst v50  }
0x3a3: {  	s25 =	smul.u32 s8, s16;
	s10 =	sadd.s32 s2, s10;
	s23 =	sshrl.u32 s23, $0x1;
	v56 =	vadd.s32 s12, v0;
	[tilespmem:$0xBEE0] =	vst v51  }
0x3a4: {  	s26 =	sshrl.u32 s26, $0x1;
	s12 =	smul.u32 s0, s18;
	v57 =	vadd.s32 s10, v0;
	s23 =	sadd.s32 s2, s23;
	[tilespmem:$0xBF60] =	vst v52  }
0x3a5: {  	s26 =	sadd.s32 s2, s26;
	v58 =	vadd.s32 s23, v0;
	s24 =	sshrl.u32 s25, $0x1;
	s25 =	smul.u32 s22, s17;
	[tilespmem:$0xBFE0] =	vst v53  }
0x3a6: {  	v59 =	vadd.s32 s26, v0;
	s23 =	smul.u32 s18, s17;
	s12 =	sshrl.u32 s12, $0x1;
	s26 =	sadd.s32 s2, s24;
	[tilespmem:$0xC060] =	vst v54  }
0x3a7: {  	s31 =	simm.s32 $0xF;
	s12 =	sadd.s32 s2, s12;
	s25 =	sshrl.u32 s25, $0x1;
	v60 =	vadd.s32 s26, v0;
	[tilespmem:$0xC0E0] =	vst v55  }
0x3a8: {  	s29 =	simm.s32 $0xC;
	s23 =	sshrl.u32 s23, $0x1;
	v61 =	vadd.s32 s12, v0;
	s26 =	sadd.s32 s2, s25;
	v62 =	vld.idx.msk [tilespmem:v56+s11+$0x0], $0xffff  }
0x3a9: {  	s7 =	sand.u32 $0x8, s22;
	s9 =	sand.u32 $0xF, s9;
	s2 =	sadd.s32 s2, s23;
	v51 =	vadd.s32 s26, v0;
	v52 =	vld.idx.msk [tilespmem:v57+s11+$0x0], $0xffff  }
0x3aa: {  	s16 =	sand.u32 $0xD, s16;
	s1 =	sand.u32 $0x3FFFFFF0, s1;
	v63 =	vmov s9;
	s24 =	sand.u32 $0xB, s0;
	v53 =	vadd.s32 s2, v0;
	v44 =	vld.idx.msk [tilespmem:v58+s11+$0x0], $0xffff  }
0x3ab: {  	s18 =	sand.u32 $0xA, s18;
	vm1 =	vgt.u32 v63, v0;
	s25 =	simm.s32 $0x8;
	v40 =	vmov s24;
	s24 =	sand.u32 $0xE, s8;
	v50 =	vld.idx.msk [tilespmem:v59+s11+$0x0], $0xffff  }
0x3ac: {  	s12 =	sand.u32 $0x9, s17;
	s0 =	simm.s32 $0xB;
	s17 =	sand.u32 $0x8, s25;
	v39 =	vmov s7;
	v41 =	vmov s18;
	v54 =	vmov s24;
	v47 =	vld.idx.msk [tilespmem:v60+s11+$0x0], $0xffff  }
0x3ad: {  	s1 =	sadd.s32 $0x8100, s1;
	s26 =	sand.u32 $0xB, s0;
	v45 =	vmov s12;
	v42 =	vmov s17;
	s12 =	sand.u32 $0xC, s6;
	v48 =	vld.idx.msk [tilespmem:v61+s11+$0x0], $0xffff;
	vm0 =	vgt.u32 v54, v0  }
0x3ae: {  	s23 =	simm.s32 $0x8500;
	s30 =	sand.u32 $0x70, s25;
	s18 =	simm.s32 $0x10;
	v43 =	vmov s26;
	v55 =	vmov s12;
	v46 =	vld.idx.msk [tilespmem:v51+s11+$0x0], $0xffff;
	v56 =	vnsel vm0, $0x0, v62  }
0x3af: {  	s24 =	simm.s32 $0x8;
	s26 =	simm.s32 $0xD;
	s17 =	smul.u32 s18, s31;
	v49 =	vld.idx.msk [tilespmem:v53+s11+$0x0], $0xffff;
	v51 =	vmov s16;
	vm0 =	vgt.u32 v55, v0;
	v52 =	vnsel vm1, $0x0, v52;
	[tilespmem:s1+$0x300] =	vst v56  }
.LBB2_31:
0x3b0: {  	s16 =	sadd.s32 $0x9, s22;
	s2 =	sadd.s32 $0xA, s22;
	s9 =	smul.u32 s31, s28  }
0x3b1: {  	vm1 =	vgt.u32 v39, v0;
	[tilespmem:s1+$0x380] =	vst v52;
	v39 =	vmov v42;
	s22 =	smov.u32 s25;
	s7 =	smov.u32 s23;
	s8 =	smov.u32 s24  }
0x3b2: {  	s6 =	sadd.s32 $0xB, s25;
	s12 =	smul.u32 s28, s26;
	vm2 =	vgt.u32 v40, v0;
	v42 =	vnsel vm0, $0x0, v50;
	vm0 =	vgt.u32 v51, v0;
	v40 =	vmovc v43;
	s10 =	sand.u32 $0xA, s2  }
0x3b3: {  	s18 =	smul.u32 s29, s0;
	vm3 =	vgt.u32 v41, v0;
	s17 =	sshrl.u32 s17, $0x1;
	s9 =	sshrl.u32 s9, $0x1;
	v41 =	vmov s10;
	[tilespmem:s1+$0x200] =	vst v42;
	v42 =	vnsel vm0, $0x0, v47  }
0x3b4: {  	v44 =	vnsel vm2, $0x0, v44;
	s10 =	smul.u32 s26, s29;
	s17 =	sadd.s32 s30, s17;
	vm0 =	vgt.u32 v45, v0;
	v43 =	vnsel vm3, $0x0, v48;
	s9 =	sadd.s32 s30, s9;
	[tilespmem:s1+$0x280] =	vst v42  }
0x3b5: {  	s0 =	smul.u32 s0, s2;
	s18 =	sshrl.u32 s18, $0x1;
	s12 =	sshrl.u32 s12, $0x1;
	v47 =	vadd.s32 s17, v0;
	v45 =	vnsel vm1, $0x0, v46;
	v42 =	vadd.s32 s9, v0;
	[tilespmem:s1+$0x100] =	vst v43  }
0x3b6: {  	s2 =	smul.u32 s2, s16;
	s9 =	sadd.s32 s30, s18;
	s10 =	sshrl.u32 s10, $0x1;
	v43 =	vnsel vm0, $0x0, v49;
	[tilespmem:s1+$0x180] =	vst v44  }
0x3b7: {  	s17 =	smul.u32 s25, s16;
	s0 =	sshrl.u32 s0, $0x1;
	v44 =	vadd.s32 s9, v0;
	s9 =	sadd.s32 s30, s10;
	[tilespmem:s1+$0x80] =	vst v43  }
0x3b8: {  	s2 =	sshrl.u32 s2, $0x1;
	s0 =	sadd.s32 s30, s0;
	v46 =	vadd.s32 s9, v0;
	s9 =	sadd.s32 s30, s12;
	[tilespmem:s1+$0x0] =	vst v45  }
0x3b9: {  	s2 =	sadd.s32 s30, s2;
	v48 =	vadd.s32 s0, v0;
	s1 =	sshrl.u32 s17, $0x1;
	v49 =	vadd.s32 s9, v0;
	s9 =	sand.u32 $0xF, s31  }
0x3ba: {  	s25 =	sadd.s32 $0x8, s25;
	v51 =	vadd.s32 s2, v0;
	s0 =	sadd.s32 s30, s1;
	s1 =	sand.u32 $0x9, s16;
	v52 =	vld.idx.msk [tilespmem:v42+s11+$0x0], $0xffff  }
0x3bb: {  	p0 =	slt.u32 s25, $0x78;
	s2 =	sand.u32 $0x8, s25;
	v53 =	vadd.s32 s0, v0;
	v45 =	vmov s1;
	s0 =	sand.u32 $0xE, s28;
	v54 =	vld.idx.msk [tilespmem:v47+s11+$0x0], $0xffff  }
0x3bc: {  	v42 =	vmov s2;
	s1 =	sand.u32 $0xB, s6;
	v55 =	vmov s0;
	s0 =	smov.u32 s6;
	v44 =	vld.idx.msk [tilespmem:v44+s11+$0x0], $0xffff  }
.Ltmp26:
0x3bd: {  	s23 =	sadd.s32 $0x400, s23;
	v43 =	vmov s1;
	v50 =	vld.idx.msk [tilespmem:v46+s11+$0x0], $0xffff;
	(pc) =	sbr.rel @p0 .LBB2_31-.Ltmp26, $4  }
0x3be: {  	s24 =	sadd.s32 $0x8, s24;
	s2 =	sand.u32 $0xD, s26;
	s1 =	sand.u32 $0xC, s29;
	v47 =	vld.idx.msk [tilespmem:v49+s11+$0x0], $0xffff  }
0x3bf: {  	s30 =	sand.u32 $0x70, s25;
	s28 =	sadd.s32 $0xE, s22;
	s6 =	sand.u32 $0x3FFFFFF0, s8;
	vm1 =	vgt.u32 v55, v0;
	v55 =	vmov s9;
	v49 =	vmov s1;
	v48 =	vld.idx.msk [tilespmem:v48+s11+$0x0], $0xffff  }
0x3c0: {  	s31 =	sadd.s32 $0xF, s22;
	s8 =	sadd.s32 $0x10, s22;
	s1 =	sadd.s32 s6, s7;
	vm0 =	vgt.u32 v49, v0;
	v52 =	vnsel vm1, $0x0, v52;
	vm1 =	vgt.u32 v55, v0;
	v46 =	vld.idx.msk [tilespmem:v53+s11+$0x0], $0xffff  }
0x3c1: {  	s26 =	sadd.s32 $0xD, s22;
	s29 =	sadd.s32 $0xC, s22;
	s17 =	smul.u32 s8, s31;
	v49 =	vld.idx.msk [tilespmem:v51+s11+$0x0], $0xffff;
	v51 =	vmov s2;
	[tilespmem:s1+$0x300] =	vst v52;
	v52 =	vnsel vm1, $0x0, v54  }
0x3c2: {  	s2 =	smul.u32 s31, s28;
	s7 =	sadd.s32 $0x9, s22  }
0x3c3: {  	s6 =	sadd.s32 $0xA, s22;
	s9 =	smul.u32 s28, s26;
	s10 =	sshrl.u32 s17, $0x1  }
0x3c4: {  	s8 =	smul.u32 s26, s29;
	s2 =	sshrl.u32 s2, $0x1;
	s10 =	sadd.s32 s30, s10  }
0x3c5: {  	s12 =	smul.u32 s0, s6;
	s16 =	sshrl.u32 s9, $0x1;
	s2 =	sadd.s32 s30, s2;
	v54 =	vadd.s32 s10, v0  }
0x3c6: {  	s0 =	smul.u32 s29, s0;
	s8 =	sshrl.u32 s8, $0x1;
	s22 =	sadd.s32 s30, s16;
	v53 =	vadd.s32 s2, v0  }
0x3c7: {  	s17 =	smul.u32 s6, s7;
	s18 =	sshrl.u32 s12, $0x1;
	s2 =	sadd.s32 s30, s8;
	v56 =	vadd.s32 s22, v0  }
0x3c8: {  	v50 =	vnsel vm0, $0x0, v50;
	s25 =	smul.u32 s25, s7;
	s0 =	sshrl.u32 s0, $0x1;
	s10 =	sadd.s32 s30, s18;
	v55 =	vadd.s32 s2, v0  }
0x3c9: {  	[tilespmem:s1+$0x380] =	vst v52;
	vm4 =	vgt.u32 v51, v0;
	vm1 =	vgt.u32 v41, v0;
	s12 =	sshrl.u32 s17, $0x1;
	s0 =	sadd.s32 s30, s0;
	v63 =	vadd.s32 s10, v0  }
0x3ca: {  	vm5 =	vgt.u32 v40, v0;
	[tilespmem:s1+$0x200] =	vst v50;
	v52 =	vnsel vm4, $0x0, v47;
	s16 =	sshrl.u32 s25, $0x1;
	v47 =	vadd.s32 s0, v0;
	s2 =	sadd.s32 s30, s12;
	v57 =	vld.idx.msk [tilespmem:v54+s11+$0x0], $0xffff  }
0x3cb: {  	vm7 =	vgt.u32 v39, v0;
	v44 =	vnsel vm5, $0x0, v44;
	[tilespmem:s1+$0x280] =	vst v52;
	s0 =	sadd.s32 s30, s16;
	v41 =	vadd.s32 s2, v0;
	v50 =	vld.idx.msk [tilespmem:v53+s11+$0x0], $0xffff  }
0x3cc: {  	vm6 =	vgt.u32 v45, v0;
	[tilespmem:s1+$0x180] =	vst v44;
	v46 =	vnsel vm7, $0x0, v46;
	s18 =	sand.u32 $0xF, s31;
	v58 =	vadd.s32 s0, v0;
	v62 =	vld.idx.msk [tilespmem:v56+s11+$0x0], $0xffff  }
0x3cd: {  	s17 =	sand.u32 $0xE, s28;
	v60 =	vnsel vm6, $0x0, v49;
	[tilespmem:s1+$0x0] =	vst v46;
	v52 =	vmov s18;
	v59 =	vld.idx.msk [tilespmem:v55+s11+$0x0], $0xffff  }
0x3ce: {  	s24 =	sand.u32 $0x3FFFFFF0, s24;
	s25 =	sand.u32 $0xD, s26;
	v61 =	vmov s17;
	[tilespmem:s1+$0x80] =	vst v60;
	vm9 =	vgt.u32 v52, v0;
	v53 =	vnsel vm1, $0x0, v48;
	v63 =	vld.idx.msk [tilespmem:v63+s11+$0x0], $0xffff  }
0x3cf: {  	s26 =	sadd.s32 s24, s23;
	s22 =	sand.u32 $0xC, s29;
	vm8 =	vgt.u32 v61, v0;
	[tilespmem:s1+$0x100] =	vst v53;
	v53 =	vld.idx.msk [tilespmem:v47+s11+$0x0], $0xffff;
	v55 =	vmov s25;
	v56 =	vnsel vm9, $0x0, v57  }
0x3d0: {  	s28 =	sand.u32 $0xA, s6;
	v54 =	vmov s22;
	v41 =	vld.idx.msk [tilespmem:v41+s11+$0x0], $0xffff;
	vm11 =	vgt.u32 v55, v0;
	v50 =	vnsel vm8, $0x0, v50;
	[tilespmem:s26+$0x380] =	vst v56  }
0x3d1: {  	vm10 =	vgt.u32 v54, v0;
	v40 =	vld.idx.msk [tilespmem:v58+s11+$0x0], $0xffff;
	v57 =	vmov s28;
	v44 =	vnsel vm11, $0x0, v62;
	[tilespmem:s26+$0x300] =	vst v50  }
0x3d2: {  	s29 =	sand.u32 $0x9, s7;
	vm12 =	vgt.u32 v57, v0;
	v45 =	vnsel vm10, $0x0, v59;
	[tilespmem:s26+$0x280] =	vst v44  }
0x3d3: {  	vm13 =	vgt.u32 v43, v0;
	v58 =	vmov s29;
	v39 =	vnsel vm12, $0x0, v63;
	[tilespmem:s26+$0x200] =	vst v45  }
0x3d4: {  	vm14 =	vgt.u32 v58, v0;
	v43 =	vnsel vm13, $0x0, v53;
	[tilespmem:s26+$0x100] =	vst v39  }
0x3d5: {  	vm15 =	vgt.u32 v42, v0;
	v59 =	vnsel vm14, $0x0, v41;
	[tilespmem:s26+$0x180] =	vst v43  }
0x3d6: {  	v40 =	vnsel vm15, $0x0, v40;
	[tilespmem:s26+$0x80] =	vst v59  }
0x3d7: {  	[tilespmem:s26+$0x0] =	vst v40  }
0x3d8: {  	v39 =	vld.idx.msk [tilespmem:v23+s11+$0x0], $0xffff;
	_ =	sdelay $0x4  }
0x3d9: {  	v60 =	vand.u32 $0x7FFFFFFF, v39  }
0x3da: {  	v40 =	vsub.f32 $0.0e+00, v60;
	_ =	sdelay $0x1  }
0x3db: {  	v40 =	vmul.f32 $1.442695020e+00, v40;
	_ =	sdelay $0x1  }
0x3dc: {  	(erf) = vpow2.f32 v40;
	_ =	sdelay $0x8  }
0x3dd: {  	v40 =	vpop (erf)  }
0x3de: {  	v61 =	vadd.f32 $2.000000000e+00, v40;
	_ =	sdelay $0x1  }
0x3df: {  	(erf) = vrcp.f32 v61;
	_ =	sdelay $0x8  }
0x3e0: {  	v41 =	vpop (erf)  }
0x3e1: {  	v40 =	vmul.f32 v41, v40;
	_ =	sdelay $0x1  }
0x3e2: {  	v41 =	vmul.f32 v40, v40;
	_ =	sdelay $0x1  }
0x3e3: {  	v62 =	vmul.f32 $1.111111120e-01, v41;
	_ =	sdelay $0x1  }
0x3e4: {  	v42 =	vadd.f32 $1.428571490e-01, v62;
	_ =	sdelay $0x1  }
0x3e5: {  	v42 =	vmul.f32 v42, v41;
	_ =	sdelay $0x1  }
0x3e6: {  	v42 =	vadd.f32 $2.000000030e-01, v42;
	_ =	sdelay $0x1  }
0x3e7: {  	v42 =	vmul.f32 v42, v41;
	_ =	sdelay $0x1  }
0x3e8: {  	v42 =	vadd.f32 $3.333333430e-01, v42;
	_ =	sdelay $0x1  }
0x3e9: {  	v41 =	vmul.f32 v42, v41;
	_ =	sdelay $0x1  }
0x3ea: {  	v40 =	vadd.f32 v40, v40;
	v41 =	vadd.f32 $1.000000000e+00, v41;
	_ =	sdelay $0x1  }
0x3eb: {  	v40 =	vmul.f32 v41, v40  }
0x3ec: {  	v39 =	vmax.f32 v39, $0.0e+00  }
0x3ed: {  	v39 =	vadd.f32 v40, v39;
	_ =	sdelay $0x1  }
0x3ee: {  	[tilespmem:v24+s15+$0x0] =	vst.idx.msk $0xffff, v39  }
0x3ef: {  	v39 =	vld.idx.msk [tilespmem:v25+s11+$0x0], $0xffff;
	_ =	sdelay $0x4  }
0x3f0: {  	v63 =	vand.u32 $0x7FFFFFFF, v39  }
0x3f1: {  	v40 =	vsub.f32 $0.0e+00, v63;
	_ =	sdelay $0x1  }
0x3f2: {  	v40 =	vmul.f32 $1.442695020e+00, v40;
	_ =	sdelay $0x1  }
0x3f3: {  	(erf) = vpow2.f32 v40;
	_ =	sdelay $0x8  }
0x3f4: {  	v40 =	vpop (erf)  }
0x3f5: {  	v44 =	vadd.f32 $2.000000000e+00, v40;
	_ =	sdelay $0x1  }
0x3f6: {  	(erf) = vrcp.f32 v44;
	_ =	sdelay $0x8  }
0x3f7: {  	v41 =	vpop (erf)  }
0x3f8: {  	v40 =	vmul.f32 v41, v40;
	_ =	sdelay $0x1  }
0x3f9: {  	v41 =	vmul.f32 v40, v40;
	_ =	sdelay $0x1  }
0x3fa: {  	v45 =	vmul.f32 $1.111111120e-01, v41;
	_ =	sdelay $0x1  }
0x3fb: {  	v42 =	vadd.f32 $1.428571490e-01, v45;
	_ =	sdelay $0x1  }
0x3fc: {  	v42 =	vmul.f32 v42, v41;
	_ =	sdelay $0x1  }
0x3fd: {  	v42 =	vadd.f32 $2.000000030e-01, v42;
	_ =	sdelay $0x1  }
0x3fe: {  	v42 =	vmul.f32 v42, v41;
	_ =	sdelay $0x1  }
0x3ff: {  	v42 =	vadd.f32 $3.333333430e-01, v42;
	_ =	sdelay $0x1  }
0x400: {  	v41 =	vmul.f32 v42, v41;
	_ =	sdelay $0x1  }
0x401: {  	v40 =	vadd.f32 v40, v40;
	v41 =	vadd.f32 $1.000000000e+00, v41;
	_ =	sdelay $0x1  }
0x402: {  	v40 =	vmul.f32 v41, v40  }
0x403: {  	v39 =	vmax.f32 v39, $0.0e+00  }
0x404: {  	v39 =	vadd.f32 v40, v39;
	_ =	sdelay $0x1  }
0x405: {  	[tilespmem:v26+s15+$0x0] =	vst.idx.msk $0xffff, v39  }
0x406: {  	v39 =	vld.idx.msk [tilespmem:v27+s11+$0x0], $0xffff;
	_ =	sdelay $0x4  }
0x407: {  	v46 =	vand.u32 $0x7FFFFFFF, v39  }
0x408: {  	v40 =	vsub.f32 $0.0e+00, v46;
	_ =	sdelay $0x1  }
0x409: {  	v40 =	vmul.f32 $1.442695020e+00, v40;
	_ =	sdelay $0x1  }
0x40a: {  	(erf) = vpow2.f32 v40;
	_ =	sdelay $0x8  }
0x40b: {  	v40 =	vpop (erf)  }
0x40c: {  	v47 =	vadd.f32 $2.000000000e+00, v40;
	_ =	sdelay $0x1  }
0x40d: {  	(erf) = vrcp.f32 v47;
	_ =	sdelay $0x8  }
0x40e: {  	v41 =	vpop (erf)  }
0x40f: {  	v40 =	vmul.f32 v41, v40;
	_ =	sdelay $0x1  }
0x410: {  	v41 =	vmul.f32 v40, v40;
	_ =	sdelay $0x1  }
0x411: {  	v48 =	vmul.f32 $1.111111120e-01, v41;
	_ =	sdelay $0x1  }
0x412: {  	v42 =	vadd.f32 $1.428571490e-01, v48;
	_ =	sdelay $0x1  }
0x413: {  	v42 =	vmul.f32 v42, v41;
	_ =	sdelay $0x1  }
0x414: {  	v42 =	vadd.f32 $2.000000030e-01, v42;
	_ =	sdelay $0x1  }
0x415: {  	v42 =	vmul.f32 v42, v41;
	_ =	sdelay $0x1  }
0x416: {  	v42 =	vadd.f32 $3.333333430e-01, v42;
	_ =	sdelay $0x1  }
0x417: {  	v41 =	vmul.f32 v42, v41;
	_ =	sdelay $0x1  }
0x418: {  	v40 =	vadd.f32 v40, v40;
	v41 =	vadd.f32 $1.000000000e+00, v41;
	_ =	sdelay $0x1  }
0x419: {  	v40 =	vmul.f32 v41, v40  }
0x41a: {  	v39 =	vmax.f32 v39, $0.0e+00  }
0x41b: {  	v39 =	vadd.f32 v40, v39;
	_ =	sdelay $0x1  }
0x41c: {  	[tilespmem:v28+s15+$0x0] =	vst.idx.msk $0xffff, v39  }
0x41d: {  	v39 =	vld.idx.msk [tilespmem:v29+s11+$0x0], $0xffff;
	_ =	sdelay $0x4  }
0x41e: {  	v49 =	vand.u32 $0x7FFFFFFF, v39  }
0x41f: {  	v40 =	vsub.f32 $0.0e+00, v49;
	_ =	sdelay $0x1  }
0x420: {  	v40 =	vmul.f32 $1.442695020e+00, v40;
	_ =	sdelay $0x1  }
0x421: {  	(erf) = vpow2.f32 v40;
	_ =	sdelay $0x8  }
0x422: {  	v40 =	vpop (erf)  }
0x423: {  	v50 =	vadd.f32 $2.000000000e+00, v40;
	_ =	sdelay $0x1  }
0x424: {  	(erf) = vrcp.f32 v50;
	_ =	sdelay $0x8  }
0x425: {  	v41 =	vpop (erf)  }
0x426: {  	v40 =	vmul.f32 v41, v40;
	_ =	sdelay $0x1  }
0x427: {  	v41 =	vmul.f32 v40, v40;
	_ =	sdelay $0x1  }
0x428: {  	v51 =	vmul.f32 $1.111111120e-01, v41;
	_ =	sdelay $0x1  }
0x429: {  	v42 =	vadd.f32 $1.428571490e-01, v51;
	_ =	sdelay $0x1  }
0x42a: {  	v42 =	vmul.f32 v42, v41;
	_ =	sdelay $0x1  }
0x42b: {  	v42 =	vadd.f32 $2.000000030e-01, v42;
	_ =	sdelay $0x1  }
0x42c: {  	v42 =	vmul.f32 v42, v41;
	_ =	sdelay $0x1  }
0x42d: {  	v42 =	vadd.f32 $3.333333430e-01, v42;
	_ =	sdelay $0x1  }
0x42e: {  	v41 =	vmul.f32 v42, v41;
	_ =	sdelay $0x1  }
0x42f: {  	v40 =	vadd.f32 v40, v40;
	v41 =	vadd.f32 $1.000000000e+00, v41;
	_ =	sdelay $0x1  }
0x430: {  	v40 =	vmul.f32 v41, v40  }
0x431: {  	v39 =	vmax.f32 v39, $0.0e+00  }
0x432: {  	v39 =	vadd.f32 v40, v39;
	_ =	sdelay $0x1  }
0x433: {  	[tilespmem:v30+s15+$0x0] =	vst.idx.msk $0xffff, v39  }
0x434: {  	v39 =	vld.idx.msk [tilespmem:v31+s11+$0x0], $0xffff;
	_ =	sdelay $0x4  }
0x435: {  	v52 =	vand.u32 $0x7FFFFFFF, v39  }
0x436: {  	v40 =	vsub.f32 $0.0e+00, v52;
	_ =	sdelay $0x1  }
0x437: {  	v40 =	vmul.f32 $1.442695020e+00, v40;
	_ =	sdelay $0x1  }
0x438: {  	(erf) = vpow2.f32 v40;
	_ =	sdelay $0x8  }
0x439: {  	v40 =	vpop (erf)  }
0x43a: {  	v53 =	vadd.f32 $2.000000000e+00, v40;
	_ =	sdelay $0x1  }
0x43b: {  	(erf) = vrcp.f32 v53;
	_ =	sdelay $0x8  }
0x43c: {  	v41 =	vpop (erf)  }
0x43d: {  	v40 =	vmul.f32 v41, v40;
	_ =	sdelay $0x1  }
0x43e: {  	v41 =	vmul.f32 v40, v40;
	_ =	sdelay $0x1  }
0x43f: {  	v54 =	vmul.f32 $1.111111120e-01, v41;
	_ =	sdelay $0x1  }
0x440: {  	v42 =	vadd.f32 $1.428571490e-01, v54;
	_ =	sdelay $0x1  }
0x441: {  	v42 =	vmul.f32 v42, v41;
	_ =	sdelay $0x1  }
0x442: {  	v42 =	vadd.f32 $2.000000030e-01, v42;
	_ =	sdelay $0x1  }
0x443: {  	v42 =	vmul.f32 v42, v41;
	_ =	sdelay $0x1  }
0x444: {  	v42 =	vadd.f32 $3.333333430e-01, v42;
	_ =	sdelay $0x1  }
0x445: {  	v41 =	vmul.f32 v42, v41;
	_ =	sdelay $0x1  }
0x446: {  	v40 =	vadd.f32 v40, v40;
	v41 =	vadd.f32 $1.000000000e+00, v41;
	_ =	sdelay $0x1  }
0x447: {  	v40 =	vmul.f32 v41, v40  }
0x448: {  	v39 =	vmax.f32 v39, $0.0e+00  }
0x449: {  	v39 =	vadd.f32 v40, v39;
	_ =	sdelay $0x1  }
0x44a: {  	[tilespmem:v32+s15+$0x0] =	vst.idx.msk $0xffff, v39  }
0x44b: {  	v39 =	vld.idx.msk [tilespmem:v33+s11+$0x0], $0xffff;
	_ =	sdelay $0x4  }
0x44c: {  	v55 =	vand.u32 $0x7FFFFFFF, v39  }
0x44d: {  	v40 =	vsub.f32 $0.0e+00, v55;
	_ =	sdelay $0x1  }
0x44e: {  	v40 =	vmul.f32 $1.442695020e+00, v40;
	_ =	sdelay $0x1  }
0x44f: {  	(erf) = vpow2.f32 v40;
	_ =	sdelay $0x8  }
0x450: {  	v40 =	vpop (erf)  }
0x451: {  	v56 =	vadd.f32 $2.000000000e+00, v40;
	_ =	sdelay $0x1  }
0x452: {  	(erf) = vrcp.f32 v56;
	_ =	sdelay $0x8  }
0x453: {  	v41 =	vpop (erf)  }
0x454: {  	v40 =	vmul.f32 v41, v40;
	_ =	sdelay $0x1  }
0x455: {  	v41 =	vmul.f32 v40, v40;
	_ =	sdelay $0x1  }
0x456: {  	v57 =	vmul.f32 $1.111111120e-01, v41;
	_ =	sdelay $0x1  }
0x457: {  	v42 =	vadd.f32 $1.428571490e-01, v57;
	_ =	sdelay $0x1  }
0x458: {  	v42 =	vmul.f32 v42, v41;
	_ =	sdelay $0x1  }
0x459: {  	v42 =	vadd.f32 $2.000000030e-01, v42;
	_ =	sdelay $0x1  }
0x45a: {  	v42 =	vmul.f32 v42, v41;
	_ =	sdelay $0x1  }
0x45b: {  	v42 =	vadd.f32 $3.333333430e-01, v42;
	_ =	sdelay $0x1  }
0x45c: {  	v41 =	vmul.f32 v42, v41;
	_ =	sdelay $0x1  }
0x45d: {  	v40 =	vadd.f32 v40, v40;
	v41 =	vadd.f32 $1.000000000e+00, v41;
	_ =	sdelay $0x1  }
0x45e: {  	v40 =	vmul.f32 v41, v40  }
0x45f: {  	v39 =	vmax.f32 v39, $0.0e+00  }
0x460: {  	v39 =	vadd.f32 v40, v39;
	_ =	sdelay $0x1  }
0x461: {  	[tilespmem:v34+s15+$0x0] =	vst.idx.msk $0xffff, v39  }
0x462: {  	v39 =	vld.idx.msk [tilespmem:v35+s11+$0x0], $0xffff;
	_ =	sdelay $0x4  }
0x463: {  	v58 =	vand.u32 $0x7FFFFFFF, v39  }
0x464: {  	v40 =	vsub.f32 $0.0e+00, v58;
	_ =	sdelay $0x1  }
0x465: {  	v40 =	vmul.f32 $1.442695020e+00, v40;
	_ =	sdelay $0x1  }
0x466: {  	(erf) = vpow2.f32 v40;
	_ =	sdelay $0x8  }
0x467: {  	v40 =	vpop (erf)  }
0x468: {  	v59 =	vadd.f32 $2.000000000e+00, v40;
	_ =	sdelay $0x1  }
0x469: {  	(erf) = vrcp.f32 v59;
	_ =	sdelay $0x8  }
0x46a: {  	v41 =	vpop (erf)  }
0x46b: {  	v40 =	vmul.f32 v41, v40;
	_ =	sdelay $0x1  }
0x46c: {  	v41 =	vmul.f32 v40, v40;
	_ =	sdelay $0x1  }
0x46d: {  	v60 =	vmul.f32 $1.111111120e-01, v41;
	_ =	sdelay $0x1  }
0x46e: {  	v42 =	vadd.f32 $1.428571490e-01, v60;
	_ =	sdelay $0x1  }
0x46f: {  	v42 =	vmul.f32 v42, v41;
	_ =	sdelay $0x1  }
0x470: {  	v42 =	vadd.f32 $2.000000030e-01, v42;
	_ =	sdelay $0x1  }
0x471: {  	v42 =	vmul.f32 v42, v41;
	_ =	sdelay $0x1  }
0x472: {  	v42 =	vadd.f32 $3.333333430e-01, v42;
	_ =	sdelay $0x1  }
0x473: {  	v41 =	vmul.f32 v42, v41;
	_ =	sdelay $0x1  }
0x474: {  	v40 =	vadd.f32 v40, v40;
	v41 =	vadd.f32 $1.000000000e+00, v41;
	_ =	sdelay $0x1  }
0x475: {  	v40 =	vmul.f32 v41, v40  }
0x476: {  	v39 =	vmax.f32 v39, $0.0e+00  }
0x477: {  	v39 =	vadd.f32 v40, v39;
	_ =	sdelay $0x1  }
0x478: {  	[tilespmem:v36+s15+$0x0] =	vst.idx.msk $0xffff, v39  }
0x479: {  	v39 =	vld.idx.msk [tilespmem:v37+s11+$0x0], $0xffff;
	_ =	sdelay $0x4  }
0x47a: {  	v61 =	vand.u32 $0x7FFFFFFF, v39  }
0x47b: {  	v40 =	vsub.f32 $0.0e+00, v61;
	_ =	sdelay $0x1  }
0x47c: {  	v40 =	vmul.f32 $1.442695020e+00, v40;
	_ =	sdelay $0x1  }
0x47d: {  	(erf) = vpow2.f32 v40;
	_ =	sdelay $0x8  }
0x47e: {  	v40 =	vpop (erf)  }
0x47f: {  	v62 =	vadd.f32 $2.000000000e+00, v40;
	_ =	sdelay $0x1  }
0x480: {  	(erf) = vrcp.f32 v62;
	_ =	sdelay $0x8  }
0x481: {  	v41 =	vpop (erf)  }
0x482: {  	v40 =	vmul.f32 v41, v40;
	_ =	sdelay $0x1  }
0x483: {  	v41 =	vmul.f32 v40, v40;
	_ =	sdelay $0x1  }
0x484: {  	v63 =	vmul.f32 $1.111111120e-01, v41;
	_ =	sdelay $0x1  }
0x485: {  	v42 =	vadd.f32 $1.428571490e-01, v63;
	_ =	sdelay $0x1  }
0x486: {  	v42 =	vmul.f32 v42, v41;
	_ =	sdelay $0x1  }
0x487: {  	v42 =	vadd.f32 $2.000000030e-01, v42;
	_ =	sdelay $0x1  }
0x488: {  	v42 =	vmul.f32 v42, v41;
	_ =	sdelay $0x1  }
0x489: {  	v42 =	vadd.f32 $3.333333430e-01, v42;
	_ =	sdelay $0x1  }
0x48a: {  	v41 =	vmul.f32 v42, v41;
	_ =	sdelay $0x1  }
0x48b: {  	v40 =	vadd.f32 v40, v40;
	v41 =	vadd.f32 $1.000000000e+00, v41;
	_ =	sdelay $0x1  }
0x48c: {  	v40 =	vmul.f32 v41, v40  }
.Ltmp27:
0x48d: {  	v39 =	vmax.f32 v39, $0.0e+00;
	(pc) =	sbr.rel @p1 .LBB2_34-.Ltmp27, $4  }
0x48e: {  	v39 =	vadd.f32 v40, v39  }
0x48f: {  	s31 =	rddreg [dreg:$0x1];
	s30 =	sshll.u32 s21, $0xB  }
0x490: {  	s0 =	sadd.s32 s31, s30;
	[tilespmem:v38+s15+$0x0] =	vst.idx.msk $0xffff, v39  }
0x491: {  	[hbm4b:s0+s4] =	stream.linear.scatter [tilespmem:s15], [sflag:$0x4], $0x4000, $0x38;
	[tilespmem:$0xC100] =	vst v63  }
0x492: {  	s0 =	sadd.s32 $0x3, s20  }
0x493: {  	s1 =	sadd.s32 s3, s0  }
0x494: {  	s1 =	sshrl.u32 s1, $0x3  }
0x495: {  	s0 =	sshll.u32 s0, $0x7;
	s1 =	smul.u32 $0x10400, s1  }
.Ltmp28:
0x496: {  	s0 =	sand.u32 $0x380, s0;
	(pc) =	sbr.rel .LBB2_4-.Ltmp28, $4  }
0x497: {  	s0 =	sor.u32 s0, s1  }
0x498: {  	s31 =	simm.s32 $0x80;
	s0 =	sshrl.u32 s0, $0x3  }
0x499: {  	s2 =	simm.s32 $0x400;
	s19 =	sadd.s32 $0x1, s19;
	s0 =	sadd.s32 s5, s0  }
0x49a: {  	[tilespmem:s11], [sflag:$0x2] =	stream.strided.gather [hbm4b:s0+s31], $0x2080, s2, s31, $0x38;
	[tilespmem:$0xC100] =	vst v63  }
.LBB2_35:
0x49b: {  	_ =	sfence.sel $0x180000  }
0x49c: {  	[bflag:$0x0] =	sbarrier.arrive $0xFFFF  }
0x49d: {  	_ =	strace $0x90000047  }
0x49e: {  	s0 =	stileid.u32;
	[bflag:$0x2] =	sbarrier.arrive $0xFFFF  }
0x49f: {  	p0 =	sne.s32 s0, $0x0;
	s0 =	rddreg [dreg:$0x2]  }
0x4a0: {  	s0 =	sadd.s32 @!p0 $0x100000, s0  }
0x4a1: {  	[sflag:s0] =	ssyncadd.tile.s32 @!p0 $0x1;
	_ =	shalt  }
.Lfunc_end2:
_tile_overlayer_lowered:
.L_overlay_start_2:
0x4a2: {  	(tag) =	ssettag $0x2  }
0x4a3: {  	s0 =	rddreg [dreg:$0x0];
	s2 =	stileid.u32  }
0x4a4: {  	s1 =	rddreg [dreg:$0x1];
	p0 =	sne.s32 s2, $0x0  }
0x4a5: {  	s3 =	rddreg [dreg:$0x2];
	[bflag:$0x3] =	sbarrier.arrive $0xFFFF;
	s2 =	simm.s32 @!p0 $0x1C05  }
0x4a6: {  	[timem:s3], [sflag:s2] =	dma.local @!p0 [hbm:s0], s1  }
0x4a7: {  	s0 =	simm.s32 @!p0 $0x5  }
0x4a8: {  	_ =	swait.ge @!p0 [sflag:s0], s1  }
0x4a9: {  	s1 =	ssub.s32 @!p0 $0x0, s1;
	[sflag:s0] =	ssyncset.done @!p0 $0x0  }
0x4aa: {  	[sflag:s0] =	ssyncadd.s32 @!p0 s1  }
0x4ab: {  	[bflag:$0x3] =	sbarrier.arrive $0xFFFF  }
0x4ac: {  	_ =	shalt  }

</sc_bundles>
